<compile_context>
chip_gen: v7x
topology: tpu7x:2x2x1
jax: 0.10.2.dev20260603
libtpu: 0.0.44.dev20260713+nightly
codegen_flags: <defaults>
</compile_context>

<pallas_src>
import functools

import jax
import jax.numpy as jnp
from jax import lax
from jax.experimental import pallas as pl
from jax.experimental.pallas import tpu as pltpu
from jax.experimental.pallas import tpu_sc as plsc

N = 10000
E = 320000
D = 128
H = 256
HH = H // 2
G = 128
C = 16

NC = 2
NS = 16
CHUNK = 128
NCH = 160
EP = NCH * NS * CHUNK
EPT = EP // NS
EPW = EP // (NC * NS)
DCH = EPW // CHUNK
NJUNK = 16
NPAD = 10112
RPT = NPAD // NS


def _deg_body(dst2_hbm, ones_hbm, zero_hbm, out0, out1, didx2, ones_v, acc,
              sem):
    c = lax.axis_index("c")
    s = lax.axis_index("s")
    pltpu.sync_copy(zero_hbm, acc.at[pl.ds(s * RPT, RPT)])
    pltpu.sync_copy(ones_hbm, ones_v)
    w = c * NS + s
    pltpu.sync_copy(dst2_hbm.at[pl.ds(w * DCH, DCH)], didx2)
    plsc.subcore_barrier()

    def fire(j, carry):
        pltpu.make_async_copy(ones_v, acc.at[didx2.at[j]], sem).start(add=True)
        return carry

    def drain(j, carry):
        pltpu.make_async_copy(ones_v, acc.at[didx2.at[j]], sem).wait()
        return carry

    lax.fori_loop(0, DCH, fire, 0)
    lax.fori_loop(0, DCH, drain, 0)
    plsc.subcore_barrier()

    @pl.when(c == 0)
    def _():
        pltpu.sync_copy(acc.at[pl.ds(s * RPT, RPT)], out0.at[pl.ds(s * RPT, RPT)])

    @pl.when(c == 1)
    def _():
        pltpu.sync_copy(acc.at[pl.ds(s * RPT, RPT)], out1.at[pl.ds(s * RPT, RPT)])


def _scatter_body(u0_hbm, u1_hbm, src2_hbm, dst2_hbm, zero_hbm,
                  out0, out1, sidx, didx, rows, acc,
                  gsem0, gsem1, isem0, isem1, ssem0, ssem1):
    c = lax.axis_index("c")
    s = lax.axis_index("s")
    gsems = (gsem0, gsem1)
    isems = (isem0, isem1)
    ssems = (ssem0, ssem1)
    pltpu.sync_copy(zero_hbm, acc.at[pl.ds(s * RPT, RPT)])
    plsc.subcore_barrier()

    def idxload(j, b):
        pltpu.async_copy(src2_hbm.at[s * NCH + j], sidx.at[b], isems[b])
        pltpu.async_copy(dst2_hbm.at[s * NCH + j], didx.at[b], isems[b])

    def idxwait(b):
        pltpu.make_async_copy(src2_hbm.at[0], sidx.at[b], isems[b]).wait()
        pltpu.make_async_copy(dst2_hbm.at[0], didx.at[b], isems[b]).wait()

    def gather(b):
        @pl.when(c == 0)
        def _():
            pltpu.async_copy(u0_hbm.at[sidx.at[b]], rows.at[b], gsems[b])

        @pl.when(c == 1)
        def _():
            pltpu.async_copy(u1_hbm.at[sidx.at[b]], rows.at[b], gsems[b])

    def gwait(b):
        pltpu.make_async_copy(u0_hbm.at[sidx.at[b]], rows.at[b],
                              gsems[b]).wait()

    idxload(0, 0)
    idxload(1, 1)
    idxwait(0)
    gather(0)

    def body(j2, carry):
        for b in range(2):
            j = j2 * 2 + b

            @pl.when(j + 1 < NCH)
            def _():
                idxwait(1 - b)
                gather(1 - b)

            gwait(b)
            pltpu.sync_copy(rows.at[b], acc.at[didx.at[b]], add=True)

            @pl.when(j + 2 < NCH)
            def _():
                idxload(j + 2, b)
        return carry

    lax.fori_loop(0, NCH // 2, body, 0)
    plsc.subcore_barrier()

    @pl.when(c == 0)
    def _():
        pltpu.sync_copy(acc.at[pl.ds(s * RPT, RPT)], out0.at[pl.ds(s * RPT, RPT)])

    @pl.when(c == 1)
    def _():
        pltpu.sync_copy(acc.at[pl.ds(s * RPT, RPT)], out1.at[pl.ds(s * RPT, RPT)])


@functools.lru_cache(maxsize=None)
def _sc_kernels():
    mesh = plsc.VectorSubcoreMesh(
        core_axis_name="c", subcore_axis_name="s",
        num_cores=NC, num_subcores=NS)
    deg_k = pl.kernel(
        _deg_body,
        out_type=(jax.ShapeDtypeStruct((NPAD, HH), jnp.float32),
                  jax.ShapeDtypeStruct((NPAD, HH), jnp.float32)),
        mesh=mesh,
        scratch_types=[
            pltpu.VMEM((DCH, CHUNK), jnp.int32),
            pltpu.VMEM((CHUNK, HH), jnp.float32),
            pltpu.VMEM_SHARED((NPAD, HH), jnp.float32),
            pltpu.SemaphoreType.DMA,
        ],
    )
    scat_k = pl.kernel(
        _scatter_body,
        out_type=(jax.ShapeDtypeStruct((NPAD, HH), jnp.float32),
                  jax.ShapeDtypeStruct((NPAD, HH), jnp.float32)),
        mesh=mesh,
        scratch_types=[
            pltpu.VMEM((2, CHUNK), jnp.int32),
            pltpu.VMEM((2, CHUNK), jnp.int32),
            pltpu.VMEM((2, CHUNK, HH), jnp.float32),
            pltpu.VMEM_SHARED((NPAD, HH), jnp.float32),
            pltpu.SemaphoreType.DMA,
            pltpu.SemaphoreType.DMA,
            pltpu.SemaphoreType.DMA,
            pltpu.SemaphoreType.DMA,
            pltpu.SemaphoreType.DMA,
            pltpu.SemaphoreType.DMA,
        ],
    )
    return deg_k, scat_k



def _mm0_body(x_ref, w_ref, o_ref):
    o_ref[...] = jnp.dot(x_ref[...], w_ref[...],
                         preferred_element_type=jnp.float32)


def _scale_body(deg0_ref, deg1_ref, hw_ref, o0_ref, o1_ref, dinv_ref):
    deg = deg0_ref[...][:N, 0:1] + deg1_ref[...][:N, 0:1]
    dinv = lax.rsqrt(deg + 1.0)
    u = hw_ref[...] * dinv
    o0_ref[...] = u[:, :HH]
    o1_ref[...] = u[:, HH:]
    dinv_ref[...] = jnp.broadcast_to(dinv, (N, 8))


def _epi_body(dinv_ref, a0_ref, a1_ref, u0_ref, u1_ref, b_ref, g_ref, be_ref,
              w_ref, o0_ref, o1_ref):
    dinv = dinv_ref[...][:, 0:1]
    acc = jnp.concatenate([a0_ref[...][:N], a1_ref[...][:N]], axis=1)
    u = jnp.concatenate([u0_ref[...], u1_ref[...]], axis=1)
    conv = dinv * (acc + u) + b_ref[...]
    h = jnp.maximum(conv, 0.0)
    m = jnp.mean(h, axis=0, keepdims=True)
    v = jnp.mean((h - m) * (h - m), axis=0, keepdims=True)
    hbn = g_ref[...] * (h - m) * lax.rsqrt(v + 1e-5) + be_ref[...]
    un = jnp.dot(hbn, w_ref[...], preferred_element_type=jnp.float32) * dinv
    o0_ref[...] = un[:, :HH]
    o1_ref[...] = un[:, HH:]


def _head_body(dinv_ref, a0_ref, a1_ref, u0_ref, u1_ref, b_ref, batch_ref,
               y_ref, muw_ref, mub_ref, sgw_ref, sgb_ref, f1w_ref, f1b_ref,
               f2w_ref, f2b_ref, logits_ref, loss_ref):
    dinv = dinv_ref[...][:, 0:1]
    acc = jnp.concatenate([a0_ref[...][:N], a1_ref[...][:N]], axis=1)
    u = jnp.concatenate([u0_ref[...], u1_ref[...]], axis=1)
    h = jnp.maximum(dinv * (acc + u) + b_ref[...], 0.0)
    gids = lax.broadcasted_iota(jnp.int32, (1, G), 1)
    p = (batch_ref[...] == gids).astype(jnp.float32)
    psum = lax.dot_general(p, h, (((0,), (0,)), ((), ())),
                           preferred_element_type=jnp.float32)
    ones = jnp.full((N, 1), 1.0, jnp.float32)
    cnt = lax.dot_general(p, ones, (((0,), (0,)), ((), ())),
                          preferred_element_type=jnp.float32)
    pooled = psum / jnp.maximum(cnt, 1.0)
    mu = jnp.dot(pooled, muw_ref[...], preferred_element_type=jnp.float32) \
        + mub_ref[...]
    sp = jnp.dot(pooled, sgw_ref[...], preferred_element_type=jnp.float32) \
        + sgb_ref[...]
    sigma = jnp.maximum(sp, 0.0) + jnp.log(1.0 + jnp.exp(-jnp.abs(sp)))
    ms = jnp.concatenate([mu, sigma], axis=1)
    hid = jnp.maximum(
        jnp.dot(ms, f1w_ref[...], preferred_element_type=jnp.float32)
        + f1b_ref[...], 0.0)
    logits = jnp.dot(hid, f2w_ref[...], preferred_element_type=jnp.float32) \
        + f2b_ref[...]
    mx = jnp.max(logits, axis=1, keepdims=True)
    sh = logits - mx
    lse = jnp.log(jnp.sum(jnp.exp(sh), axis=1, keepdims=True))
    logp = sh - lse
    cids = lax.broadcasted_iota(jnp.int32, (1, C), 1)
    picked = jnp.where(y_ref[...] == cids, logp, 0.0)
    loss = -jnp.sum(picked) / G
    logits_ref[...] = logits
    loss_ref[...] = jnp.reshape(loss, (1, 1))


def _tc_call(body, out_shapes):
    return pl.pallas_call(body, out_shape=out_shapes)



def kernel(x, edge_index, batch, y, W0, b0, g0, be0, W1, b1, g1, be1, W2, b2,
           muW, mub, sgW, sgb, f1W, f1b, f2W, f2b):
    src = edge_index[0].astype(jnp.int32)
    dst = edge_index[1].astype(jnp.int32)
    npad = EP - E
    pad_i = jnp.arange(npad, dtype=jnp.int32)
    src_p = jnp.concatenate([src, (pad_i * 37) % N]).reshape(EP // CHUNK, CHUNK)
    dst_p = jnp.concatenate([dst, N + (pad_i % NJUNK)]).reshape(
        EP // CHUNK, CHUNK)

    ones_h = jnp.ones((CHUNK, HH), jnp.float32)
    zero_h = jnp.zeros((RPT, HH), jnp.float32)

    deg_kernel, scatter_kernel = _sc_kernels()
    deg0, deg1 = deg_kernel(dst_p, ones_h, zero_h)

    hw0 = _tc_call(_mm0_body, jax.ShapeDtypeStruct((N, H), jnp.float32))(x, W0)
    uo = jax.ShapeDtypeStruct((N, HH), jnp.float32)
    dvo = jax.ShapeDtypeStruct((N, 8), jnp.float32)
    u0_lo, u0_hi, dinv = _tc_call(_scale_body, (uo, uo, dvo))(deg0, deg1, hw0)
    u0 = (u0_lo, u0_hi)

    a0 = scatter_kernel(u0[0], u0[1], src_p, dst_p, zero_h)
    u1 = _tc_call(_epi_body, (uo, uo))(
        dinv, a0[0], a0[1], u0[0], u0[1], b0.reshape(1, H), g0.reshape(1, H),
        be0.reshape(1, H), W1)

    a1 = scatter_kernel(u1[0], u1[1], src_p, dst_p, zero_h)
    u2 = _tc_call(_epi_body, (uo, uo))(
        dinv, a1[0], a1[1], u1[0], u1[1], b1.reshape(1, H), g1.reshape(1, H),
        be1.reshape(1, H), W2)

    a2 = scatter_kernel(u2[0], u2[1], src_p, dst_p, zero_h)
    logits, loss = _tc_call(
        _head_body, (jax.ShapeDtypeStruct((G, C), jnp.float32),
                     jax.ShapeDtypeStruct((1, 1), jnp.float32)))(
        dinv, a2[0], a2[1], u2[0], u2[1], b2.reshape(1, H),
        batch.astype(jnp.int32).reshape(N, 1), y.astype(jnp.int32).reshape(G, 1),
        muW, mub.reshape(1, H), sgW, sgb.reshape(1, H), f1W, f1b.reshape(1, H),
        f2W, f2b.reshape(1, C))
    return logits, loss.reshape(())

# --- scband reference (transcript-rebuilt; emitter-appended) ---
"""Pipeline reference for scband-gnn-vae-18348100289083 (READ-ONLY COPY).

The authoritative reference and input builder live on the scoring server;
editing this copy changes nothing except your own understanding.
"""

import jax, jax.numpy as jnp
import numpy as np

N = 10000
E = 320000
D = 128
H = 256
G = 128
C = 16

def _xavier(k, shape):
    lim = float(np.sqrt(6.0 / (shape[0] + shape[1])))
    return jax.random.uniform(k, shape, jnp.float32, -lim, lim)

def setup_inputs(seed: int = 0):
    key = jax.random.key(seed)
    ks = jax.random.split(key, 16)
    inp = {}
    inp['x'] = jax.random.normal(ks[0], (N, D), jnp.float32)
    inp['edge_index'] = jax.random.randint(ks[1], (2, E), 0, N)
    inp['batch'] = jnp.sort(jax.random.randint(ks[2], (N,), 0, G))
    inp['y'] = jax.random.randint(ks[3], (G,), 0, C)
    inp['W0'] = _xavier(ks[4], (D, H)); inp['b0'] = jnp.zeros((H,), jnp.float32)
    inp['g0'] = jnp.ones((H,), jnp.float32); inp['be0'] = jnp.zeros((H,), jnp.float32)
    inp['W1'] = _xavier(ks[5], (H, H)); inp['b1'] = jnp.zeros((H,), jnp.float32)
    inp['g1'] = jnp.ones((H,), jnp.float32); inp['be1'] = jnp.zeros((H,), jnp.float32)
    inp['W2'] = _xavier(ks[6], (H, H)); inp['b2'] = jnp.zeros((H,), jnp.float32)
    inp['muW'] = _xavier(ks[7], (H, H)); inp['mub'] = jnp.zeros((H,), jnp.float32)
    inp['sgW'] = _xavier(ks[8], (H, H)); inp['sgb'] = jnp.zeros((H,), jnp.float32)
    inp['f1W'] = _xavier(ks[9], (2 * H, H)); inp['f1b'] = jnp.zeros((H,), jnp.float32)
    inp['f2W'] = _xavier(ks[10], (H, C)); inp['f2b'] = jnp.zeros((C,), jnp.float32)
    return inp

def reference(x, edge_index, batch, y, W0, b0, g0, be0, W1, b1, g1, be1, W2, b2, muW, mub, sgW, sgb, f1W, f1b, f2W, f2b):
    src = edge_index[0]; dst = edge_index[1]
    loop = jnp.arange(N)
    src2 = jnp.concatenate([src, loop]); dst2 = jnp.concatenate([dst, loop])
    deg = jnp.zeros((N,), jnp.float32).at[dst2].add(1.0)
    dinv = jnp.where(deg > 0, 1.0 / jnp.sqrt(deg), 0.0)
    norm = (dinv[src2] * dinv[dst2])[:, None]
    def conv(h, W, b):
        h = h @ W
        msgs = h[src2] * norm
        return jnp.zeros((N, W.shape[1]), h.dtype).at[dst2].add(msgs) + b
    def bn(h, g, be):
        m = h.mean(axis=0); v = h.var(axis=0)
        return g * (h - m) / jnp.sqrt(v + 1e-5) + be
    h = bn(jax.nn.relu(conv(x, W0, b0)), g0, be0)
    h = bn(jax.nn.relu(conv(h, W1, b1)), g1, be1)
    h = jax.nn.relu(conv(h, W2, b2))
    counts = jnp.zeros((G,), jnp.float32).at[batch].add(1.0)
    pooled = jnp.zeros((G, H), jnp.float32).at[batch].add(h) / jnp.maximum(counts, 1.0)[:, None]
    mu = pooled @ muW + mub
    sigma = jax.nn.softplus(pooled @ sgW + sgb)
    mu_sigma = jnp.concatenate([mu, sigma], axis=1)
    hid = jax.nn.relu(mu_sigma @ f1W + f1b)
    logits = hid @ f2W + f2b
    logp = jax.nn.log_softmax(logits, axis=-1)
    loss = -jnp.mean(jnp.take_along_axis(logp, y[:, None], axis=1))
    return (logits, loss)

if __name__ == "__main__":
    import jax
    _d = setup_inputs()
    print(jax.jit(kernel)(*tuple(_d.values())))

</pallas_src>

<mosaic_0001>
#map = affine_map<(d0, d1) -> (0, 0)>
module attributes {stable_mosaic.version = 14 : i64} {
  func.func @_scatter_body(%arg0: i32, %arg1: i32, %arg2: memref<10000x128xf32, #tpu.memory_space<hbm>>, %arg3: memref<10000x128xf32, #tpu.memory_space<hbm>>, %arg4: memref<2560x128xi32, #tpu.memory_space<hbm>>, %arg5: memref<2560x128xi32, #tpu.memory_space<hbm>>, %arg6: memref<632x128xf32, #tpu.memory_space<hbm>>, %arg7: memref<10112x128xf32, #tpu.memory_space<hbm>>, %arg8: memref<10112x128xf32, #tpu.memory_space<hbm>>, %arg9: memref<2x128xi32, #tpu.memory_space<vmem>>, %arg10: memref<2x128xi32, #tpu.memory_space<vmem>>, %arg11: memref<2x128x128xf32, #tpu.memory_space<vmem>>, %arg12: memref<10112x128xf32, #tpu.memory_space<vmem_shared>>, %arg13: memref<!tpu.dma_semaphore, #tpu.memory_space<semaphore_mem>>, %arg14: memref<!tpu.dma_semaphore, #tpu.memory_space<semaphore_mem>>, %arg15: memref<!tpu.dma_semaphore, #tpu.memory_space<semaphore_mem>>, %arg16: memref<!tpu.dma_semaphore, #tpu.memory_space<semaphore_mem>>, %arg17: memref<!tpu.dma_semaphore, #tpu.memory_space<semaphore_mem>>, %arg18: memref<!tpu.dma_semaphore, #tpu.memory_space<semaphore_mem>>) attributes {dimension_semantics = [#tpu.dimension_semantics<core_parallel>, #tpu.dimension_semantics<subcore_parallel>], iteration_bounds = array<i64: 2, 16>, scalar_prefetch = 0 : i64, scratch_operands = 10 : i64, tpu.core_type = #tpu.core_type<sc_vector_subcore>, window_params = [{transform_indices = #map}, {transform_indices = #map}, {transform_indices = #map}, {transform_indices = #map}, {transform_indices = #map}, {transform_indices = #map}, {transform_indices = #map}]} {
    %mul3A = arith.constant 632 : i32
    %mul3A_0 = arith.muli %arg1, %mul3A : i32
    "tpu.region"() ({
      %run_scoped3A = tpu.sem_alloc : memref<!tpu.dma_semaphore, #tpu.memory_space<semaphore_mem>>
      %dma_start3A_117 = arith.constant 0 : i32
      %dma_start3A_118 = tpu.memref_slice %arg12[%mul3A_0, %dma_start3A_117] : memref<10112x128xf32, #tpu.memory_space<vmem_shared>> -> memref<632x128xf32, #tpu.memory_space<vmem_shared>>
      tpu.enqueue_dma source(%arg6 : memref<632x128xf32, #tpu.memory_space<hbm>>) target(%dma_start3A_118 : memref<632x128xf32, #tpu.memory_space<vmem_shared>>) target_semaphore(%run_scoped3A : memref<!tpu.dma_semaphore, #tpu.memory_space<semaphore_mem>>)
      %dma_wait3A_119 = arith.constant 0 : i32
      %dma_wait3A_120 = tpu.memref_slice %arg12[%mul3A_0, %dma_wait3A_119] : memref<10112x128xf32, #tpu.memory_space<vmem_shared>> -> memref<632x128xf32, #tpu.memory_space<vmem_shared>>
      tpu.wait_dma2 semaphore(%run_scoped3A : memref<!tpu.dma_semaphore, #tpu.memory_space<semaphore_mem>>) src(%arg6 : memref<632x128xf32, #tpu.memory_space<hbm>>) dst(%dma_wait3A_120 : memref<632x128xf32, #tpu.memory_space<vmem_shared>>)
      tpu.yield
    }) : () -> ()
    %barrier3A = arith.constant 0 : index
    tpu.barrier barrier_id(%barrier3A)
    %mul3A_1 = arith.constant 160 : i32
    %mul3A_2 = arith.muli %arg1, %mul3A_1 : i32
    %add3A = arith.constant 0 : i32
    %add3A_3 = arith.addi %mul3A_2, %add3A : i32
    %dma_start3A = arith.constant 0 : i32
    %dma_start3A_4 = arith.constant 0 : i32
    %dma_start3A_5 = tpu.memref_slice %arg9[%dma_start3A, %dma_start3A_4] : memref<2x128xi32, #tpu.memory_space<vmem>> -> memref<1x128xi32, #tpu.memory_space<vmem>>
    %dma_start3A_6 = tpu.memref_squeeze %dma_start3A_5 : memref<1x128xi32, #tpu.memory_space<vmem>> -> memref<128xi32, #tpu.memory_space<vmem>>
    %dma_start3A_7 = arith.constant 0 : i32
    %dma_start3A_8 = tpu.memref_slice %arg4[%add3A_3, %dma_start3A_7] : memref<2560x128xi32, #tpu.memory_space<hbm>> -> memref<1x128xi32, #tpu.memory_space<hbm>>
    %dma_start3A_9 = tpu.memref_squeeze %dma_start3A_8 : memref<1x128xi32, #tpu.memory_space<hbm>> -> memref<128xi32, #tpu.memory_space<hbm>>
    %dma_start3A_10 = arith.constant 0 : i32
    %dma_start3A_11 = tpu.memref_slice %arg9[%dma_start3A, %dma_start3A_10] : memref<2x128xi32, #tpu.memory_space<vmem>> -> memref<1x128xi32, #tpu.memory_space<vmem>>
    %dma_start3A_12 = tpu.memref_squeeze %dma_start3A_11 : memref<1x128xi32, #tpu.memory_space<vmem>> -> memref<128xi32, #tpu.memory_space<vmem>>
    %dma_start3A_13 = arith.constant 0 : i32
    %dma_start3A_14 = tpu.memref_slice %arg4[%add3A_3, %dma_start3A_13] : memref<2560x128xi32, #tpu.memory_space<hbm>> -> memref<1x128xi32, #tpu.memory_space<hbm>>
    %dma_start3A_15 = tpu.memref_squeeze %dma_start3A_14 : memref<1x128xi32, #tpu.memory_space<hbm>> -> memref<128xi32, #tpu.memory_space<hbm>>
    tpu.enqueue_dma source(%dma_start3A_15 : memref<128xi32, #tpu.memory_space<hbm>>) target(%dma_start3A_12 : memref<128xi32, #tpu.memory_space<vmem>>) target_semaphore(%arg15 : memref<!tpu.dma_semaphore, #tpu.memory_space<semaphore_mem>>)
    %mul3A_16 = arith.constant 160 : i32
    %mul3A_17 = arith.muli %arg1, %mul3A_16 : i32
    %add3A_18 = arith.constant 0 : i32
    %add3A_19 = arith.addi %mul3A_17, %add3A_18 : i32
    %dma_start3A_20 = arith.constant 0 : i32
    %dma_start3A_21 = arith.constant 0 : i32
    %dma_start3A_22 = tpu.memref_slice %arg10[%dma_start3A_20, %dma_start3A_21] : memref<2x128xi32, #tpu.memory_space<vmem>> -> memref<1x128xi32, #tpu.memory_space<vmem>>
    %dma_start3A_23 = tpu.memref_squeeze %dma_start3A_22 : memref<1x128xi32, #tpu.memory_space<vmem>> -> memref<128xi32, #tpu.memory_space<vmem>>
    %dma_start3A_24 = arith.constant 0 : i32
    %dma_start3A_25 = tpu.memref_slice %arg5[%add3A_19, %dma_start3A_24] : memref<2560x128xi32, #tpu.memory_space<hbm>> -> memref<1x128xi32, #tpu.memory_space<hbm>>
    %dma_start3A_26 = tpu.memref_squeeze %dma_start3A_25 : memref<1x128xi32, #tpu.memory_space<hbm>> -> memref<128xi32, #tpu.memory_space<hbm>>
    %dma_start3A_27 = arith.constant 0 : i32
    %dma_start3A_28 = tpu.memref_slice %arg10[%dma_start3A_20, %dma_start3A_27] : memref<2x128xi32, #tpu.memory_space<vmem>> -> memref<1x128xi32, #tpu.memory_space<vmem>>
    %dma_start3A_29 = tpu.memref_squeeze %dma_start3A_28 : memref<1x128xi32, #tpu.memory_space<vmem>> -> memref<128xi32, #tpu.memory_space<vmem>>
    %dma_start3A_30 = arith.constant 0 : i32
    %dma_start3A_31 = tpu.memref_slice %arg5[%add3A_19, %dma_start3A_30] : memref<2560x128xi32, #tpu.memory_space<hbm>> -> memref<1x128xi32, #tpu.memory_space<hbm>>
    %dma_start3A_32 = tpu.memref_squeeze %dma_start3A_31 : memref<1x128xi32, #tpu.memory_space<hbm>> -> memref<128xi32, #tpu.memory_space<hbm>>
    tpu.enqueue_dma source(%dma_start3A_32 : memref<128xi32, #tpu.memory_space<hbm>>) target(%dma_start3A_29 : memref<128xi32, #tpu.memory_space<vmem>>) target_semaphore(%arg15 : memref<!tpu.dma_semaphore, #tpu.memory_space<semaphore_mem>>)
    %mul3A_33 = arith.constant 160 : i32
    %mul3A_34 = arith.muli %arg1, %mul3A_33 : i32
    %add3A_35 = arith.constant 1 : i32
    %add3A_36 = arith.addi %mul3A_34, %add3A_35 : i32
    %dma_start3A_37 = arith.constant 1 : i32
    %dma_start3A_38 = arith.constant 0 : i32
    %dma_start3A_39 = tpu.memref_slice %arg9[%dma_start3A_37, %dma_start3A_38] : memref<2x128xi32, #tpu.memory_space<vmem>> -> memref<1x128xi32, #tpu.memory_space<vmem>>
    %dma_start3A_40 = tpu.memref_squeeze %dma_start3A_39 : memref<1x128xi32, #tpu.memory_space<vmem>> -> memref<128xi32, #tpu.memory_space<vmem>>
    %dma_start3A_41 = arith.constant 0 : i32
    %dma_start3A_42 = tpu.memref_slice %arg4[%add3A_36, %dma_start3A_41] : memref<2560x128xi32, #tpu.memory_space<hbm>> -> memref<1x128xi32, #tpu.memory_space<hbm>>
    %dma_start3A_43 = tpu.memref_squeeze %dma_start3A_42 : memref<1x128xi32, #tpu.memory_space<hbm>> -> memref<128xi32, #tpu.memory_space<hbm>>
    %dma_start3A_44 = arith.constant 0 : i32
    %dma_start3A_45 = tpu.memref_slice %arg9[%dma_start3A_37, %dma_start3A_44] : memref<2x128xi32, #tpu.memory_space<vmem>> -> memref<1x128xi32, #tpu.memory_space<vmem>>
    %dma_start3A_46 = tpu.memref_squeeze %dma_start3A_45 : memref<1x128xi32, #tpu.memory_space<vmem>> -> memref<128xi32, #tpu.memory_space<vmem>>
    %dma_start3A_47 = arith.constant 0 : i32
    %dma_start3A_48 = tpu.memref_slice %arg4[%add3A_36, %dma_start3A_47] : memref<2560x128xi32, #tpu.memory_space<hbm>> -> memref<1x128xi32, #tpu.memory_space<hbm>>
    %dma_start3A_49 = tpu.memref_squeeze %dma_start3A_48 : memref<1x128xi32, #tpu.memory_space<hbm>> -> memref<128xi32, #tpu.memory_space<hbm>>
    tpu.enqueue_dma source(%dma_start3A_49 : memref<128xi32, #tpu.memory_space<hbm>>) target(%dma_start3A_46 : memref<128xi32, #tpu.memory_space<vmem>>) target_semaphore(%arg16 : memref<!tpu.dma_semaphore, #tpu.memory_space<semaphore_mem>>)
    %mul3A_50 = arith.constant 160 : i32
    %mul3A_51 = arith.muli %arg1, %mul3A_50 : i32
    %add3A_52 = arith.constant 1 : i32
    %add3A_53 = arith.addi %mul3A_51, %add3A_52 : i32
    %dma_start3A_54 = arith.constant 1 : i32
    %dma_start3A_55 = arith.constant 0 : i32
    %dma_start3A_56 = tpu.memref_slice %arg10[%dma_start3A_54, %dma_start3A_55] : memref<2x128xi32, #tpu.memory_space<vmem>> -> memref<1x128xi32, #tpu.memory_space<vmem>>
    %dma_start3A_57 = tpu.memref_squeeze %dma_start3A_56 : memref<1x128xi32, #tpu.memory_space<vmem>> -> memref<128xi32, #tpu.memory_space<vmem>>
    %dma_start3A_58 = arith.constant 0 : i32
    %dma_start3A_59 = tpu.memref_slice %arg5[%add3A_53, %dma_start3A_58] : memref<2560x128xi32, #tpu.memory_space<hbm>> -> memref<1x128xi32, #tpu.memory_space<hbm>>
    %dma_start3A_60 = tpu.memref_squeeze %dma_start3A_59 : memref<1x128xi32, #tpu.memory_space<hbm>> -> memref<128xi32, #tpu.memory_space<hbm>>
    %dma_start3A_61 = arith.constant 0 : i32
    %dma_start3A_62 = tpu.memref_slice %arg10[%dma_start3A_54, %dma_start3A_61] : memref<2x128xi32, #tpu.memory_space<vmem>> -> memref<1x128xi32, #tpu.memory_space<vmem>>
    %dma_start3A_63 = tpu.memref_squeeze %dma_start3A_62 : memref<1x128xi32, #tpu.memory_space<vmem>> -> memref<128xi32, #tpu.memory_space<vmem>>
    %dma_start3A_64 = arith.constant 0 : i32
    %dma_start3A_65 = tpu.memref_slice %arg5[%add3A_53, %dma_start3A_64] : memref<2560x128xi32, #tpu.memory_space<hbm>> -> memref<1x128xi32, #tpu.memory_space<hbm>>
    %dma_start3A_66 = tpu.memref_squeeze %dma_start3A_65 : memref<1x128xi32, #tpu.memory_space<hbm>> -> memref<128xi32, #tpu.memory_space<hbm>>
    tpu.enqueue_dma source(%dma_start3A_66 : memref<128xi32, #tpu.memory_space<hbm>>) target(%dma_start3A_63 : memref<128xi32, #tpu.memory_space<vmem>>) target_semaphore(%arg16 : memref<!tpu.dma_semaphore, #tpu.memory_space<semaphore_mem>>)
    %dma_wait3A = arith.constant 0 : i32
    %dma_wait3A_67 = arith.constant 0 : i32
    %dma_wait3A_68 = arith.constant 0 : i32
    %dma_wait3A_69 = tpu.memref_slice %arg9[%dma_wait3A_67, %dma_wait3A_68] : memref<2x128xi32, #tpu.memory_space<vmem>> -> memref<1x128xi32, #tpu.memory_space<vmem>>
    %dma_wait3A_70 = tpu.memref_squeeze %dma_wait3A_69 : memref<1x128xi32, #tpu.memory_space<vmem>> -> memref<128xi32, #tpu.memory_space<vmem>>
    %dma_wait3A_71 = arith.constant 0 : i32
    %dma_wait3A_72 = tpu.memref_slice %arg4[%dma_wait3A, %dma_wait3A_71] : memref<2560x128xi32, #tpu.memory_space<hbm>> -> memref<1x128xi32, #tpu.memory_space<hbm>>
    %dma_wait3A_73 = tpu.memref_squeeze %dma_wait3A_72 : memref<1x128xi32, #tpu.memory_space<hbm>> -> memref<128xi32, #tpu.memory_space<hbm>>
    %dma_wait3A_74 = arith.constant 0 : i32
    %dma_wait3A_75 = tpu.memref_slice %arg9[%dma_wait3A_67, %dma_wait3A_74] : memref<2x128xi32, #tpu.memory_space<vmem>> -> memref<1x128xi32, #tpu.memory_space<vmem>>
    %dma_wait3A_76 = tpu.memref_squeeze %dma_wait3A_75 : memref<1x128xi32, #tpu.memory_space<vmem>> -> memref<128xi32, #tpu.memory_space<vmem>>
    %dma_wait3A_77 = arith.constant 0 : i32
    %dma_wait3A_78 = tpu.memref_slice %arg4[%dma_wait3A, %dma_wait3A_77] : memref<2560x128xi32, #tpu.memory_space<hbm>> -> memref<1x128xi32, #tpu.memory_space<hbm>>
    %dma_wait3A_79 = tpu.memref_squeeze %dma_wait3A_78 : memref<1x128xi32, #tpu.memory_space<hbm>> -> memref<128xi32, #tpu.memory_space<hbm>>
    tpu.wait_dma2 semaphore(%arg15 : memref<!tpu.dma_semaphore, #tpu.memory_space<semaphore_mem>>) src(%dma_wait3A_79 : memref<128xi32, #tpu.memory_space<hbm>>) dst(%dma_wait3A_76 : memref<128xi32, #tpu.memory_space<vmem>>)
    %dma_wait3A_80 = arith.constant 0 : i32
    %dma_wait3A_81 = arith.constant 0 : i32
    %dma_wait3A_82 = arith.constant 0 : i32
    %dma_wait3A_83 = tpu.memref_slice %arg10[%dma_wait3A_81, %dma_wait3A_82] : memref<2x128xi32, #tpu.memory_space<vmem>> -> memref<1x128xi32, #tpu.memory_space<vmem>>
    %dma_wait3A_84 = tpu.memref_squeeze %dma_wait3A_83 : memref<1x128xi32, #tpu.memory_space<vmem>> -> memref<128xi32, #tpu.memory_space<vmem>>
    %dma_wait3A_85 = arith.constant 0 : i32
    %dma_wait3A_86 = tpu.memref_slice %arg5[%dma_wait3A_80, %dma_wait3A_85] : memref<2560x128xi32, #tpu.memory_space<hbm>> -> memref<1x128xi32, #tpu.memory_space<hbm>>
    %dma_wait3A_87 = tpu.memref_squeeze %dma_wait3A_86 : memref<1x128xi32, #tpu.memory_space<hbm>> -> memref<128xi32, #tpu.memory_space<hbm>>
    %dma_wait3A_88 = arith.constant 0 : i32
    %dma_wait3A_89 = tpu.memref_slice %arg10[%dma_wait3A_81, %dma_wait3A_88] : memref<2x128xi32, #tpu.memory_space<vmem>> -> memref<1x128xi32, #tpu.memory_space<vmem>>
    %dma_wait3A_90 = tpu.memref_squeeze %dma_wait3A_89 : memref<1x128xi32, #tpu.memory_space<vmem>> -> memref<128xi32, #tpu.memory_space<vmem>>
    %dma_wait3A_91 = arith.constant 0 : i32
    %dma_wait3A_92 = tpu.memref_slice %arg5[%dma_wait3A_80, %dma_wait3A_91] : memref<2560x128xi32, #tpu.memory_space<hbm>> -> memref<1x128xi32, #tpu.memory_space<hbm>>
    %dma_wait3A_93 = tpu.memref_squeeze %dma_wait3A_92 : memref<1x128xi32, #tpu.memory_space<hbm>> -> memref<128xi32, #tpu.memory_space<hbm>>
    tpu.wait_dma2 semaphore(%arg15 : memref<!tpu.dma_semaphore, #tpu.memory_space<semaphore_mem>>) src(%dma_wait3A_93 : memref<128xi32, #tpu.memory_space<hbm>>) dst(%dma_wait3A_90 : memref<128xi32, #tpu.memory_space<vmem>>)
    %eq3A = arith.constant 0 : i32
    %eq3A_94 = arith.cmpi eq, %arg0, %eq3A : i32
    %convert_element_type3A = arith.extui %eq3A_94 : i1 to i32
    %cond3A = arith.constant 0 : i32
    %cond3A_95 = arith.cmpi ne, %convert_element_type3A, %cond3A : i32
    scf.if %cond3A_95 {
      %dma_start3A_117 = arith.constant 0 : i32
      %dma_start3A_118 = arith.constant 0 : i32
      %dma_start3A_119 = arith.constant 0 : i32
      %dma_start3A_120 = arith.constant 0 : i32
      %dma_start3A_121 = tpu.memref_slice %arg11[%dma_start3A_118, %dma_start3A_119, %dma_start3A_120] : memref<2x128x128xf32, #tpu.memory_space<vmem>> -> memref<1x128x128xf32, #tpu.memory_space<vmem>>
      %dma_start3A_122 = tpu.memref_squeeze %dma_start3A_121 : memref<1x128x128xf32, #tpu.memory_space<vmem>> -> memref<128x128xf32, #tpu.memory_space<vmem>>
      %dma_start3A_123 = arith.constant 0 : i32
      %dma_start3A_124 = tpu.memref_slice %arg9[%dma_start3A_117, %dma_start3A_123] : memref<2x128xi32, #tpu.memory_space<vmem>> -> memref<1x128xi32, #tpu.memory_space<vmem>>
      %dma_start3A_125 = tpu.memref_squeeze %dma_start3A_124 : memref<1x128xi32, #tpu.memory_space<vmem>> -> memref<128xi32, #tpu.memory_space<vmem>>
      %dma_start3A_126 = arith.constant 0 : i32
      %dma_start3A_127 = arith.constant 0 : i32
      %dma_start3A_128 = tpu.memref_slice %arg2[%dma_start3A_126, %dma_start3A_127] : memref<10000x128xf32, #tpu.memory_space<hbm>> -> memref<10000x128xf32, #tpu.memory_space<hbm>>
      tpu.enqueue_indirect_dma source(%dma_start3A_128 : memref<10000x128xf32, #tpu.memory_space<hbm>>) target(%dma_start3A_122 : memref<128x128xf32, #tpu.memory_space<vmem>>) offsets(%dma_start3A_125 : memref<128xi32, #tpu.memory_space<vmem>>) semaphore(%arg13 : memref<!tpu.dma_semaphore, #tpu.memory_space<semaphore_mem>>)
    } else {
    }
    %eq3A_96 = arith.constant 1 : i32
    %eq3A_97 = arith.cmpi eq, %arg0, %eq3A_96 : i32
    %convert_element_type3A_98 = arith.extui %eq3A_97 : i1 to i32
    %cond3A_99 = arith.constant 0 : i32
    %cond3A_100 = arith.cmpi ne, %convert_element_type3A_98, %cond3A_99 : i32
    scf.if %cond3A_100 {
      %dma_start3A_117 = arith.constant 0 : i32
      %dma_start3A_118 = arith.constant 0 : i32
      %dma_start3A_119 = arith.constant 0 : i32
      %dma_start3A_120 = arith.constant 0 : i32
      %dma_start3A_121 = tpu.memref_slice %arg11[%dma_start3A_118, %dma_start3A_119, %dma_start3A_120] : memref<2x128x128xf32, #tpu.memory_space<vmem>> -> memref<1x128x128xf32, #tpu.memory_space<vmem>>
      %dma_start3A_122 = tpu.memref_squeeze %dma_start3A_121 : memref<1x128x128xf32, #tpu.memory_space<vmem>> -> memref<128x128xf32, #tpu.memory_space<vmem>>
      %dma_start3A_123 = arith.constant 0 : i32
      %dma_start3A_124 = tpu.memref_slice %arg9[%dma_start3A_117, %dma_start3A_123] : memref<2x128xi32, #tpu.memory_space<vmem>> -> memref<1x128xi32, #tpu.memory_space<vmem>>
      %dma_start3A_125 = tpu.memref_squeeze %dma_start3A_124 : memref<1x128xi32, #tpu.memory_space<vmem>> -> memref<128xi32, #tpu.memory_space<vmem>>
      %dma_start3A_126 = arith.constant 0 : i32
      %dma_start3A_127 = arith.constant 0 : i32
      %dma_start3A_128 = tpu.memref_slice %arg3[%dma_start3A_126, %dma_start3A_127] : memref<10000x128xf32, #tpu.memory_space<hbm>> -> memref<10000x128xf32, #tpu.memory_space<hbm>>
      tpu.enqueue_indirect_dma source(%dma_start3A_128 : memref<10000x128xf32, #tpu.memory_space<hbm>>) target(%dma_start3A_122 : memref<128x128xf32, #tpu.memory_space<vmem>>) offsets(%dma_start3A_125 : memref<128xi32, #tpu.memory_space<vmem>>) semaphore(%arg13 : memref<!tpu.dma_semaphore, #tpu.memory_space<semaphore_mem>>)
    } else {
    }
    %scan3A = arith.constant 0 : i32
    %scan3A_101 = arith.constant 0 : i32
    %scan3A_102 = arith.constant 80 : i32
    %scan3A_103 = arith.addi %scan3A_101, %scan3A_102 : i32
    %scan3A_104 = arith.constant 1 : i32
    scf.for %scan3A_117 = %scan3A_101 to %scan3A_103 step %scan3A_104  : i32 {
      %mul3A_118 = arith.constant 2 : i32
      %mul3A_119 = arith.muli %scan3A_117, %mul3A_118 : i32
      %add3A_120 = arith.constant 0 : i32
      %add3A_121 = arith.addi %mul3A_119, %add3A_120 : i32
      %add3A_122 = arith.constant 1 : i32
      %add3A_123 = arith.addi %add3A_121, %add3A_122 : i32
      %lt3A = arith.constant 160 : i32
      %lt3A_124 = arith.cmpi slt, %add3A_123, %lt3A : i32
      %convert_element_type3A_125 = arith.extui %lt3A_124 : i1 to i32
      %cond3A_126 = arith.constant 0 : i32
      %cond3A_127 = arith.cmpi ne, %convert_element_type3A_125, %cond3A_126 : i32
      scf.if %cond3A_127 {
        %dma_wait3A_180 = arith.constant 0 : i32
        %dma_wait3A_181 = arith.constant 1 : i32
        %dma_wait3A_182 = arith.constant 0 : i32
        %dma_wait3A_183 = tpu.memref_slice %arg9[%dma_wait3A_181, %dma_wait3A_182] : memref<2x128xi32, #tpu.memory_space<vmem>> -> memref<1x128xi32, #tpu.memory_space<vmem>>
        %dma_wait3A_184 = tpu.memref_squeeze %dma_wait3A_183 : memref<1x128xi32, #tpu.memory_space<vmem>> -> memref<128xi32, #tpu.memory_space<vmem>>
        %dma_wait3A_185 = arith.constant 0 : i32
        %dma_wait3A_186 = tpu.memref_slice %arg4[%dma_wait3A_180, %dma_wait3A_185] : memref<2560x128xi32, #tpu.memory_space<hbm>> -> memref<1x128xi32, #tpu.memory_space<hbm>>
        %dma_wait3A_187 = tpu.memref_squeeze %dma_wait3A_186 : memref<1x128xi32, #tpu.memory_space<hbm>> -> memref<128xi32, #tpu.memory_space<hbm>>
        %dma_wait3A_188 = arith.constant 0 : i32
        %dma_wait3A_189 = tpu.memref_slice %arg9[%dma_wait3A_181, %dma_wait3A_188] : memref<2x128xi32, #tpu.memory_space<vmem>> -> memref<1x128xi32, #tpu.memory_space<vmem>>
        %dma_wait3A_190 = tpu.memref_squeeze %dma_wait3A_189 : memref<1x128xi32, #tpu.memory_space<vmem>> -> memref<128xi32, #tpu.memory_space<vmem>>
        %dma_wait3A_191 = arith.constant 0 : i32
        %dma_wait3A_192 = tpu.memref_slice %arg4[%dma_wait3A_180, %dma_wait3A_191] : memref<2560x128xi32, #tpu.memory_space<hbm>> -> memref<1x128xi32, #tpu.memory_space<hbm>>
        %dma_wait3A_193 = tpu.memref_squeeze %dma_wait3A_192 : memref<1x128xi32, #tpu.memory_space<hbm>> -> memref<128xi32, #tpu.memory_space<hbm>>
        tpu.wait_dma2 semaphore(%arg16 : memref<!tpu.dma_semaphore, #tpu.memory_space<semaphore_mem>>) src(%dma_wait3A_193 : memref<128xi32, #tpu.memory_space<hbm>>) dst(%dma_wait3A_190 : memref<128xi32, #tpu.memory_space<vmem>>)
        %dma_wait3A_194 = arith.constant 0 : i32
        %dma_wait3A_195 = arith.constant 1 : i32
        %dma_wait3A_196 = arith.constant 0 : i32
        %dma_wait3A_197 = tpu.memref_slice %arg10[%dma_wait3A_195, %dma_wait3A_196] : memref<2x128xi32, #tpu.memory_space<vmem>> -> memref<1x128xi32, #tpu.memory_space<vmem>>
        %dma_wait3A_198 = tpu.memref_squeeze %dma_wait3A_197 : memref<1x128xi32, #tpu.memory_space<vmem>> -> memref<128xi32, #tpu.memory_space<vmem>>
        %dma_wait3A_199 = arith.constant 0 : i32
        %dma_wait3A_200 = tpu.memref_slice %arg5[%dma_wait3A_194, %dma_wait3A_199] : memref<2560x128xi32, #tpu.memory_space<hbm>> -> memref<1x128xi32, #tpu.memory_space<hbm>>
        %dma_wait3A_201 = tpu.memref_squeeze %dma_wait3A_200 : memref<1x128xi32, #tpu.memory_space<hbm>> -> memref<128xi32, #tpu.memory_space<hbm>>
        %dma_wait3A_202 = arith.constant 0 : i32
        %dma_wait3A_203 = tpu.memref_slice %arg10[%dma_wait3A_195, %dma_wait3A_202] : memref<2x128xi32, #tpu.memory_space<vmem>> -> memref<1x128xi32, #tpu.memory_space<vmem>>
        %dma_wait3A_204 = tpu.memref_squeeze %dma_wait3A_203 : memref<1x128xi32, #tpu.memory_space<vmem>> -> memref<128xi32, #tpu.memory_space<vmem>>
        %dma_wait3A_205 = arith.constant 0 : i32
        %dma_wait3A_206 = tpu.memref_slice %arg5[%dma_wait3A_194, %dma_wait3A_205] : memref<2560x128xi32, #tpu.memory_space<hbm>> -> memref<1x128xi32, #tpu.memory_space<hbm>>
        %dma_wait3A_207 = tpu.memref_squeeze %dma_wait3A_206 : memref<1x128xi32, #tpu.memory_space<hbm>> -> memref<128xi32, #tpu.memory_space<hbm>>
        tpu.wait_dma2 semaphore(%arg16 : memref<!tpu.dma_semaphore, #tpu.memory_space<semaphore_mem>>) src(%dma_wait3A_207 : memref<128xi32, #tpu.memory_space<hbm>>) dst(%dma_wait3A_204 : memref<128xi32, #tpu.memory_space<vmem>>)
        %eq3A_208 = arith.constant 0 : i32
        %eq3A_209 = arith.cmpi eq, %arg0, %eq3A_208 : i32
        %convert_element_type3A_210 = arith.extui %eq3A_209 : i1 to i32
        %cond3A_211 = arith.constant 0 : i32
        %cond3A_212 = arith.cmpi ne, %convert_element_type3A_210, %cond3A_211 : i32
        scf.if %cond3A_212 {
          %dma_start3A_218 = arith.constant 1 : i32
          %dma_start3A_219 = arith.constant 1 : i32
          %dma_start3A_220 = arith.constant 0 : i32
          %dma_start3A_221 = arith.constant 0 : i32
          %dma_start3A_222 = tpu.memref_slice %arg11[%dma_start3A_219, %dma_start3A_220, %dma_start3A_221] : memref<2x128x128xf32, #tpu.memory_space<vmem>> -> memref<1x128x128xf32, #tpu.memory_space<vmem>>
          %dma_start3A_223 = tpu.memref_squeeze %dma_start3A_222 : memref<1x128x128xf32, #tpu.memory_space<vmem>> -> memref<128x128xf32, #tpu.memory_space<vmem>>
          %dma_start3A_224 = arith.constant 0 : i32
          %dma_start3A_225 = tpu.memref_slice %arg9[%dma_start3A_218, %dma_start3A_224] : memref<2x128xi32, #tpu.memory_space<vmem>> -> memref<1x128xi32, #tpu.memory_space<vmem>>
          %dma_start3A_226 = tpu.memref_squeeze %dma_start3A_225 : memref<1x128xi32, #tpu.memory_space<vmem>> -> memref<128xi32, #tpu.memory_space<vmem>>
          %dma_start3A_227 = arith.constant 0 : i32
          %dma_start3A_228 = arith.constant 0 : i32
          %dma_start3A_229 = tpu.memref_slice %arg2[%dma_start3A_227, %dma_start3A_228] : memref<10000x128xf32, #tpu.memory_space<hbm>> -> memref<10000x128xf32, #tpu.memory_space<hbm>>
          tpu.enqueue_indirect_dma source(%dma_start3A_229 : memref<10000x128xf32, #tpu.memory_space<hbm>>) target(%dma_start3A_223 : memref<128x128xf32, #tpu.memory_space<vmem>>) offsets(%dma_start3A_226 : memref<128xi32, #tpu.memory_space<vmem>>) semaphore(%arg14 : memref<!tpu.dma_semaphore, #tpu.memory_space<semaphore_mem>>)
        } else {
        }
        %eq3A_213 = arith.constant 1 : i32
        %eq3A_214 = arith.cmpi eq, %arg0, %eq3A_213 : i32
        %convert_element_type3A_215 = arith.extui %eq3A_214 : i1 to i32
        %cond3A_216 = arith.constant 0 : i32
        %cond3A_217 = arith.cmpi ne, %convert_element_type3A_215, %cond3A_216 : i32
        scf.if %cond3A_217 {
          %dma_start3A_218 = arith.constant 1 : i32
          %dma_start3A_219 = arith.constant 1 : i32
          %dma_start3A_220 = arith.constant 0 : i32
          %dma_start3A_221 = arith.constant 0 : i32
          %dma_start3A_222 = tpu.memref_slice %arg11[%dma_start3A_219, %dma_start3A_220, %dma_start3A_221] : memref<2x128x128xf32, #tpu.memory_space<vmem>> -> memref<1x128x128xf32, #tpu.memory_space<vmem>>
          %dma_start3A_223 = tpu.memref_squeeze %dma_start3A_222 : memref<1x128x128xf32, #tpu.memory_space<vmem>> -> memref<128x128xf32, #tpu.memory_space<vmem>>
          %dma_start3A_224 = arith.constant 0 : i32
          %dma_start3A_225 = tpu.memref_slice %arg9[%dma_start3A_218, %dma_start3A_224] : memref<2x128xi32, #tpu.memory_space<vmem>> -> memref<1x128xi32, #tpu.memory_space<vmem>>
          %dma_start3A_226 = tpu.memref_squeeze %dma_start3A_225 : memref<1x128xi32, #tpu.memory_space<vmem>> -> memref<128xi32, #tpu.memory_space<vmem>>
          %dma_start3A_227 = arith.constant 0 : i32
          %dma_start3A_228 = arith.constant 0 : i32
          %dma_start3A_229 = tpu.memref_slice %arg3[%dma_start3A_227, %dma_start3A_228] : memref<10000x128xf32, #tpu.memory_space<hbm>> -> memref<10000x128xf32, #tpu.memory_space<hbm>>
          tpu.enqueue_indirect_dma source(%dma_start3A_229 : memref<10000x128xf32, #tpu.memory_space<hbm>>) target(%dma_start3A_223 : memref<128x128xf32, #tpu.memory_space<vmem>>) offsets(%dma_start3A_226 : memref<128xi32, #tpu.memory_space<vmem>>) semaphore(%arg14 : memref<!tpu.dma_semaphore, #tpu.memory_space<semaphore_mem>>)
        } else {
        }
      } else {
      }
      %dma_wait3A_128 = arith.constant 0 : i32
      %dma_wait3A_129 = arith.constant 0 : i32
      %dma_wait3A_130 = arith.constant 0 : i32
      %dma_wait3A_131 = arith.constant 0 : i32
      %dma_wait3A_132 = tpu.memref_slice %arg11[%dma_wait3A_129, %dma_wait3A_130, %dma_wait3A_131] : memref<2x128x128xf32, #tpu.memory_space<vmem>> -> memref<1x128x128xf32, #tpu.memory_space<vmem>>
      %dma_wait3A_133 = tpu.memref_squeeze %dma_wait3A_132 : memref<1x128x128xf32, #tpu.memory_space<vmem>> -> memref<128x128xf32, #tpu.memory_space<vmem>>
      %dma_wait3A_134 = arith.constant 0 : i32
      %dma_wait3A_135 = tpu.memref_slice %arg9[%dma_wait3A_128, %dma_wait3A_134] : memref<2x128xi32, #tpu.memory_space<vmem>> -> memref<1x128xi32, #tpu.memory_space<vmem>>
      %dma_wait3A_136 = tpu.memref_squeeze %dma_wait3A_135 : memref<1x128xi32, #tpu.memory_space<vmem>> -> memref<128xi32, #tpu.memory_space<vmem>>
      %dma_wait3A_137 = arith.constant 0 : i32
      %dma_wait3A_138 = arith.constant 0 : i32
      %dma_wait3A_139 = tpu.memref_slice %arg2[%dma_wait3A_137, %dma_wait3A_138] : memref<10000x128xf32, #tpu.memory_space<hbm>> -> memref<10000x128xf32, #tpu.memory_space<hbm>>
      tpu.wait_indirect_dma semaphore(%arg13 : memref<!tpu.dma_semaphore, #tpu.memory_space<semaphore_mem>>) src(%dma_wait3A_139 : memref<10000x128xf32, #tpu.memory_space<hbm>>) dst(%dma_wait3A_133 : memref<128x128xf32, #tpu.memory_space<vmem>>)
      %run_scoped3A = arith.constant 0 : i32
      %run_scoped3A_140 = arith.constant 0 : i32
      "tpu.region"() ({
        %run_scoped3A_180 = tpu.sem_alloc : memref<!tpu.dma_semaphore, #tpu.memory_space<semaphore_mem>>
        %dma_start3A_181 = arith.constant 0 : i32
        %dma_start3A_182 = arith.constant 0 : i32
        %dma_start3A_183 = tpu.memref_slice %arg11[%run_scoped3A, %dma_start3A_181, %dma_start3A_182] : memref<2x128x128xf32, #tpu.memory_space<vmem>> -> memref<1x128x128xf32, #tpu.memory_space<vmem>>
        %dma_start3A_184 = tpu.memref_squeeze %dma_start3A_183 : memref<1x128x128xf32, #tpu.memory_space<vmem>> -> memref<128x128xf32, #tpu.memory_space<vmem>>
        %dma_start3A_185 = arith.constant 0 : i32
        %dma_start3A_186 = tpu.memref_slice %arg10[%run_scoped3A_140, %dma_start3A_185] : memref<2x128xi32, #tpu.memory_space<vmem>> -> memref<1x128xi32, #tpu.memory_space<vmem>>
        %dma_start3A_187 = tpu.memref_squeeze %dma_start3A_186 : memref<1x128xi32, #tpu.memory_space<vmem>> -> memref<128xi32, #tpu.memory_space<vmem>>
        %dma_start3A_188 = arith.constant 0 : i32
        %dma_start3A_189 = arith.constant 0 : i32
        %dma_start3A_190 = tpu.memref_slice %arg12[%dma_start3A_188, %dma_start3A_189] : memref<10112x128xf32, #tpu.memory_space<vmem_shared>> -> memref<10112x128xf32, #tpu.memory_space<vmem_shared>>
        tpu.enqueue_indirect_dma source(%dma_start3A_184 : memref<128x128xf32, #tpu.memory_space<vmem>>) target(%dma_start3A_190 : memref<10112x128xf32, #tpu.memory_space<vmem_shared>>) offsets(%dma_start3A_187 : memref<128xi32, #tpu.memory_space<vmem>>) semaphore(%run_scoped3A_180 : memref<!tpu.dma_semaphore, #tpu.memory_space<semaphore_mem>>) {add = true}
        %dma_wait3A_191 = arith.constant 0 : i32
        %dma_wait3A_192 = arith.constant 0 : i32
        %dma_wait3A_193 = tpu.memref_slice %arg11[%run_scoped3A, %dma_wait3A_191, %dma_wait3A_192] : memref<2x128x128xf32, #tpu.memory_space<vmem>> -> memref<1x128x128xf32, #tpu.memory_space<vmem>>
        %dma_wait3A_194 = tpu.memref_squeeze %dma_wait3A_193 : memref<1x128x128xf32, #tpu.memory_space<vmem>> -> memref<128x128xf32, #tpu.memory_space<vmem>>
        %dma_wait3A_195 = arith.constant 0 : i32
        %dma_wait3A_196 = tpu.memref_slice %arg10[%run_scoped3A_140, %dma_wait3A_195] : memref<2x128xi32, #tpu.memory_space<vmem>> -> memref<1x128xi32, #tpu.memory_space<vmem>>
        %dma_wait3A_197 = tpu.memref_squeeze %dma_wait3A_196 : memref<1x128xi32, #tpu.memory_space<vmem>> -> memref<128xi32, #tpu.memory_space<vmem>>
        %dma_wait3A_198 = arith.constant 0 : i32
        %dma_wait3A_199 = arith.constant 0 : i32
        %dma_wait3A_200 = tpu.memref_slice %arg12[%dma_wait3A_198, %dma_wait3A_199] : memref<10112x128xf32, #tpu.memory_space<vmem_shared>> -> memref<10112x128xf32, #tpu.memory_space<vmem_shared>>
        tpu.wait_indirect_dma semaphore(%run_scoped3A_180 : memref<!tpu.dma_semaphore, #tpu.memory_space<semaphore_mem>>) src(%dma_wait3A_194 : memref<128x128xf32, #tpu.memory_space<vmem>>) dst(%dma_wait3A_200 : memref<10112x128xf32, #tpu.memory_space<vmem_shared>>)
        tpu.yield
      }) : () -> ()
      %add3A_141 = arith.constant 2 : i32
      %add3A_142 = arith.addi %add3A_121, %add3A_141 : i32
      %lt3A_143 = arith.constant 160 : i32
      %lt3A_144 = arith.cmpi slt, %add3A_142, %lt3A_143 : i32
      %convert_element_type3A_145 = arith.extui %lt3A_144 : i1 to i32
      %cond3A_146 = arith.constant 0 : i32
      %cond3A_147 = arith.cmpi ne, %convert_element_type3A_145, %cond3A_146 : i32
      scf.if %cond3A_147 {
        %add3A_180 = arith.constant 2 : i32
        %add3A_181 = arith.addi %add3A_121, %add3A_180 : i32
        %mul3A_182 = arith.constant 160 : i32
        %mul3A_183 = arith.muli %arg1, %mul3A_182 : i32
        %add3A_184 = arith.addi %mul3A_183, %add3A_181 : i32
        %dma_start3A_185 = arith.constant 0 : i32
        %dma_start3A_186 = arith.constant 0 : i32
        %dma_start3A_187 = tpu.memref_slice %arg9[%dma_start3A_185, %dma_start3A_186] : memref<2x128xi32, #tpu.memory_space<vmem>> -> memref<1x128xi32, #tpu.memory_space<vmem>>
        %dma_start3A_188 = tpu.memref_squeeze %dma_start3A_187 : memref<1x128xi32, #tpu.memory_space<vmem>> -> memref<128xi32, #tpu.memory_space<vmem>>
        %dma_start3A_189 = arith.constant 0 : i32
        %dma_start3A_190 = tpu.memref_slice %arg4[%add3A_184, %dma_start3A_189] : memref<2560x128xi32, #tpu.memory_space<hbm>> -> memref<1x128xi32, #tpu.memory_space<hbm>>
        %dma_start3A_191 = tpu.memref_squeeze %dma_start3A_190 : memref<1x128xi32, #tpu.memory_space<hbm>> -> memref<128xi32, #tpu.memory_space<hbm>>
        %dma_start3A_192 = arith.constant 0 : i32
        %dma_start3A_193 = tpu.memref_slice %arg9[%dma_start3A_185, %dma_start3A_192] : memref<2x128xi32, #tpu.memory_space<vmem>> -> memref<1x128xi32, #tpu.memory_space<vmem>>
        %dma_start3A_194 = tpu.memref_squeeze %dma_start3A_193 : memref<1x128xi32, #tpu.memory_space<vmem>> -> memref<128xi32, #tpu.memory_space<vmem>>
        %dma_start3A_195 = arith.constant 0 : i32
        %dma_start3A_196 = tpu.memref_slice %arg4[%add3A_184, %dma_start3A_195] : memref<2560x128xi32, #tpu.memory_space<hbm>> -> memref<1x128xi32, #tpu.memory_space<hbm>>
        %dma_start3A_197 = tpu.memref_squeeze %dma_start3A_196 : memref<1x128xi32, #tpu.memory_space<hbm>> -> memref<128xi32, #tpu.memory_space<hbm>>
        tpu.enqueue_dma source(%dma_start3A_197 : memref<128xi32, #tpu.memory_space<hbm>>) target(%dma_start3A_194 : memref<128xi32, #tpu.memory_space<vmem>>) target_semaphore(%arg15 : memref<!tpu.dma_semaphore, #tpu.memory_space<semaphore_mem>>)
        %mul3A_198 = arith.constant 160 : i32
        %mul3A_199 = arith.muli %arg1, %mul3A_198 : i32
        %add3A_200 = arith.addi %mul3A_199, %add3A_181 : i32
        %dma_start3A_201 = arith.constant 0 : i32
        %dma_start3A_202 = arith.constant 0 : i32
        %dma_start3A_203 = tpu.memref_slice %arg10[%dma_start3A_201, %dma_start3A_202] : memref<2x128xi32, #tpu.memory_space<vmem>> -> memref<1x128xi32, #tpu.memory_space<vmem>>
        %dma_start3A_204 = tpu.memref_squeeze %dma_start3A_203 : memref<1x128xi32, #tpu.memory_space<vmem>> -> memref<128xi32, #tpu.memory_space<vmem>>
        %dma_start3A_205 = arith.constant 0 : i32
        %dma_start3A_206 = tpu.memref_slice %arg5[%add3A_200, %dma_start3A_205] : memref<2560x128xi32, #tpu.memory_space<hbm>> -> memref<1x128xi32, #tpu.memory_space<hbm>>
        %dma_start3A_207 = tpu.memref_squeeze %dma_start3A_206 : memref<1x128xi32, #tpu.memory_space<hbm>> -> memref<128xi32, #tpu.memory_space<hbm>>
        %dma_start3A_208 = arith.constant 0 : i32
        %dma_start3A_209 = tpu.memref_slice %arg10[%dma_start3A_201, %dma_start3A_208] : memref<2x128xi32, #tpu.memory_space<vmem>> -> memref<1x128xi32, #tpu.memory_space<vmem>>
        %dma_start3A_210 = tpu.memref_squeeze %dma_start3A_209 : memref<1x128xi32, #tpu.memory_space<vmem>> -> memref<128xi32, #tpu.memory_space<vmem>>
        %dma_start3A_211 = arith.constant 0 : i32
        %dma_start3A_212 = tpu.memref_slice %arg5[%add3A_200, %dma_start3A_211] : memref<2560x128xi32, #tpu.memory_space<hbm>> -> memref<1x128xi32, #tpu.memory_space<hbm>>
        %dma_start3A_213 = tpu.memref_squeeze %dma_start3A_212 : memref<1x128xi32, #tpu.memory_space<hbm>> -> memref<128xi32, #tpu.memory_space<hbm>>
        tpu.enqueue_dma source(%dma_start3A_213 : memref<128xi32, #tpu.memory_space<hbm>>) target(%dma_start3A_210 : memref<128xi32, #tpu.memory_space<vmem>>) target_semaphore(%arg15 : memref<!tpu.dma_semaphore, #tpu.memory_space<semaphore_mem>>)
      } else {
      }
      %mul3A_148 = arith.constant 2 : i32
      %mul3A_149 = arith.muli %scan3A_117, %mul3A_148 : i32
      %add3A_150 = arith.constant 1 : i32
      %add3A_151 = arith.addi %mul3A_149, %add3A_150 : i32
      %add3A_152 = arith.constant 1 : i32
      %add3A_153 = arith.addi %add3A_151, %add3A_152 : i32
      %lt3A_154 = arith.constant 160 : i32
      %lt3A_155 = arith.cmpi slt, %add3A_153, %lt3A_154 : i32
      %convert_element_type3A_156 = arith.extui %lt3A_155 : i1 to i32
      %cond3A_157 = arith.constant 0 : i32
      %cond3A_158 = arith.cmpi ne, %convert_element_type3A_156, %cond3A_157 : i32
      scf.if %cond3A_158 {
        %dma_wait3A_180 = arith.constant 0 : i32
        %dma_wait3A_181 = arith.constant 0 : i32
        %dma_wait3A_182 = arith.constant 0 : i32
        %dma_wait3A_183 = tpu.memref_slice %arg9[%dma_wait3A_181, %dma_wait3A_182] : memref<2x128xi32, #tpu.memory_space<vmem>> -> memref<1x128xi32, #tpu.memory_space<vmem>>
        %dma_wait3A_184 = tpu.memref_squeeze %dma_wait3A_183 : memref<1x128xi32, #tpu.memory_space<vmem>> -> memref<128xi32, #tpu.memory_space<vmem>>
        %dma_wait3A_185 = arith.constant 0 : i32
        %dma_wait3A_186 = tpu.memref_slice %arg4[%dma_wait3A_180, %dma_wait3A_185] : memref<2560x128xi32, #tpu.memory_space<hbm>> -> memref<1x128xi32, #tpu.memory_space<hbm>>
        %dma_wait3A_187 = tpu.memref_squeeze %dma_wait3A_186 : memref<1x128xi32, #tpu.memory_space<hbm>> -> memref<128xi32, #tpu.memory_space<hbm>>
        %dma_wait3A_188 = arith.constant 0 : i32
        %dma_wait3A_189 = tpu.memref_slice %arg9[%dma_wait3A_181, %dma_wait3A_188] : memref<2x128xi32, #tpu.memory_space<vmem>> -> memref<1x128xi32, #tpu.memory_space<vmem>>
        %dma_wait3A_190 = tpu.memref_squeeze %dma_wait3A_189 : memref<1x128xi32, #tpu.memory_space<vmem>> -> memref<128xi32, #tpu.memory_space<vmem>>
        %dma_wait3A_191 = arith.constant 0 : i32
        %dma_wait3A_192 = tpu.memref_slice %arg4[%dma_wait3A_180, %dma_wait3A_191] : memref<2560x128xi32, #tpu.memory_space<hbm>> -> memref<1x128xi32, #tpu.memory_space<hbm>>
        %dma_wait3A_193 = tpu.memref_squeeze %dma_wait3A_192 : memref<1x128xi32, #tpu.memory_space<hbm>> -> memref<128xi32, #tpu.memory_space<hbm>>
        tpu.wait_dma2 semaphore(%arg15 : memref<!tpu.dma_semaphore, #tpu.memory_space<semaphore_mem>>) src(%dma_wait3A_193 : memref<128xi32, #tpu.memory_space<hbm>>) dst(%dma_wait3A_190 : memref<128xi32, #tpu.memory_space<vmem>>)
        %dma_wait3A_194 = arith.constant 0 : i32
        %dma_wait3A_195 = arith.constant 0 : i32
        %dma_wait3A_196 = arith.constant 0 : i32
        %dma_wait3A_197 = tpu.memref_slice %arg10[%dma_wait3A_195, %dma_wait3A_196] : memref<2x128xi32, #tpu.memory_space<vmem>> -> memref<1x128xi32, #tpu.memory_space<vmem>>
        %dma_wait3A_198 = tpu.memref_squeeze %dma_wait3A_197 : memref<1x128xi32, #tpu.memory_space<vmem>> -> memref<128xi32, #tpu.memory_space<vmem>>
        %dma_wait3A_199 = arith.constant 0 : i32
        %dma_wait3A_200 = tpu.memref_slice %arg5[%dma_wait3A_194, %dma_wait3A_199] : memref<2560x128xi32, #tpu.memory_space<hbm>> -> memref<1x128xi32, #tpu.memory_space<hbm>>
        %dma_wait3A_201 = tpu.memref_squeeze %dma_wait3A_200 : memref<1x128xi32, #tpu.memory_space<hbm>> -> memref<128xi32, #tpu.memory_space<hbm>>
        %dma_wait3A_202 = arith.constant 0 : i32
        %dma_wait3A_203 = tpu.memref_slice %arg10[%dma_wait3A_195, %dma_wait3A_202] : memref<2x128xi32, #tpu.memory_space<vmem>> -> memref<1x128xi32, #tpu.memory_space<vmem>>
        %dma_wait3A_204 = tpu.memref_squeeze %dma_wait3A_203 : memref<1x128xi32, #tpu.memory_space<vmem>> -> memref<128xi32, #tpu.memory_space<vmem>>
        %dma_wait3A_205 = arith.constant 0 : i32
        %dma_wait3A_206 = tpu.memref_slice %arg5[%dma_wait3A_194, %dma_wait3A_205] : memref<2560x128xi32, #tpu.memory_space<hbm>> -> memref<1x128xi32, #tpu.memory_space<hbm>>
        %dma_wait3A_207 = tpu.memref_squeeze %dma_wait3A_206 : memref<1x128xi32, #tpu.memory_space<hbm>> -> memref<128xi32, #tpu.memory_space<hbm>>
        tpu.wait_dma2 semaphore(%arg15 : memref<!tpu.dma_semaphore, #tpu.memory_space<semaphore_mem>>) src(%dma_wait3A_207 : memref<128xi32, #tpu.memory_space<hbm>>) dst(%dma_wait3A_204 : memref<128xi32, #tpu.memory_space<vmem>>)
        %eq3A_208 = arith.constant 0 : i32
        %eq3A_209 = arith.cmpi eq, %arg0, %eq3A_208 : i32
        %convert_element_type3A_210 = arith.extui %eq3A_209 : i1 to i32
        %cond3A_211 = arith.constant 0 : i32
        %cond3A_212 = arith.cmpi ne, %convert_element_type3A_210, %cond3A_211 : i32
        scf.if %cond3A_212 {
          %dma_start3A_218 = arith.constant 0 : i32
          %dma_start3A_219 = arith.constant 0 : i32
          %dma_start3A_220 = arith.constant 0 : i32
          %dma_start3A_221 = arith.constant 0 : i32
          %dma_start3A_222 = tpu.memref_slice %arg11[%dma_start3A_219, %dma_start3A_220, %dma_start3A_221] : memref<2x128x128xf32, #tpu.memory_space<vmem>> -> memref<1x128x128xf32, #tpu.memory_space<vmem>>
          %dma_start3A_223 = tpu.memref_squeeze %dma_start3A_222 : memref<1x128x128xf32, #tpu.memory_space<vmem>> -> memref<128x128xf32, #tpu.memory_space<vmem>>
          %dma_start3A_224 = arith.constant 0 : i32
          %dma_start3A_225 = tpu.memref_slice %arg9[%dma_start3A_218, %dma_start3A_224] : memref<2x128xi32, #tpu.memory_space<vmem>> -> memref<1x128xi32, #tpu.memory_space<vmem>>
          %dma_start3A_226 = tpu.memref_squeeze %dma_start3A_225 : memref<1x128xi32, #tpu.memory_space<vmem>> -> memref<128xi32, #tpu.memory_space<vmem>>
          %dma_start3A_227 = arith.constant 0 : i32
          %dma_start3A_228 = arith.constant 0 : i32
          %dma_start3A_229 = tpu.memref_slice %arg2[%dma_start3A_227, %dma_start3A_228] : memref<10000x128xf32, #tpu.memory_space<hbm>> -> memref<10000x128xf32, #tpu.memory_space<hbm>>
          tpu.enqueue_indirect_dma source(%dma_start3A_229 : memref<10000x128xf32, #tpu.memory_space<hbm>>) target(%dma_start3A_223 : memref<128x128xf32, #tpu.memory_space<vmem>>) offsets(%dma_start3A_226 : memref<128xi32, #tpu.memory_space<vmem>>) semaphore(%arg13 : memref<!tpu.dma_semaphore, #tpu.memory_space<semaphore_mem>>)
        } else {
        }
        %eq3A_213 = arith.constant 1 : i32
        %eq3A_214 = arith.cmpi eq, %arg0, %eq3A_213 : i32
        %convert_element_type3A_215 = arith.extui %eq3A_214 : i1 to i32
        %cond3A_216 = arith.constant 0 : i32
        %cond3A_217 = arith.cmpi ne, %convert_element_type3A_215, %cond3A_216 : i32
        scf.if %cond3A_217 {
          %dma_start3A_218 = arith.constant 0 : i32
          %dma_start3A_219 = arith.constant 0 : i32
          %dma_start3A_220 = arith.constant 0 : i32
          %dma_start3A_221 = arith.constant 0 : i32
          %dma_start3A_222 = tpu.memref_slice %arg11[%dma_start3A_219, %dma_start3A_220, %dma_start3A_221] : memref<2x128x128xf32, #tpu.memory_space<vmem>> -> memref<1x128x128xf32, #tpu.memory_space<vmem>>
          %dma_start3A_223 = tpu.memref_squeeze %dma_start3A_222 : memref<1x128x128xf32, #tpu.memory_space<vmem>> -> memref<128x128xf32, #tpu.memory_space<vmem>>
          %dma_start3A_224 = arith.constant 0 : i32
          %dma_start3A_225 = tpu.memref_slice %arg9[%dma_start3A_218, %dma_start3A_224] : memref<2x128xi32, #tpu.memory_space<vmem>> -> memref<1x128xi32, #tpu.memory_space<vmem>>
          %dma_start3A_226 = tpu.memref_squeeze %dma_start3A_225 : memref<1x128xi32, #tpu.memory_space<vmem>> -> memref<128xi32, #tpu.memory_space<vmem>>
          %dma_start3A_227 = arith.constant 0 : i32
          %dma_start3A_228 = arith.constant 0 : i32
          %dma_start3A_229 = tpu.memref_slice %arg3[%dma_start3A_227, %dma_start3A_228] : memref<10000x128xf32, #tpu.memory_space<hbm>> -> memref<10000x128xf32, #tpu.memory_space<hbm>>
          tpu.enqueue_indirect_dma source(%dma_start3A_229 : memref<10000x128xf32, #tpu.memory_space<hbm>>) target(%dma_start3A_223 : memref<128x128xf32, #tpu.memory_space<vmem>>) offsets(%dma_start3A_226 : memref<128xi32, #tpu.memory_space<vmem>>) semaphore(%arg13 : memref<!tpu.dma_semaphore, #tpu.memory_space<semaphore_mem>>)
        } else {
        }
      } else {
      }
      %dma_wait3A_159 = arith.constant 1 : i32
      %dma_wait3A_160 = arith.constant 1 : i32
      %dma_wait3A_161 = arith.constant 0 : i32
      %dma_wait3A_162 = arith.constant 0 : i32
      %dma_wait3A_163 = tpu.memref_slice %arg11[%dma_wait3A_160, %dma_wait3A_161, %dma_wait3A_162] : memref<2x128x128xf32, #tpu.memory_space<vmem>> -> memref<1x128x128xf32, #tpu.memory_space<vmem>>
      %dma_wait3A_164 = tpu.memref_squeeze %dma_wait3A_163 : memref<1x128x128xf32, #tpu.memory_space<vmem>> -> memref<128x128xf32, #tpu.memory_space<vmem>>
      %dma_wait3A_165 = arith.constant 0 : i32
      %dma_wait3A_166 = tpu.memref_slice %arg9[%dma_wait3A_159, %dma_wait3A_165] : memref<2x128xi32, #tpu.memory_space<vmem>> -> memref<1x128xi32, #tpu.memory_space<vmem>>
      %dma_wait3A_167 = tpu.memref_squeeze %dma_wait3A_166 : memref<1x128xi32, #tpu.memory_space<vmem>> -> memref<128xi32, #tpu.memory_space<vmem>>
      %dma_wait3A_168 = arith.constant 0 : i32
      %dma_wait3A_169 = arith.constant 0 : i32
      %dma_wait3A_170 = tpu.memref_slice %arg2[%dma_wait3A_168, %dma_wait3A_169] : memref<10000x128xf32, #tpu.memory_space<hbm>> -> memref<10000x128xf32, #tpu.memory_space<hbm>>
      tpu.wait_indirect_dma semaphore(%arg14 : memref<!tpu.dma_semaphore, #tpu.memory_space<semaphore_mem>>) src(%dma_wait3A_170 : memref<10000x128xf32, #tpu.memory_space<hbm>>) dst(%dma_wait3A_164 : memref<128x128xf32, #tpu.memory_space<vmem>>)
      %run_scoped3A_171 = arith.constant 1 : i32
      %run_scoped3A_172 = arith.constant 1 : i32
      "tpu.region"() ({
        %run_scoped3A_180 = tpu.sem_alloc : memref<!tpu.dma_semaphore, #tpu.memory_space<semaphore_mem>>
        %dma_start3A_181 = arith.constant 0 : i32
        %dma_start3A_182 = arith.constant 0 : i32
        %dma_start3A_183 = tpu.memref_slice %arg11[%run_scoped3A_171, %dma_start3A_181, %dma_start3A_182] : memref<2x128x128xf32, #tpu.memory_space<vmem>> -> memref<1x128x128xf32, #tpu.memory_space<vmem>>
        %dma_start3A_184 = tpu.memref_squeeze %dma_start3A_183 : memref<1x128x128xf32, #tpu.memory_space<vmem>> -> memref<128x128xf32, #tpu.memory_space<vmem>>
        %dma_start3A_185 = arith.constant 0 : i32
        %dma_start3A_186 = tpu.memref_slice %arg10[%run_scoped3A_172, %dma_start3A_185] : memref<2x128xi32, #tpu.memory_space<vmem>> -> memref<1x128xi32, #tpu.memory_space<vmem>>
        %dma_start3A_187 = tpu.memref_squeeze %dma_start3A_186 : memref<1x128xi32, #tpu.memory_space<vmem>> -> memref<128xi32, #tpu.memory_space<vmem>>
        %dma_start3A_188 = arith.constant 0 : i32
        %dma_start3A_189 = arith.constant 0 : i32
        %dma_start3A_190 = tpu.memref_slice %arg12[%dma_start3A_188, %dma_start3A_189] : memref<10112x128xf32, #tpu.memory_space<vmem_shared>> -> memref<10112x128xf32, #tpu.memory_space<vmem_shared>>
        tpu.enqueue_indirect_dma source(%dma_start3A_184 : memref<128x128xf32, #tpu.memory_space<vmem>>) target(%dma_start3A_190 : memref<10112x128xf32, #tpu.memory_space<vmem_shared>>) offsets(%dma_start3A_187 : memref<128xi32, #tpu.memory_space<vmem>>) semaphore(%run_scoped3A_180 : memref<!tpu.dma_semaphore, #tpu.memory_space<semaphore_mem>>) {add = true}
        %dma_wait3A_191 = arith.constant 0 : i32
        %dma_wait3A_192 = arith.constant 0 : i32
        %dma_wait3A_193 = tpu.memref_slice %arg11[%run_scoped3A_171, %dma_wait3A_191, %dma_wait3A_192] : memref<2x128x128xf32, #tpu.memory_space<vmem>> -> memref<1x128x128xf32, #tpu.memory_space<vmem>>
        %dma_wait3A_194 = tpu.memref_squeeze %dma_wait3A_193 : memref<1x128x128xf32, #tpu.memory_space<vmem>> -> memref<128x128xf32, #tpu.memory_space<vmem>>
        %dma_wait3A_195 = arith.constant 0 : i32
        %dma_wait3A_196 = tpu.memref_slice %arg10[%run_scoped3A_172, %dma_wait3A_195] : memref<2x128xi32, #tpu.memory_space<vmem>> -> memref<1x128xi32, #tpu.memory_space<vmem>>
        %dma_wait3A_197 = tpu.memref_squeeze %dma_wait3A_196 : memref<1x128xi32, #tpu.memory_space<vmem>> -> memref<128xi32, #tpu.memory_space<vmem>>
        %dma_wait3A_198 = arith.constant 0 : i32
        %dma_wait3A_199 = arith.constant 0 : i32
        %dma_wait3A_200 = tpu.memref_slice %arg12[%dma_wait3A_198, %dma_wait3A_199] : memref<10112x128xf32, #tpu.memory_space<vmem_shared>> -> memref<10112x128xf32, #tpu.memory_space<vmem_shared>>
        tpu.wait_indirect_dma semaphore(%run_scoped3A_180 : memref<!tpu.dma_semaphore, #tpu.memory_space<semaphore_mem>>) src(%dma_wait3A_194 : memref<128x128xf32, #tpu.memory_space<vmem>>) dst(%dma_wait3A_200 : memref<10112x128xf32, #tpu.memory_space<vmem_shared>>)
        tpu.yield
      }) : () -> ()
      %add3A_173 = arith.constant 2 : i32
      %add3A_174 = arith.addi %add3A_151, %add3A_173 : i32
      %lt3A_175 = arith.constant 160 : i32
      %lt3A_176 = arith.cmpi slt, %add3A_174, %lt3A_175 : i32
      %convert_element_type3A_177 = arith.extui %lt3A_176 : i1 to i32
      %cond3A_178 = arith.constant 0 : i32
      %cond3A_179 = arith.cmpi ne, %convert_element_type3A_177, %cond3A_178 : i32
      scf.if %cond3A_179 {
        %add3A_180 = arith.constant 2 : i32
        %add3A_181 = arith.addi %add3A_151, %add3A_180 : i32
        %mul3A_182 = arith.constant 160 : i32
        %mul3A_183 = arith.muli %arg1, %mul3A_182 : i32
        %add3A_184 = arith.addi %mul3A_183, %add3A_181 : i32
        %dma_start3A_185 = arith.constant 1 : i32
        %dma_start3A_186 = arith.constant 0 : i32
        %dma_start3A_187 = tpu.memref_slice %arg9[%dma_start3A_185, %dma_start3A_186] : memref<2x128xi32, #tpu.memory_space<vmem>> -> memref<1x128xi32, #tpu.memory_space<vmem>>
        %dma_start3A_188 = tpu.memref_squeeze %dma_start3A_187 : memref<1x128xi32, #tpu.memory_space<vmem>> -> memref<128xi32, #tpu.memory_space<vmem>>
        %dma_start3A_189 = arith.constant 0 : i32
        %dma_start3A_190 = tpu.memref_slice %arg4[%add3A_184, %dma_start3A_189] : memref<2560x128xi32, #tpu.memory_space<hbm>> -> memref<1x128xi32, #tpu.memory_space<hbm>>
        %dma_start3A_191 = tpu.memref_squeeze %dma_start3A_190 : memref<1x128xi32, #tpu.memory_space<hbm>> -> memref<128xi32, #tpu.memory_space<hbm>>
        %dma_start3A_192 = arith.constant 0 : i32
        %dma_start3A_193 = tpu.memref_slice %arg9[%dma_start3A_185, %dma_start3A_192] : memref<2x128xi32, #tpu.memory_space<vmem>> -> memref<1x128xi32, #tpu.memory_space<vmem>>
        %dma_start3A_194 = tpu.memref_squeeze %dma_start3A_193 : memref<1x128xi32, #tpu.memory_space<vmem>> -> memref<128xi32, #tpu.memory_space<vmem>>
        %dma_start3A_195 = arith.constant 0 : i32
        %dma_start3A_196 = tpu.memref_slice %arg4[%add3A_184, %dma_start3A_195] : memref<2560x128xi32, #tpu.memory_space<hbm>> -> memref<1x128xi32, #tpu.memory_space<hbm>>
        %dma_start3A_197 = tpu.memref_squeeze %dma_start3A_196 : memref<1x128xi32, #tpu.memory_space<hbm>> -> memref<128xi32, #tpu.memory_space<hbm>>
        tpu.enqueue_dma source(%dma_start3A_197 : memref<128xi32, #tpu.memory_space<hbm>>) target(%dma_start3A_194 : memref<128xi32, #tpu.memory_space<vmem>>) target_semaphore(%arg16 : memref<!tpu.dma_semaphore, #tpu.memory_space<semaphore_mem>>)
        %mul3A_198 = arith.constant 160 : i32
        %mul3A_199 = arith.muli %arg1, %mul3A_198 : i32
        %add3A_200 = arith.addi %mul3A_199, %add3A_181 : i32
        %dma_start3A_201 = arith.constant 1 : i32
        %dma_start3A_202 = arith.constant 0 : i32
        %dma_start3A_203 = tpu.memref_slice %arg10[%dma_start3A_201, %dma_start3A_202] : memref<2x128xi32, #tpu.memory_space<vmem>> -> memref<1x128xi32, #tpu.memory_space<vmem>>
        %dma_start3A_204 = tpu.memref_squeeze %dma_start3A_203 : memref<1x128xi32, #tpu.memory_space<vmem>> -> memref<128xi32, #tpu.memory_space<vmem>>
        %dma_start3A_205 = arith.constant 0 : i32
        %dma_start3A_206 = tpu.memref_slice %arg5[%add3A_200, %dma_start3A_205] : memref<2560x128xi32, #tpu.memory_space<hbm>> -> memref<1x128xi32, #tpu.memory_space<hbm>>
        %dma_start3A_207 = tpu.memref_squeeze %dma_start3A_206 : memref<1x128xi32, #tpu.memory_space<hbm>> -> memref<128xi32, #tpu.memory_space<hbm>>
        %dma_start3A_208 = arith.constant 0 : i32
        %dma_start3A_209 = tpu.memref_slice %arg10[%dma_start3A_201, %dma_start3A_208] : memref<2x128xi32, #tpu.memory_space<vmem>> -> memref<1x128xi32, #tpu.memory_space<vmem>>
        %dma_start3A_210 = tpu.memref_squeeze %dma_start3A_209 : memref<1x128xi32, #tpu.memory_space<vmem>> -> memref<128xi32, #tpu.memory_space<vmem>>
        %dma_start3A_211 = arith.constant 0 : i32
        %dma_start3A_212 = tpu.memref_slice %arg5[%add3A_200, %dma_start3A_211] : memref<2560x128xi32, #tpu.memory_space<hbm>> -> memref<1x128xi32, #tpu.memory_space<hbm>>
        %dma_start3A_213 = tpu.memref_squeeze %dma_start3A_212 : memref<1x128xi32, #tpu.memory_space<hbm>> -> memref<128xi32, #tpu.memory_space<hbm>>
        tpu.enqueue_dma source(%dma_start3A_213 : memref<128xi32, #tpu.memory_space<hbm>>) target(%dma_start3A_210 : memref<128xi32, #tpu.memory_space<vmem>>) target_semaphore(%arg16 : memref<!tpu.dma_semaphore, #tpu.memory_space<semaphore_mem>>)
      } else {
      }
    }
    %scan3A_105 = arith.constant 80 : i32
    %barrier3A_106 = arith.constant 0 : index
    tpu.barrier barrier_id(%barrier3A_106)
    %eq3A_107 = arith.constant 0 : i32
    %eq3A_108 = arith.cmpi eq, %arg0, %eq3A_107 : i32
    %convert_element_type3A_109 = arith.extui %eq3A_108 : i1 to i32
    %cond3A_110 = arith.constant 0 : i32
    %cond3A_111 = arith.cmpi ne, %convert_element_type3A_109, %cond3A_110 : i32
    scf.if %cond3A_111 {
      %mul3A_117 = arith.constant 632 : i32
      %mul3A_118 = arith.muli %arg1, %mul3A_117 : i32
      %mul3A_119 = arith.constant 632 : i32
      %mul3A_120 = arith.muli %arg1, %mul3A_119 : i32
      "tpu.region"() ({
        %run_scoped3A = tpu.sem_alloc : memref<!tpu.dma_semaphore, #tpu.memory_space<semaphore_mem>>
        %dma_start3A_121 = arith.constant 0 : i32
        %dma_start3A_122 = tpu.memref_slice %arg7[%mul3A_120, %dma_start3A_121] : memref<10112x128xf32, #tpu.memory_space<hbm>> -> memref<632x128xf32, #tpu.memory_space<hbm>>
        %dma_start3A_123 = arith.constant 0 : i32
        %dma_start3A_124 = tpu.memref_slice %arg12[%mul3A_118, %dma_start3A_123] : memref<10112x128xf32, #tpu.memory_space<vmem_shared>> -> memref<632x128xf32, #tpu.memory_space<vmem_shared>>
        tpu.enqueue_dma source(%dma_start3A_124 : memref<632x128xf32, #tpu.memory_space<vmem_shared>>) target(%dma_start3A_122 : memref<632x128xf32, #tpu.memory_space<hbm>>) target_semaphore(%run_scoped3A : memref<!tpu.dma_semaphore, #tpu.memory_space<semaphore_mem>>)
        %dma_wait3A_125 = arith.constant 0 : i32
        %dma_wait3A_126 = tpu.memref_slice %arg7[%mul3A_120, %dma_wait3A_125] : memref<10112x128xf32, #tpu.memory_space<hbm>> -> memref<632x128xf32, #tpu.memory_space<hbm>>
        %dma_wait3A_127 = arith.constant 0 : i32
        %dma_wait3A_128 = tpu.memref_slice %arg12[%mul3A_118, %dma_wait3A_127] : memref<10112x128xf32, #tpu.memory_space<vmem_shared>> -> memref<632x128xf32, #tpu.memory_space<vmem_shared>>
        tpu.wait_dma2 semaphore(%run_scoped3A : memref<!tpu.dma_semaphore, #tpu.memory_space<semaphore_mem>>) src(%dma_wait3A_128 : memref<632x128xf32, #tpu.memory_space<vmem_shared>>) dst(%dma_wait3A_126 : memref<632x128xf32, #tpu.memory_space<hbm>>)
        tpu.yield
      }) : () -> ()
    } else {
    }
    %eq3A_112 = arith.constant 1 : i32
    %eq3A_113 = arith.cmpi eq, %arg0, %eq3A_112 : i32
    %convert_element_type3A_114 = arith.extui %eq3A_113 : i1 to i32
    %cond3A_115 = arith.constant 0 : i32
    %cond3A_116 = arith.cmpi ne, %convert_element_type3A_114, %cond3A_115 : i32
    scf.if %cond3A_116 {
      %mul3A_117 = arith.constant 632 : i32
      %mul3A_118 = arith.muli %arg1, %mul3A_117 : i32
      %mul3A_119 = arith.constant 632 : i32
      %mul3A_120 = arith.muli %arg1, %mul3A_119 : i32
      "tpu.region"() ({
        %run_scoped3A = tpu.sem_alloc : memref<!tpu.dma_semaphore, #tpu.memory_space<semaphore_mem>>
        %dma_start3A_121 = arith.constant 0 : i32
        %dma_start3A_122 = tpu.memref_slice %arg8[%mul3A_120, %dma_start3A_121] : memref<10112x128xf32, #tpu.memory_space<hbm>> -> memref<632x128xf32, #tpu.memory_space<hbm>>
        %dma_start3A_123 = arith.constant 0 : i32
        %dma_start3A_124 = tpu.memref_slice %arg12[%mul3A_118, %dma_start3A_123] : memref<10112x128xf32, #tpu.memory_space<vmem_shared>> -> memref<632x128xf32, #tpu.memory_space<vmem_shared>>
        tpu.enqueue_dma source(%dma_start3A_124 : memref<632x128xf32, #tpu.memory_space<vmem_shared>>) target(%dma_start3A_122 : memref<632x128xf32, #tpu.memory_space<hbm>>) target_semaphore(%run_scoped3A : memref<!tpu.dma_semaphore, #tpu.memory_space<semaphore_mem>>)
        %dma_wait3A_125 = arith.constant 0 : i32
        %dma_wait3A_126 = tpu.memref_slice %arg8[%mul3A_120, %dma_wait3A_125] : memref<10112x128xf32, #tpu.memory_space<hbm>> -> memref<632x128xf32, #tpu.memory_space<hbm>>
        %dma_wait3A_127 = arith.constant 0 : i32
        %dma_wait3A_128 = tpu.memref_slice %arg12[%mul3A_118, %dma_wait3A_127] : memref<10112x128xf32, #tpu.memory_space<vmem_shared>> -> memref<632x128xf32, #tpu.memory_space<vmem_shared>>
        tpu.wait_dma2 semaphore(%run_scoped3A : memref<!tpu.dma_semaphore, #tpu.memory_space<semaphore_mem>>) src(%dma_wait3A_128 : memref<632x128xf32, #tpu.memory_space<vmem_shared>>) dst(%dma_wait3A_126 : memref<632x128xf32, #tpu.memory_space<hbm>>)
        tpu.yield
      }) : () -> ()
    } else {
    }
    return
  }
}

#map = affine_map<(d0, d1) -> (0, 0)>
module attributes {stable_mosaic.version = 14 : i64} {
  func.func @_deg_body(%arg0: i32, %arg1: i32, %arg2: memref<2560x128xi32, #tpu.memory_space<hbm>>, %arg3: memref<128x128xf32, #tpu.memory_space<hbm>>, %arg4: memref<632x128xf32, #tpu.memory_space<hbm>>, %arg5: memref<10112x128xf32, #tpu.memory_space<hbm>>, %arg6: memref<10112x128xf32, #tpu.memory_space<hbm>>, %arg7: memref<80x128xi32, #tpu.memory_space<vmem>>, %arg8: memref<128x128xf32, #tpu.memory_space<vmem>>, %arg9: memref<10112x128xf32, #tpu.memory_space<vmem_shared>>, %arg10: memref<!tpu.dma_semaphore, #tpu.memory_space<semaphore_mem>>) attributes {dimension_semantics = [#tpu.dimension_semantics<core_parallel>, #tpu.dimension_semantics<subcore_parallel>], iteration_bounds = array<i64: 2, 16>, scalar_prefetch = 0 : i64, scratch_operands = 4 : i64, tpu.core_type = #tpu.core_type<sc_vector_subcore>, window_params = [{transform_indices = #map}, {transform_indices = #map}, {transform_indices = #map}, {transform_indices = #map}, {transform_indices = #map}]} {
    %mul3A = arith.constant 632 : i32
    %mul3A_0 = arith.muli %arg1, %mul3A : i32
    "tpu.region"() ({
      %run_scoped3A = tpu.sem_alloc : memref<!tpu.dma_semaphore, #tpu.memory_space<semaphore_mem>>
      %dma_start3A = arith.constant 0 : i32
      %dma_start3A_24 = tpu.memref_slice %arg9[%mul3A_0, %dma_start3A] : memref<10112x128xf32, #tpu.memory_space<vmem_shared>> -> memref<632x128xf32, #tpu.memory_space<vmem_shared>>
      tpu.enqueue_dma source(%arg4 : memref<632x128xf32, #tpu.memory_space<hbm>>) target(%dma_start3A_24 : memref<632x128xf32, #tpu.memory_space<vmem_shared>>) target_semaphore(%run_scoped3A : memref<!tpu.dma_semaphore, #tpu.memory_space<semaphore_mem>>)
      %dma_wait3A = arith.constant 0 : i32
      %dma_wait3A_25 = tpu.memref_slice %arg9[%mul3A_0, %dma_wait3A] : memref<10112x128xf32, #tpu.memory_space<vmem_shared>> -> memref<632x128xf32, #tpu.memory_space<vmem_shared>>
      tpu.wait_dma2 semaphore(%run_scoped3A : memref<!tpu.dma_semaphore, #tpu.memory_space<semaphore_mem>>) src(%arg4 : memref<632x128xf32, #tpu.memory_space<hbm>>) dst(%dma_wait3A_25 : memref<632x128xf32, #tpu.memory_space<vmem_shared>>)
      tpu.yield
    }) : () -> ()
    "tpu.region"() ({
      %run_scoped3A = tpu.sem_alloc : memref<!tpu.dma_semaphore, #tpu.memory_space<semaphore_mem>>
      tpu.enqueue_dma source(%arg3 : memref<128x128xf32, #tpu.memory_space<hbm>>) target(%arg8 : memref<128x128xf32, #tpu.memory_space<vmem>>) target_semaphore(%run_scoped3A : memref<!tpu.dma_semaphore, #tpu.memory_space<semaphore_mem>>)
      tpu.wait_dma2 semaphore(%run_scoped3A : memref<!tpu.dma_semaphore, #tpu.memory_space<semaphore_mem>>) src(%arg3 : memref<128x128xf32, #tpu.memory_space<hbm>>) dst(%arg8 : memref<128x128xf32, #tpu.memory_space<vmem>>)
      tpu.yield
    }) : () -> ()
    %mul3A_1 = arith.constant 16 : i32
    %mul3A_2 = arith.muli %arg0, %mul3A_1 : i32
    %add3A = arith.addi %mul3A_2, %arg1 : i32
    %mul3A_3 = arith.constant 80 : i32
    %mul3A_4 = arith.muli %add3A, %mul3A_3 : i32
    "tpu.region"() ({
      %run_scoped3A = tpu.sem_alloc : memref<!tpu.dma_semaphore, #tpu.memory_space<semaphore_mem>>
      %dma_start3A = arith.constant 0 : i32
      %dma_start3A_24 = tpu.memref_slice %arg2[%mul3A_4, %dma_start3A] : memref<2560x128xi32, #tpu.memory_space<hbm>> -> memref<80x128xi32, #tpu.memory_space<hbm>>
      %dma_start3A_25 = arith.constant 0 : i32
      %dma_start3A_26 = tpu.memref_slice %arg2[%mul3A_4, %dma_start3A_25] : memref<2560x128xi32, #tpu.memory_space<hbm>> -> memref<80x128xi32, #tpu.memory_space<hbm>>
      tpu.enqueue_dma source(%dma_start3A_26 : memref<80x128xi32, #tpu.memory_space<hbm>>) target(%arg7 : memref<80x128xi32, #tpu.memory_space<vmem>>) target_semaphore(%run_scoped3A : memref<!tpu.dma_semaphore, #tpu.memory_space<semaphore_mem>>)
      %dma_wait3A = arith.constant 0 : i32
      %dma_wait3A_27 = tpu.memref_slice %arg2[%mul3A_4, %dma_wait3A] : memref<2560x128xi32, #tpu.memory_space<hbm>> -> memref<80x128xi32, #tpu.memory_space<hbm>>
      %dma_wait3A_28 = arith.constant 0 : i32
      %dma_wait3A_29 = tpu.memref_slice %arg2[%mul3A_4, %dma_wait3A_28] : memref<2560x128xi32, #tpu.memory_space<hbm>> -> memref<80x128xi32, #tpu.memory_space<hbm>>
      tpu.wait_dma2 semaphore(%run_scoped3A : memref<!tpu.dma_semaphore, #tpu.memory_space<semaphore_mem>>) src(%dma_wait3A_29 : memref<80x128xi32, #tpu.memory_space<hbm>>) dst(%arg7 : memref<80x128xi32, #tpu.memory_space<vmem>>)
      tpu.yield
    }) : () -> ()
    %barrier3A = arith.constant 0 : index
    tpu.barrier barrier_id(%barrier3A)
    %scan3A = arith.constant 0 : i32
    %scan3A_5 = arith.constant 0 : i32
    %scan3A_6 = arith.constant 80 : i32
    %scan3A_7 = arith.addi %scan3A_5, %scan3A_6 : i32
    %scan3A_8 = arith.constant 1 : i32
    scf.for %scan3A_24 = %scan3A_5 to %scan3A_7 step %scan3A_8  : i32 {
      %dma_start3A = arith.constant 0 : i32
      %dma_start3A_25 = tpu.memref_slice %arg7[%scan3A_24, %dma_start3A] : memref<80x128xi32, #tpu.memory_space<vmem>> -> memref<1x128xi32, #tpu.memory_space<vmem>>
      %dma_start3A_26 = tpu.memref_squeeze %dma_start3A_25 : memref<1x128xi32, #tpu.memory_space<vmem>> -> memref<128xi32, #tpu.memory_space<vmem>>
      %dma_start3A_27 = arith.constant 0 : i32
      %dma_start3A_28 = arith.constant 0 : i32
      %dma_start3A_29 = tpu.memref_slice %arg9[%dma_start3A_27, %dma_start3A_28] : memref<10112x128xf32, #tpu.memory_space<vmem_shared>> -> memref<10112x128xf32, #tpu.memory_space<vmem_shared>>
      tpu.enqueue_indirect_dma source(%arg8 : memref<128x128xf32, #tpu.memory_space<vmem>>) target(%dma_start3A_29 : memref<10112x128xf32, #tpu.memory_space<vmem_shared>>) offsets(%dma_start3A_26 : memref<128xi32, #tpu.memory_space<vmem>>) semaphore(%arg10 : memref<!tpu.dma_semaphore, #tpu.memory_space<semaphore_mem>>) {add = true}
    }
    %scan3A_9 = arith.constant 80 : i32
    %scan3A_10 = arith.constant 0 : i32
    %scan3A_11 = arith.constant 0 : i32
    %scan3A_12 = arith.constant 80 : i32
    %scan3A_13 = arith.addi %scan3A_11, %scan3A_12 : i32
    %scan3A_14 = arith.constant 1 : i32
    scf.for %scan3A_24 = %scan3A_11 to %scan3A_13 step %scan3A_14  : i32 {
      %dma_wait3A = arith.constant 0 : i32
      %dma_wait3A_25 = tpu.memref_slice %arg7[%scan3A_24, %dma_wait3A] : memref<80x128xi32, #tpu.memory_space<vmem>> -> memref<1x128xi32, #tpu.memory_space<vmem>>
      %dma_wait3A_26 = tpu.memref_squeeze %dma_wait3A_25 : memref<1x128xi32, #tpu.memory_space<vmem>> -> memref<128xi32, #tpu.memory_space<vmem>>
      %dma_wait3A_27 = arith.constant 0 : i32
      %dma_wait3A_28 = arith.constant 0 : i32
      %dma_wait3A_29 = tpu.memref_slice %arg9[%dma_wait3A_27, %dma_wait3A_28] : memref<10112x128xf32, #tpu.memory_space<vmem_shared>> -> memref<10112x128xf32, #tpu.memory_space<vmem_shared>>
      tpu.wait_indirect_dma semaphore(%arg10 : memref<!tpu.dma_semaphore, #tpu.memory_space<semaphore_mem>>) src(%arg8 : memref<128x128xf32, #tpu.memory_space<vmem>>) dst(%dma_wait3A_29 : memref<10112x128xf32, #tpu.memory_space<vmem_shared>>)
    }
    %scan3A_15 = arith.constant 80 : i32
    %barrier3A_16 = arith.constant 0 : index
    tpu.barrier barrier_id(%barrier3A_16)
    %eq3A = arith.constant 0 : i32
    %eq3A_17 = arith.cmpi eq, %arg0, %eq3A : i32
    %convert_element_type3A = arith.extui %eq3A_17 : i1 to i32
    %cond3A = arith.constant 0 : i32
    %cond3A_18 = arith.cmpi ne, %convert_element_type3A, %cond3A : i32
    scf.if %cond3A_18 {
      %mul3A_24 = arith.constant 632 : i32
      %mul3A_25 = arith.muli %arg1, %mul3A_24 : i32
      %mul3A_26 = arith.constant 632 : i32
      %mul3A_27 = arith.muli %arg1, %mul3A_26 : i32
      "tpu.region"() ({
        %run_scoped3A = tpu.sem_alloc : memref<!tpu.dma_semaphore, #tpu.memory_space<semaphore_mem>>
        %dma_start3A = arith.constant 0 : i32
        %dma_start3A_28 = tpu.memref_slice %arg5[%mul3A_27, %dma_start3A] : memref<10112x128xf32, #tpu.memory_space<hbm>> -> memref<632x128xf32, #tpu.memory_space<hbm>>
        %dma_start3A_29 = arith.constant 0 : i32
        %dma_start3A_30 = tpu.memref_slice %arg9[%mul3A_25, %dma_start3A_29] : memref<10112x128xf32, #tpu.memory_space<vmem_shared>> -> memref<632x128xf32, #tpu.memory_space<vmem_shared>>
        tpu.enqueue_dma source(%dma_start3A_30 : memref<632x128xf32, #tpu.memory_space<vmem_shared>>) target(%dma_start3A_28 : memref<632x128xf32, #tpu.memory_space<hbm>>) target_semaphore(%run_scoped3A : memref<!tpu.dma_semaphore, #tpu.memory_space<semaphore_mem>>)
        %dma_wait3A = arith.constant 0 : i32
        %dma_wait3A_31 = tpu.memref_slice %arg5[%mul3A_27, %dma_wait3A] : memref<10112x128xf32, #tpu.memory_space<hbm>> -> memref<632x128xf32, #tpu.memory_space<hbm>>
        %dma_wait3A_32 = arith.constant 0 : i32
        %dma_wait3A_33 = tpu.memref_slice %arg9[%mul3A_25, %dma_wait3A_32] : memref<10112x128xf32, #tpu.memory_space<vmem_shared>> -> memref<632x128xf32, #tpu.memory_space<vmem_shared>>
        tpu.wait_dma2 semaphore(%run_scoped3A : memref<!tpu.dma_semaphore, #tpu.memory_space<semaphore_mem>>) src(%dma_wait3A_33 : memref<632x128xf32, #tpu.memory_space<vmem_shared>>) dst(%dma_wait3A_31 : memref<632x128xf32, #tpu.memory_space<hbm>>)
        tpu.yield
      }) : () -> ()
    } else {
    }
    %eq3A_19 = arith.constant 1 : i32
    %eq3A_20 = arith.cmpi eq, %arg0, %eq3A_19 : i32
    %convert_element_type3A_21 = arith.extui %eq3A_20 : i1 to i32
    %cond3A_22 = arith.constant 0 : i32
    %cond3A_23 = arith.cmpi ne, %convert_element_type3A_21, %cond3A_22 : i32
    scf.if %cond3A_23 {
      %mul3A_24 = arith.constant 632 : i32
      %mul3A_25 = arith.muli %arg1, %mul3A_24 : i32
      %mul3A_26 = arith.constant 632 : i32
      %mul3A_27 = arith.muli %arg1, %mul3A_26 : i32
      "tpu.region"() ({
        %run_scoped3A = tpu.sem_alloc : memref<!tpu.dma_semaphore, #tpu.memory_space<semaphore_mem>>
        %dma_start3A = arith.constant 0 : i32
        %dma_start3A_28 = tpu.memref_slice %arg6[%mul3A_27, %dma_start3A] : memref<10112x128xf32, #tpu.memory_space<hbm>> -> memref<632x128xf32, #tpu.memory_space<hbm>>
        %dma_start3A_29 = arith.constant 0 : i32
        %dma_start3A_30 = tpu.memref_slice %arg9[%mul3A_25, %dma_start3A_29] : memref<10112x128xf32, #tpu.memory_space<vmem_shared>> -> memref<632x128xf32, #tpu.memory_space<vmem_shared>>
        tpu.enqueue_dma source(%dma_start3A_30 : memref<632x128xf32, #tpu.memory_space<vmem_shared>>) target(%dma_start3A_28 : memref<632x128xf32, #tpu.memory_space<hbm>>) target_semaphore(%run_scoped3A : memref<!tpu.dma_semaphore, #tpu.memory_space<semaphore_mem>>)
        %dma_wait3A = arith.constant 0 : i32
        %dma_wait3A_31 = tpu.memref_slice %arg6[%mul3A_27, %dma_wait3A] : memref<10112x128xf32, #tpu.memory_space<hbm>> -> memref<632x128xf32, #tpu.memory_space<hbm>>
        %dma_wait3A_32 = arith.constant 0 : i32
        %dma_wait3A_33 = tpu.memref_slice %arg9[%mul3A_25, %dma_wait3A_32] : memref<10112x128xf32, #tpu.memory_space<vmem_shared>> -> memref<632x128xf32, #tpu.memory_space<vmem_shared>>
        tpu.wait_dma2 semaphore(%run_scoped3A : memref<!tpu.dma_semaphore, #tpu.memory_space<semaphore_mem>>) src(%dma_wait3A_33 : memref<632x128xf32, #tpu.memory_space<vmem_shared>>) dst(%dma_wait3A_31 : memref<632x128xf32, #tpu.memory_space<hbm>>)
        tpu.yield
      }) : () -> ()
    } else {
    }
    return
  }
}

#map = affine_map<(d0, d1) -> (0, 0)>
module attributes {stable_mosaic.version = 14 : i64} {
  func.func @_scatter_body(%arg0: i32, %arg1: i32, %arg2: memref<10000x128xf32, #tpu.memory_space<hbm>>, %arg3: memref<10000x128xf32, #tpu.memory_space<hbm>>, %arg4: memref<2560x128xi32, #tpu.memory_space<hbm>>, %arg5: memref<2560x128xi32, #tpu.memory_space<hbm>>, %arg6: memref<632x128xf32, #tpu.memory_space<hbm>>, %arg7: memref<10112x128xf32, #tpu.memory_space<hbm>>, %arg8: memref<10112x128xf32, #tpu.memory_space<hbm>>, %arg9: memref<2x128xi32, #tpu.memory_space<vmem>>, %arg10: memref<2x128xi32, #tpu.memory_space<vmem>>, %arg11: memref<2x128x128xf32, #tpu.memory_space<vmem>>, %arg12: memref<10112x128xf32, #tpu.memory_space<vmem_shared>>, %arg13: memref<!tpu.dma_semaphore, #tpu.memory_space<semaphore_mem>>, %arg14: memref<!tpu.dma_semaphore, #tpu.memory_space<semaphore_mem>>, %arg15: memref<!tpu.dma_semaphore, #tpu.memory_space<semaphore_mem>>, %arg16: memref<!tpu.dma_semaphore, #tpu.memory_space<semaphore_mem>>, %arg17: memref<!tpu.dma_semaphore, #tpu.memory_space<semaphore_mem>>, %arg18: memref<!tpu.dma_semaphore, #tpu.memory_space<semaphore_mem>>) attributes {dimension_semantics = [#tpu.dimension_semantics<core_parallel>, #tpu.dimension_semantics<subcore_parallel>], iteration_bounds = array<i64: 2, 16>, scalar_prefetch = 0 : i64, scratch_operands = 10 : i64, tpu.core_type = #tpu.core_type<sc_vector_subcore>, window_params = [{transform_indices = #map}, {transform_indices = #map}, {transform_indices = #map}, {transform_indices = #map}, {transform_indices = #map}, {transform_indices = #map}, {transform_indices = #map}]} {
    %mul3A = arith.constant 632 : i32
    %mul3A_0 = arith.muli %arg1, %mul3A : i32
    "tpu.region"() ({
      %run_scoped3A = tpu.sem_alloc : memref<!tpu.dma_semaphore, #tpu.memory_space<semaphore_mem>>
      %dma_start3A_117 = arith.constant 0 : i32
      %dma_start3A_118 = tpu.memref_slice %arg12[%mul3A_0, %dma_start3A_117] : memref<10112x128xf32, #tpu.memory_space<vmem_shared>> -> memref<632x128xf32, #tpu.memory_space<vmem_shared>>
      tpu.enqueue_dma source(%arg6 : memref<632x128xf32, #tpu.memory_space<hbm>>) target(%dma_start3A_118 : memref<632x128xf32, #tpu.memory_space<vmem_shared>>) target_semaphore(%run_scoped3A : memref<!tpu.dma_semaphore, #tpu.memory_space<semaphore_mem>>)
      %dma_wait3A_119 = arith.constant 0 : i32
      %dma_wait3A_120 = tpu.memref_slice %arg12[%mul3A_0, %dma_wait3A_119] : memref<10112x128xf32, #tpu.memory_space<vmem_shared>> -> memref<632x128xf32, #tpu.memory_space<vmem_shared>>
      tpu.wait_dma2 semaphore(%run_scoped3A : memref<!tpu.dma_semaphore, #tpu.memory_space<semaphore_mem>>) src(%arg6 : memref<632x128xf32, #tpu.memory_space<hbm>>) dst(%dma_wait3A_120 : memref<632x128xf32, #tpu.memory_space<vmem_shared>>)
      tpu.yield
    }) : () -> ()
    %barrier3A = arith.constant 0 : index
    tpu.barrier barrier_id(%barrier3A)
    %mul3A_1 = arith.constant 160 : i32
    %mul3A_2 = arith.muli %arg1, %mul3A_1 : i32
    %add3A = arith.constant 0 : i32
    %add3A_3 = arith.addi %mul3A_2, %add3A : i32
    %dma_start3A = arith.constant 0 : i32
    %dma_start3A_4 = arith.constant 0 : i32
    %dma_start3A_5 = tpu.memref_slice %arg9[%dma_start3A, %dma_start3A_4] : memref<2x128xi32, #tpu.memory_space<vmem>> -> memref<1x128xi32, #tpu.memory_space<vmem>>
    %dma_start3A_6 = tpu.memref_squeeze %dma_start3A_5 : memref<1x128xi32, #tpu.memory_space<vmem>> -> memref<128xi32, #tpu.memory_space<vmem>>
    %dma_start3A_7 = arith.constant 0 : i32
    %dma_start3A_8 = tpu.memref_slice %arg4[%add3A_3, %dma_start3A_7] : memref<2560x128xi32, #tpu.memory_space<hbm>> -> memref<1x128xi32, #tpu.memory_space<hbm>>
    %dma_start3A_9 = tpu.memref_squeeze %dma_start3A_8 : memref<1x128xi32, #tpu.memory_space<hbm>> -> memref<128xi32, #tpu.memory_space<hbm>>
    %dma_start3A_10 = arith.constant 0 : i32
    %dma_start3A_11 = tpu.memref_slice %arg9[%dma_start3A, %dma_start3A_10] : memref<2x128xi32, #tpu.memory_space<vmem>> -> memref<1x128xi32, #tpu.memory_space<vmem>>
    %dma_start3A_12 = tpu.memref_squeeze %dma_start3A_11 : memref<1x128xi32, #tpu.memory_space<vmem>> -> memref<128xi32, #tpu.memory_space<vmem>>
    %dma_start3A_13 = arith.constant 0 : i32
    %dma_start3A_14 = tpu.memref_slice %arg4[%add3A_3, %dma_start3A_13] : memref<2560x128xi32, #tpu.memory_space<hbm>> -> memref<1x128xi32, #tpu.memory_space<hbm>>
    %dma_start3A_15 = tpu.memref_squeeze %dma_start3A_14 : memref<1x128xi32, #tpu.memory_space<hbm>> -> memref<128xi32, #tpu.memory_space<hbm>>
    tpu.enqueue_dma source(%dma_start3A_15 : memref<128xi32, #tpu.memory_space<hbm>>) target(%dma_start3A_12 : memref<128xi32, #tpu.memory_space<vmem>>) target_semaphore(%arg15 : memref<!tpu.dma_semaphore, #tpu.memory_space<semaphore_mem>>)
    %mul3A_16 = arith.constant 160 : i32
    %mul3A_17 = arith.muli %arg1, %mul3A_16 : i32
    %add3A_18 = arith.constant 0 : i32
    %add3A_19 = arith.addi %mul3A_17, %add3A_18 : i32
    %dma_start3A_20 = arith.constant 0 : i32
    %dma_start3A_21 = arith.constant 0 : i32
    %dma_start3A_22 = tpu.memref_slice %arg10[%dma_start3A_20, %dma_start3A_21] : memref<2x128xi32, #tpu.memory_space<vmem>> -> memref<1x128xi32, #tpu.memory_space<vmem>>
    %dma_start3A_23 = tpu.memref_squeeze %dma_start3A_22 : memref<1x128xi32, #tpu.memory_space<vmem>> -> memref<128xi32, #tpu.memory_space<vmem>>
    %dma_start3A_24 = arith.constant 0 : i32
    %dma_start3A_25 = tpu.memref_slice %arg5[%add3A_19, %dma_start3A_24] : memref<2560x128xi32, #tpu.memory_space<hbm>> -> memref<1x128xi32, #tpu.memory_space<hbm>>
    %dma_start3A_26 = tpu.memref_squeeze %dma_start3A_25 : memref<1x128xi32, #tpu.memory_space<hbm>> -> memref<128xi32, #tpu.memory_space<hbm>>
    %dma_start3A_27 = arith.constant 0 : i32
    %dma_start3A_28 = tpu.memref_slice %arg10[%dma_start3A_20, %dma_start3A_27] : memref<2x128xi32, #tpu.memory_space<vmem>> -> memref<1x128xi32, #tpu.memory_space<vmem>>
    %dma_start3A_29 = tpu.memref_squeeze %dma_start3A_28 : memref<1x128xi32, #tpu.memory_space<vmem>> -> memref<128xi32, #tpu.memory_space<vmem>>
    %dma_start3A_30 = arith.constant 0 : i32
    %dma_start3A_31 = tpu.memref_slice %arg5[%add3A_19, %dma_start3A_30] : memref<2560x128xi32, #tpu.memory_space<hbm>> -> memref<1x128xi32, #tpu.memory_space<hbm>>
    %dma_start3A_32 = tpu.memref_squeeze %dma_start3A_31 : memref<1x128xi32, #tpu.memory_space<hbm>> -> memref<128xi32, #tpu.memory_space<hbm>>
    tpu.enqueue_dma source(%dma_start3A_32 : memref<128xi32, #tpu.memory_space<hbm>>) target(%dma_start3A_29 : memref<128xi32, #tpu.memory_space<vmem>>) target_semaphore(%arg15 : memref<!tpu.dma_semaphore, #tpu.memory_space<semaphore_mem>>)
    %mul3A_33 = arith.constant 160 : i32
    %mul3A_34 = arith.muli %arg1, %mul3A_33 : i32
    %add3A_35 = arith.constant 1 : i32
    %add3A_36 = arith.addi %mul3A_34, %add3A_35 : i32
    %dma_start3A_37 = arith.constant 1 : i32
    %dma_start3A_38 = arith.constant 0 : i32
    %dma_start3A_39 = tpu.memref_slice %arg9[%dma_start3A_37, %dma_start3A_38] : memref<2x128xi32, #tpu.memory_space<vmem>> -> memref<1x128xi32, #tpu.memory_space<vmem>>
    %dma_start3A_40 = tpu.memref_squeeze %dma_start3A_39 : memref<1x128xi32, #tpu.memory_space<vmem>> -> memref<128xi32, #tpu.memory_space<vmem>>
    %dma_start3A_41 = arith.constant 0 : i32
    %dma_start3A_42 = tpu.memref_slice %arg4[%add3A_36, %dma_start3A_41] : memref<2560x128xi32, #tpu.memory_space<hbm>> -> memref<1x128xi32, #tpu.memory_space<hbm>>
    %dma_start3A_43 = tpu.memref_squeeze %dma_start3A_42 : memref<1x128xi32, #tpu.memory_space<hbm>> -> memref<128xi32, #tpu.memory_space<hbm>>
    %dma_start3A_44 = arith.constant 0 : i32
    %dma_start3A_45 = tpu.memref_slice %arg9[%dma_start3A_37, %dma_start3A_44] : memref<2x128xi32, #tpu.memory_space<vmem>> -> memref<1x128xi32, #tpu.memory_space<vmem>>
    %dma_start3A_46 = tpu.memref_squeeze %dma_start3A_45 : memref<1x128xi32, #tpu.memory_space<vmem>> -> memref<128xi32, #tpu.memory_space<vmem>>
    %dma_start3A_47 = arith.constant 0 : i32
    %dma_start3A_48 = tpu.memref_slice %arg4[%add3A_36, %dma_start3A_47] : memref<2560x128xi32, #tpu.memory_space<hbm>> -> memref<1x128xi32, #tpu.memory_space<hbm>>
    %dma_start3A_49 = tpu.memref_squeeze %dma_start3A_48 : memref<1x128xi32, #tpu.memory_space<hbm>> -> memref<128xi32, #tpu.memory_space<hbm>>
    tpu.enqueue_dma source(%dma_start3A_49 : memref<128xi32, #tpu.memory_space<hbm>>) target(%dma_start3A_46 : memref<128xi32, #tpu.memory_space<vmem>>) target_semaphore(%arg16 : memref<!tpu.dma_semaphore, #tpu.memory_space<semaphore_mem>>)
    %mul3A_50 = arith.constant 160 : i32
    %mul3A_51 = arith.muli %arg1, %mul3A_50 : i32
    %add3A_52 = arith.constant 1 : i32
    %add3A_53 = arith.addi %mul3A_51, %add3A_52 : i32
    %dma_start3A_54 = arith.constant 1 : i32
    %dma_start3A_55 = arith.constant 0 : i32
    %dma_start3A_56 = tpu.memref_slice %arg10[%dma_start3A_54, %dma_start3A_55] : memref<2x128xi32, #tpu.memory_space<vmem>> -> memref<1x128xi32, #tpu.memory_space<vmem>>
    %dma_start3A_57 = tpu.memref_squeeze %dma_start3A_56 : memref<1x128xi32, #tpu.memory_space<vmem>> -> memref<128xi32, #tpu.memory_space<vmem>>
    %dma_start3A_58 = arith.constant 0 : i32
    %dma_start3A_59 = tpu.memref_slice %arg5[%add3A_53, %dma_start3A_58] : memref<2560x128xi32, #tpu.memory_space<hbm>> -> memref<1x128xi32, #tpu.memory_space<hbm>>
    %dma_start3A_60 = tpu.memref_squeeze %dma_start3A_59 : memref<1x128xi32, #tpu.memory_space<hbm>> -> memref<128xi32, #tpu.memory_space<hbm>>
    %dma_start3A_61 = arith.constant 0 : i32
    %dma_start3A_62 = tpu.memref_slice %arg10[%dma_start3A_54, %dma_start3A_61] : memref<2x128xi32, #tpu.memory_space<vmem>> -> memref<1x128xi32, #tpu.memory_space<vmem>>
    %dma_start3A_63 = tpu.memref_squeeze %dma_start3A_62 : memref<1x128xi32, #tpu.memory_space<vmem>> -> memref<128xi32, #tpu.memory_space<vmem>>
    %dma_start3A_64 = arith.constant 0 : i32
    %dma_start3A_65 = tpu.memref_slice %arg5[%add3A_53, %dma_start3A_64] : memref<2560x128xi32, #tpu.memory_space<hbm>> -> memref<1x128xi32, #tpu.memory_space<hbm>>
    %dma_start3A_66 = tpu.memref_squeeze %dma_start3A_65 : memref<1x128xi32, #tpu.memory_space<hbm>> -> memref<128xi32, #tpu.memory_space<hbm>>
    tpu.enqueue_dma source(%dma_start3A_66 : memref<128xi32, #tpu.memory_space<hbm>>) target(%dma_start3A_63 : memref<128xi32, #tpu.memory_space<vmem>>) target_semaphore(%arg16 : memref<!tpu.dma_semaphore, #tpu.memory_space<semaphore_mem>>)
    %dma_wait3A = arith.constant 0 : i32
    %dma_wait3A_67 = arith.constant 0 : i32
    %dma_wait3A_68 = arith.constant 0 : i32
    %dma_wait3A_69 = tpu.memref_slice %arg9[%dma_wait3A_67, %dma_wait3A_68] : memref<2x128xi32, #tpu.memory_space<vmem>> -> memref<1x128xi32, #tpu.memory_space<vmem>>
    %dma_wait3A_70 = tpu.memref_squeeze %dma_wait3A_69 : memref<1x128xi32, #tpu.memory_space<vmem>> -> memref<128xi32, #tpu.memory_space<vmem>>
    %dma_wait3A_71 = arith.constant 0 : i32
    %dma_wait3A_72 = tpu.memref_slice %arg4[%dma_wait3A, %dma_wait3A_71] : memref<2560x128xi32, #tpu.memory_space<hbm>> -> memref<1x128xi32, #tpu.memory_space<hbm>>
    %dma_wait3A_73 = tpu.memref_squeeze %dma_wait3A_72 : memref<1x128xi32, #tpu.memory_space<hbm>> -> memref<128xi32, #tpu.memory_space<hbm>>
    %dma_wait3A_74 = arith.constant 0 : i32
    %dma_wait3A_75 = tpu.memref_slice %arg9[%dma_wait3A_67, %dma_wait3A_74] : memref<2x128xi32, #tpu.memory_space<vmem>> -> memref<1x128xi32, #tpu.memory_space<vmem>>
    %dma_wait3A_76 = tpu.memref_squeeze %dma_wait3A_75 : memref<1x128xi32, #tpu.memory_space<vmem>> -> memref<128xi32, #tpu.memory_space<vmem>>
    %dma_wait3A_77 = arith.constant 0 : i32
    %dma_wait3A_78 = tpu.memref_slice %arg4[%dma_wait3A, %dma_wait3A_77] : memref<2560x128xi32, #tpu.memory_space<hbm>> -> memref<1x128xi32, #tpu.memory_space<hbm>>
    %dma_wait3A_79 = tpu.memref_squeeze %dma_wait3A_78 : memref<1x128xi32, #tpu.memory_space<hbm>> -> memref<128xi32, #tpu.memory_space<hbm>>
    tpu.wait_dma2 semaphore(%arg15 : memref<!tpu.dma_semaphore, #tpu.memory_space<semaphore_mem>>) src(%dma_wait3A_79 : memref<128xi32, #tpu.memory_space<hbm>>) dst(%dma_wait3A_76 : memref<128xi32, #tpu.memory_space<vmem>>)
    %dma_wait3A_80 = arith.constant 0 : i32
    %dma_wait3A_81 = arith.constant 0 : i32
    %dma_wait3A_82 = arith.constant 0 : i32
    %dma_wait3A_83 = tpu.memref_slice %arg10[%dma_wait3A_81, %dma_wait3A_82] : memref<2x128xi32, #tpu.memory_space<vmem>> -> memref<1x128xi32, #tpu.memory_space<vmem>>
    %dma_wait3A_84 = tpu.memref_squeeze %dma_wait3A_83 : memref<1x128xi32, #tpu.memory_space<vmem>> -> memref<128xi32, #tpu.memory_space<vmem>>
    %dma_wait3A_85 = arith.constant 0 : i32
    %dma_wait3A_86 = tpu.memref_slice %arg5[%dma_wait3A_80, %dma_wait3A_85] : memref<2560x128xi32, #tpu.memory_space<hbm>> -> memref<1x128xi32, #tpu.memory_space<hbm>>
    %dma_wait3A_87 = tpu.memref_squeeze %dma_wait3A_86 : memref<1x128xi32, #tpu.memory_space<hbm>> -> memref<128xi32, #tpu.memory_space<hbm>>
    %dma_wait3A_88 = arith.constant 0 : i32
    %dma_wait3A_89 = tpu.memref_slice %arg10[%dma_wait3A_81, %dma_wait3A_88] : memref<2x128xi32, #tpu.memory_space<vmem>> -> memref<1x128xi32, #tpu.memory_space<vmem>>
    %dma_wait3A_90 = tpu.memref_squeeze %dma_wait3A_89 : memref<1x128xi32, #tpu.memory_space<vmem>> -> memref<128xi32, #tpu.memory_space<vmem>>
    %dma_wait3A_91 = arith.constant 0 : i32
    %dma_wait3A_92 = tpu.memref_slice %arg5[%dma_wait3A_80, %dma_wait3A_91] : memref<2560x128xi32, #tpu.memory_space<hbm>> -> memref<1x128xi32, #tpu.memory_space<hbm>>
    %dma_wait3A_93 = tpu.memref_squeeze %dma_wait3A_92 : memref<1x128xi32, #tpu.memory_space<hbm>> -> memref<128xi32, #tpu.memory_space<hbm>>
    tpu.wait_dma2 semaphore(%arg15 : memref<!tpu.dma_semaphore, #tpu.memory_space<semaphore_mem>>) src(%dma_wait3A_93 : memref<128xi32, #tpu.memory_space<hbm>>) dst(%dma_wait3A_90 : memref<128xi32, #tpu.memory_space<vmem>>)
    %eq3A = arith.constant 0 : i32
    %eq3A_94 = arith.cmpi eq, %arg0, %eq3A : i32
    %convert_element_type3A = arith.extui %eq3A_94 : i1 to i32
    %cond3A = arith.constant 0 : i32
    %cond3A_95 = arith.cmpi ne, %convert_element_type3A, %cond3A : i32
    scf.if %cond3A_95 {
      %dma_start3A_117 = arith.constant 0 : i32
      %dma_start3A_118 = arith.constant 0 : i32
      %dma_start3A_119 = arith.constant 0 : i32
      %dma_start3A_120 = arith.constant 0 : i32
      %dma_start3A_121 = tpu.memref_slice %arg11[%dma_start3A_118, %dma_start3A_119, %dma_start3A_120] : memref<2x128x128xf32, #tpu.memory_space<vmem>> -> memref<1x128x128xf32, #tpu.memory_space<vmem>>
      %dma_start3A_122 = tpu.memref_squeeze %dma_start3A_121 : memref<1x128x128xf32, #tpu.memory_space<vmem>> -> memref<128x128xf32, #tpu.memory_space<vmem>>
      %dma_start3A_123 = arith.constant 0 : i32
      %dma_start3A_124 = tpu.memref_slice %arg9[%dma_start3A_117, %dma_start3A_123] : memref<2x128xi32, #tpu.memory_space<vmem>> -> memref<1x128xi32, #tpu.memory_space<vmem>>
      %dma_start3A_125 = tpu.memref_squeeze %dma_start3A_124 : memref<1x128xi32, #tpu.memory_space<vmem>> -> memref<128xi32, #tpu.memory_space<vmem>>
      %dma_start3A_126 = arith.constant 0 : i32
      %dma_start3A_127 = arith.constant 0 : i32
      %dma_start3A_128 = tpu.memref_slice %arg2[%dma_start3A_126, %dma_start3A_127] : memref<10000x128xf32, #tpu.memory_space<hbm>> -> memref<10000x128xf32, #tpu.memory_space<hbm>>
      tpu.enqueue_indirect_dma source(%dma_start3A_128 : memref<10000x128xf32, #tpu.memory_space<hbm>>) target(%dma_start3A_122 : memref<128x128xf32, #tpu.memory_space<vmem>>) offsets(%dma_start3A_125 : memref<128xi32, #tpu.memory_space<vmem>>) semaphore(%arg13 : memref<!tpu.dma_semaphore, #tpu.memory_space<semaphore_mem>>)
    } else {
    }
    %eq3A_96 = arith.constant 1 : i32
    %eq3A_97 = arith.cmpi eq, %arg0, %eq3A_96 : i32
    %convert_element_type3A_98 = arith.extui %eq3A_97 : i1 to i32
    %cond3A_99 = arith.constant 0 : i32
    %cond3A_100 = arith.cmpi ne, %convert_element_type3A_98, %cond3A_99 : i32
    scf.if %cond3A_100 {
      %dma_start3A_117 = arith.constant 0 : i32
      %dma_start3A_118 = arith.constant 0 : i32
      %dma_start3A_119 = arith.constant 0 : i32
      %dma_start3A_120 = arith.constant 0 : i32
      %dma_start3A_121 = tpu.memref_slice %arg11[%dma_start3A_118, %dma_start3A_119, %dma_start3A_120] : memref<2x128x128xf32, #tpu.memory_space<vmem>> -> memref<1x128x128xf32, #tpu.memory_space<vmem>>
      %dma_start3A_122 = tpu.memref_squeeze %dma_start3A_121 : memref<1x128x128xf32, #tpu.memory_space<vmem>> -> memref<128x128xf32, #tpu.memory_space<vmem>>
      %dma_start3A_123 = arith.constant 0 : i32
      %dma_start3A_124 = tpu.memref_slice %arg9[%dma_start3A_117, %dma_start3A_123] : memref<2x128xi32, #tpu.memory_space<vmem>> -> memref<1x128xi32, #tpu.memory_space<vmem>>
      %dma_start3A_125 = tpu.memref_squeeze %dma_start3A_124 : memref<1x128xi32, #tpu.memory_space<vmem>> -> memref<128xi32, #tpu.memory_space<vmem>>
      %dma_start3A_126 = arith.constant 0 : i32
      %dma_start3A_127 = arith.constant 0 : i32
      %dma_start3A_128 = tpu.memref_slice %arg3[%dma_start3A_126, %dma_start3A_127] : memref<10000x128xf32, #tpu.memory_space<hbm>> -> memref<10000x128xf32, #tpu.memory_space<hbm>>
      tpu.enqueue_indirect_dma source(%dma_start3A_128 : memref<10000x128xf32, #tpu.memory_space<hbm>>) target(%dma_start3A_122 : memref<128x128xf32, #tpu.memory_space<vmem>>) offsets(%dma_start3A_125 : memref<128xi32, #tpu.memory_space<vmem>>) semaphore(%arg13 : memref<!tpu.dma_semaphore, #tpu.memory_space<semaphore_mem>>)
    } else {
    }
    %scan3A = arith.constant 0 : i32
    %scan3A_101 = arith.constant 0 : i32
    %scan3A_102 = arith.constant 80 : i32
    %scan3A_103 = arith.addi %scan3A_101, %scan3A_102 : i32
    %scan3A_104 = arith.constant 1 : i32
    scf.for %scan3A_117 = %scan3A_101 to %scan3A_103 step %scan3A_104  : i32 {
      %mul3A_118 = arith.constant 2 : i32
      %mul3A_119 = arith.muli %scan3A_117, %mul3A_118 : i32
      %add3A_120 = arith.constant 0 : i32
      %add3A_121 = arith.addi %mul3A_119, %add3A_120 : i32
      %add3A_122 = arith.constant 1 : i32
      %add3A_123 = arith.addi %add3A_121, %add3A_122 : i32
      %lt3A = arith.constant 160 : i32
      %lt3A_124 = arith.cmpi slt, %add3A_123, %lt3A : i32
      %convert_element_type3A_125 = arith.extui %lt3A_124 : i1 to i32
      %cond3A_126 = arith.constant 0 : i32
      %cond3A_127 = arith.cmpi ne, %convert_element_type3A_125, %cond3A_126 : i32
      scf.if %cond3A_127 {
        %dma_wait3A_180 = arith.constant 0 : i32
        %dma_wait3A_181 = arith.constant 1 : i32
        %dma_wait3A_182 = arith.constant 0 : i32
        %dma_wait3A_183 = tpu.memref_slice %arg9[%dma_wait3A_181, %dma_wait3A_182] : memref<2x128xi32, #tpu.memory_space<vmem>> -> memref<1x128xi32, #tpu.memory_space<vmem>>
        %dma_wait3A_184 = tpu.memref_squeeze %dma_wait3A_183 : memref<1x128xi32, #tpu.memory_space<vmem>> -> memref<128xi32, #tpu.memory_space<vmem>>
        %dma_wait3A_185 = arith.constant 0 : i32
        %dma_wait3A_186 = tpu.memref_slice %arg4[%dma_wait3A_180, %dma_wait3A_185] : memref<2560x128xi32, #tpu.memory_space<hbm>> -> memref<1x128xi32, #tpu.memory_space<hbm>>
        %dma_wait3A_187 = tpu.memref_squeeze %dma_wait3A_186 : memref<1x128xi32, #tpu.memory_space<hbm>> -> memref<128xi32, #tpu.memory_space<hbm>>
        %dma_wait3A_188 = arith.constant 0 : i32
        %dma_wait3A_189 = tpu.memref_slice %arg9[%dma_wait3A_181, %dma_wait3A_188] : memref<2x128xi32, #tpu.memory_space<vmem>> -> memref<1x128xi32, #tpu.memory_space<vmem>>
        %dma_wait3A_190 = tpu.memref_squeeze %dma_wait3A_189 : memref<1x128xi32, #tpu.memory_space<vmem>> -> memref<128xi32, #tpu.memory_space<vmem>>
        %dma_wait3A_191 = arith.constant 0 : i32
        %dma_wait3A_192 = tpu.memref_slice %arg4[%dma_wait3A_180, %dma_wait3A_191] : memref<2560x128xi32, #tpu.memory_space<hbm>> -> memref<1x128xi32, #tpu.memory_space<hbm>>
        %dma_wait3A_193 = tpu.memref_squeeze %dma_wait3A_192 : memref<1x128xi32, #tpu.memory_space<hbm>> -> memref<128xi32, #tpu.memory_space<hbm>>
        tpu.wait_dma2 semaphore(%arg16 : memref<!tpu.dma_semaphore, #tpu.memory_space<semaphore_mem>>) src(%dma_wait3A_193 : memref<128xi32, #tpu.memory_space<hbm>>) dst(%dma_wait3A_190 : memref<128xi32, #tpu.memory_space<vmem>>)
        %dma_wait3A_194 = arith.constant 0 : i32
        %dma_wait3A_195 = arith.constant 1 : i32
        %dma_wait3A_196 = arith.constant 0 : i32
        %dma_wait3A_197 = tpu.memref_slice %arg10[%dma_wait3A_195, %dma_wait3A_196] : memref<2x128xi32, #tpu.memory_space<vmem>> -> memref<1x128xi32, #tpu.memory_space<vmem>>
        %dma_wait3A_198 = tpu.memref_squeeze %dma_wait3A_197 : memref<1x128xi32, #tpu.memory_space<vmem>> -> memref<128xi32, #tpu.memory_space<vmem>>
        %dma_wait3A_199 = arith.constant 0 : i32
        %dma_wait3A_200 = tpu.memref_slice %arg5[%dma_wait3A_194, %dma_wait3A_199] : memref<2560x128xi32, #tpu.memory_space<hbm>> -> memref<1x128xi32, #tpu.memory_space<hbm>>
        %dma_wait3A_201 = tpu.memref_squeeze %dma_wait3A_200 : memref<1x128xi32, #tpu.memory_space<hbm>> -> memref<128xi32, #tpu.memory_space<hbm>>
        %dma_wait3A_202 = arith.constant 0 : i32
        %dma_wait3A_203 = tpu.memref_slice %arg10[%dma_wait3A_195, %dma_wait3A_202] : memref<2x128xi32, #tpu.memory_space<vmem>> -> memref<1x128xi32, #tpu.memory_space<vmem>>
        %dma_wait3A_204 = tpu.memref_squeeze %dma_wait3A_203 : memref<1x128xi32, #tpu.memory_space<vmem>> -> memref<128xi32, #tpu.memory_space<vmem>>
        %dma_wait3A_205 = arith.constant 0 : i32
        %dma_wait3A_206 = tpu.memref_slice %arg5[%dma_wait3A_194, %dma_wait3A_205] : memref<2560x128xi32, #tpu.memory_space<hbm>> -> memref<1x128xi32, #tpu.memory_space<hbm>>
        %dma_wait3A_207 = tpu.memref_squeeze %dma_wait3A_206 : memref<1x128xi32, #tpu.memory_space<hbm>> -> memref<128xi32, #tpu.memory_space<hbm>>
        tpu.wait_dma2 semaphore(%arg16 : memref<!tpu.dma_semaphore, #tpu.memory_space<semaphore_mem>>) src(%dma_wait3A_207 : memref<128xi32, #tpu.memory_space<hbm>>) dst(%dma_wait3A_204 : memref<128xi32, #tpu.memory_space<vmem>>)
        %eq3A_208 = arith.constant 0 : i32
        %eq3A_209 = arith.cmpi eq, %arg0, %eq3A_208 : i32
        %convert_element_type3A_210 = arith.extui %eq3A_209 : i1 to i32
        %cond3A_211 = arith.constant 0 : i32
        %cond3A_212 = arith.cmpi ne, %convert_element_type3A_210, %cond3A_211 : i32
        scf.if %cond3A_212 {
          %dma_start3A_218 = arith.constant 1 : i32
          %dma_start3A_219 = arith.constant 1 : i32
          %dma_start3A_220 = arith.constant 0 : i32
          %dma_start3A_221 = arith.constant 0 : i32
          %dma_start3A_222 = tpu.memref_slice %arg11[%dma_start3A_219, %dma_start3A_220, %dma_start3A_221] : memref<2x128x128xf32, #tpu.memory_space<vmem>> -> memref<1x128x128xf32, #tpu.memory_space<vmem>>
          %dma_start3A_223 = tpu.memref_squeeze %dma_start3A_222 : memref<1x128x128xf32, #tpu.memory_space<vmem>> -> memref<128x128xf32, #tpu.memory_space<vmem>>
          %dma_start3A_224 = arith.constant 0 : i32
          %dma_start3A_225 = tpu.memref_slice %arg9[%dma_start3A_218, %dma_start3A_224] : memref<2x128xi32, #tpu.memory_space<vmem>> -> memref<1x128xi32, #tpu.memory_space<vmem>>
          %dma_start3A_226 = tpu.memref_squeeze %dma_start3A_225 : memref<1x128xi32, #tpu.memory_space<vmem>> -> memref<128xi32, #tpu.memory_space<vmem>>
          %dma_start3A_227 = arith.constant 0 : i32
          %dma_start3A_228 = arith.constant 0 : i32
          %dma_start3A_229 = tpu.memref_slice %arg2[%dma_start3A_227, %dma_start3A_228] : memref<10000x128xf32, #tpu.memory_space<hbm>> -> memref<10000x128xf32, #tpu.memory_space<hbm>>
          tpu.enqueue_indirect_dma source(%dma_start3A_229 : memref<10000x128xf32, #tpu.memory_space<hbm>>) target(%dma_start3A_223 : memref<128x128xf32, #tpu.memory_space<vmem>>) offsets(%dma_start3A_226 : memref<128xi32, #tpu.memory_space<vmem>>) semaphore(%arg14 : memref<!tpu.dma_semaphore, #tpu.memory_space<semaphore_mem>>)
        } else {
        }
        %eq3A_213 = arith.constant 1 : i32
        %eq3A_214 = arith.cmpi eq, %arg0, %eq3A_213 : i32
        %convert_element_type3A_215 = arith.extui %eq3A_214 : i1 to i32
        %cond3A_216 = arith.constant 0 : i32
        %cond3A_217 = arith.cmpi ne, %convert_element_type3A_215, %cond3A_216 : i32
        scf.if %cond3A_217 {
          %dma_start3A_218 = arith.constant 1 : i32
          %dma_start3A_219 = arith.constant 1 : i32
          %dma_start3A_220 = arith.constant 0 : i32
          %dma_start3A_221 = arith.constant 0 : i32
          %dma_start3A_222 = tpu.memref_slice %arg11[%dma_start3A_219, %dma_start3A_220, %dma_start3A_221] : memref<2x128x128xf32, #tpu.memory_space<vmem>> -> memref<1x128x128xf32, #tpu.memory_space<vmem>>
          %dma_start3A_223 = tpu.memref_squeeze %dma_start3A_222 : memref<1x128x128xf32, #tpu.memory_space<vmem>> -> memref<128x128xf32, #tpu.memory_space<vmem>>
          %dma_start3A_224 = arith.constant 0 : i32
          %dma_start3A_225 = tpu.memref_slice %arg9[%dma_start3A_218, %dma_start3A_224] : memref<2x128xi32, #tpu.memory_space<vmem>> -> memref<1x128xi32, #tpu.memory_space<vmem>>
          %dma_start3A_226 = tpu.memref_squeeze %dma_start3A_225 : memref<1x128xi32, #tpu.memory_space<vmem>> -> memref<128xi32, #tpu.memory_space<vmem>>
          %dma_start3A_227 = arith.constant 0 : i32
          %dma_start3A_228 = arith.constant 0 : i32
          %dma_start3A_229 = tpu.memref_slice %arg3[%dma_start3A_227, %dma_start3A_228] : memref<10000x128xf32, #tpu.memory_space<hbm>> -> memref<10000x128xf32, #tpu.memory_space<hbm>>
          tpu.enqueue_indirect_dma source(%dma_start3A_229 : memref<10000x128xf32, #tpu.memory_space<hbm>>) target(%dma_start3A_223 : memref<128x128xf32, #tpu.memory_space<vmem>>) offsets(%dma_start3A_226 : memref<128xi32, #tpu.memory_space<vmem>>) semaphore(%arg14 : memref<!tpu.dma_semaphore, #tpu.memory_space<semaphore_mem>>)
        } else {
        }
      } else {
      }
      %dma_wait3A_128 = arith.constant 0 : i32
      %dma_wait3A_129 = arith.constant 0 : i32
      %dma_wait3A_130 = arith.constant 0 : i32
      %dma_wait3A_131 = arith.constant 0 : i32
      %dma_wait3A_132 = tpu.memref_slice %arg11[%dma_wait3A_129, %dma_wait3A_130, %dma_wait3A_131] : memref<2x128x128xf32, #tpu.memory_space<vmem>> -> memref<1x128x128xf32, #tpu.memory_space<vmem>>
      %dma_wait3A_133 = tpu.memref_squeeze %dma_wait3A_132 : memref<1x128x128xf32, #tpu.memory_space<vmem>> -> memref<128x128xf32, #tpu.memory_space<vmem>>
      %dma_wait3A_134 = arith.constant 0 : i32
      %dma_wait3A_135 = tpu.memref_slice %arg9[%dma_wait3A_128, %dma_wait3A_134] : memref<2x128xi32, #tpu.memory_space<vmem>> -> memref<1x128xi32, #tpu.memory_space<vmem>>
      %dma_wait3A_136 = tpu.memref_squeeze %dma_wait3A_135 : memref<1x128xi32, #tpu.memory_space<vmem>> -> memref<128xi32, #tpu.memory_space<vmem>>
      %dma_wait3A_137 = arith.constant 0 : i32
      %dma_wait3A_138 = arith.constant 0 : i32
      %dma_wait3A_139 = tpu.memref_slice %arg2[%dma_wait3A_137, %dma_wait3A_138] : memref<10000x128xf32, #tpu.memory_space<hbm>> -> memref<10000x128xf32, #tpu.memory_space<hbm>>
      tpu.wait_indirect_dma semaphore(%arg13 : memref<!tpu.dma_semaphore, #tpu.memory_space<semaphore_mem>>) src(%dma_wait3A_139 : memref<10000x128xf32, #tpu.memory_space<hbm>>) dst(%dma_wait3A_133 : memref<128x128xf32, #tpu.memory_space<vmem>>)
      %run_scoped3A = arith.constant 0 : i32
      %run_scoped3A_140 = arith.constant 0 : i32
      "tpu.region"() ({
        %run_scoped3A_180 = tpu.sem_alloc : memref<!tpu.dma_semaphore, #tpu.memory_space<semaphore_mem>>
        %dma_start3A_181 = arith.constant 0 : i32
        %dma_start3A_182 = arith.constant 0 : i32
        %dma_start3A_183 = tpu.memref_slice %arg11[%run_scoped3A, %dma_start3A_181, %dma_start3A_182] : memref<2x128x128xf32, #tpu.memory_space<vmem>> -> memref<1x128x128xf32, #tpu.memory_space<vmem>>
        %dma_start3A_184 = tpu.memref_squeeze %dma_start3A_183 : memref<1x128x128xf32, #tpu.memory_space<vmem>> -> memref<128x128xf32, #tpu.memory_space<vmem>>
        %dma_start3A_185 = arith.constant 0 : i32
        %dma_start3A_186 = tpu.memref_slice %arg10[%run_scoped3A_140, %dma_start3A_185] : memref<2x128xi32, #tpu.memory_space<vmem>> -> memref<1x128xi32, #tpu.memory_space<vmem>>
        %dma_start3A_187 = tpu.memref_squeeze %dma_start3A_186 : memref<1x128xi32, #tpu.memory_space<vmem>> -> memref<128xi32, #tpu.memory_space<vmem>>
        %dma_start3A_188 = arith.constant 0 : i32
        %dma_start3A_189 = arith.constant 0 : i32
        %dma_start3A_190 = tpu.memref_slice %arg12[%dma_start3A_188, %dma_start3A_189] : memref<10112x128xf32, #tpu.memory_space<vmem_shared>> -> memref<10112x128xf32, #tpu.memory_space<vmem_shared>>
        tpu.enqueue_indirect_dma source(%dma_start3A_184 : memref<128x128xf32, #tpu.memory_space<vmem>>) target(%dma_start3A_190 : memref<10112x128xf32, #tpu.memory_space<vmem_shared>>) offsets(%dma_start3A_187 : memref<128xi32, #tpu.memory_space<vmem>>) semaphore(%run_scoped3A_180 : memref<!tpu.dma_semaphore, #tpu.memory_space<semaphore_mem>>) {add = true}
        %dma_wait3A_191 = arith.constant 0 : i32
        %dma_wait3A_192 = arith.constant 0 : i32
        %dma_wait3A_193 = tpu.memref_slice %arg11[%run_scoped3A, %dma_wait3A_191, %dma_wait3A_192] : memref<2x128x128xf32, #tpu.memory_space<vmem>> -> memref<1x128x128xf32, #tpu.memory_space<vmem>>
        %dma_wait3A_194 = tpu.memref_squeeze %dma_wait3A_193 : memref<1x128x128xf32, #tpu.memory_space<vmem>> -> memref<128x128xf32, #tpu.memory_space<vmem>>
        %dma_wait3A_195 = arith.constant 0 : i32
        %dma_wait3A_196 = tpu.memref_slice %arg10[%run_scoped3A_140, %dma_wait3A_195] : memref<2x128xi32, #tpu.memory_space<vmem>> -> memref<1x128xi32, #tpu.memory_space<vmem>>
        %dma_wait3A_197 = tpu.memref_squeeze %dma_wait3A_196 : memref<1x128xi32, #tpu.memory_space<vmem>> -> memref<128xi32, #tpu.memory_space<vmem>>
        %dma_wait3A_198 = arith.constant 0 : i32
        %dma_wait3A_199 = arith.constant 0 : i32
        %dma_wait3A_200 = tpu.memref_slice %arg12[%dma_wait3A_198, %dma_wait3A_199] : memref<10112x128xf32, #tpu.memory_space<vmem_shared>> -> memref<10112x128xf32, #tpu.memory_space<vmem_shared>>
        tpu.wait_indirect_dma semaphore(%run_scoped3A_180 : memref<!tpu.dma_semaphore, #tpu.memory_space<semaphore_mem>>) src(%dma_wait3A_194 : memref<128x128xf32, #tpu.memory_space<vmem>>) dst(%dma_wait3A_200 : memref<10112x128xf32, #tpu.memory_space<vmem_shared>>)
        tpu.yield
      }) : () -> ()
      %add3A_141 = arith.constant 2 : i32
      %add3A_142 = arith.addi %add3A_121, %add3A_141 : i32
      %lt3A_143 = arith.constant 160 : i32
      %lt3A_144 = arith.cmpi slt, %add3A_142, %lt3A_143 : i32
      %convert_element_type3A_145 = arith.extui %lt3A_144 : i1 to i32
      %cond3A_146 = arith.constant 0 : i32
      %cond3A_147 = arith.cmpi ne, %convert_element_type3A_145, %cond3A_146 : i32
      scf.if %cond3A_147 {
        %add3A_180 = arith.constant 2 : i32
        %add3A_181 = arith.addi %add3A_121, %add3A_180 : i32
        %mul3A_182 = arith.constant 160 : i32
        %mul3A_183 = arith.muli %arg1, %mul3A_182 : i32
        %add3A_184 = arith.addi %mul3A_183, %add3A_181 : i32
        %dma_start3A_185 = arith.constant 0 : i32
        %dma_start3A_186 = arith.constant 0 : i32
        %dma_start3A_187 = tpu.memref_slice %arg9[%dma_start3A_185, %dma_start3A_186] : memref<2x128xi32, #tpu.memory_space<vmem>> -> memref<1x128xi32, #tpu.memory_space<vmem>>
        %dma_start3A_188 = tpu.memref_squeeze %dma_start3A_187 : memref<1x128xi32, #tpu.memory_space<vmem>> -> memref<128xi32, #tpu.memory_space<vmem>>
        %dma_start3A_189 = arith.constant 0 : i32
        %dma_start3A_190 = tpu.memref_slice %arg4[%add3A_184, %dma_start3A_189] : memref<2560x128xi32, #tpu.memory_space<hbm>> -> memref<1x128xi32, #tpu.memory_space<hbm>>
        %dma_start3A_191 = tpu.memref_squeeze %dma_start3A_190 : memref<1x128xi32, #tpu.memory_space<hbm>> -> memref<128xi32, #tpu.memory_space<hbm>>
        %dma_start3A_192 = arith.constant 0 : i32
        %dma_start3A_193 = tpu.memref_slice %arg9[%dma_start3A_185, %dma_start3A_192] : memref<2x128xi32, #tpu.memory_space<vmem>> -> memref<1x128xi32, #tpu.memory_space<vmem>>
        %dma_start3A_194 = tpu.memref_squeeze %dma_start3A_193 : memref<1x128xi32, #tpu.memory_space<vmem>> -> memref<128xi32, #tpu.memory_space<vmem>>
        %dma_start3A_195 = arith.constant 0 : i32
        %dma_start3A_196 = tpu.memref_slice %arg4[%add3A_184, %dma_start3A_195] : memref<2560x128xi32, #tpu.memory_space<hbm>> -> memref<1x128xi32, #tpu.memory_space<hbm>>
        %dma_start3A_197 = tpu.memref_squeeze %dma_start3A_196 : memref<1x128xi32, #tpu.memory_space<hbm>> -> memref<128xi32, #tpu.memory_space<hbm>>
        tpu.enqueue_dma source(%dma_start3A_197 : memref<128xi32, #tpu.memory_space<hbm>>) target(%dma_start3A_194 : memref<128xi32, #tpu.memory_space<vmem>>) target_semaphore(%arg15 : memref<!tpu.dma_semaphore, #tpu.memory_space<semaphore_mem>>)
        %mul3A_198 = arith.constant 160 : i32
        %mul3A_199 = arith.muli %arg1, %mul3A_198 : i32
        %add3A_200 = arith.addi %mul3A_199, %add3A_181 : i32
        %dma_start3A_201 = arith.constant 0 : i32
        %dma_start3A_202 = arith.constant 0 : i32
        %dma_start3A_203 = tpu.memref_slice %arg10[%dma_start3A_201, %dma_start3A_202] : memref<2x128xi32, #tpu.memory_space<vmem>> -> memref<1x128xi32, #tpu.memory_space<vmem>>
        %dma_start3A_204 = tpu.memref_squeeze %dma_start3A_203 : memref<1x128xi32, #tpu.memory_space<vmem>> -> memref<128xi32, #tpu.memory_space<vmem>>
        %dma_start3A_205 = arith.constant 0 : i32
        %dma_start3A_206 = tpu.memref_slice %arg5[%add3A_200, %dma_start3A_205] : memref<2560x128xi32, #tpu.memory_space<hbm>> -> memref<1x128xi32, #tpu.memory_space<hbm>>
        %dma_start3A_207 = tpu.memref_squeeze %dma_start3A_206 : memref<1x128xi32, #tpu.memory_space<hbm>> -> memref<128xi32, #tpu.memory_space<hbm>>
        %dma_start3A_208 = arith.constant 0 : i32
        %dma_start3A_209 = tpu.memref_slice %arg10[%dma_start3A_201, %dma_start3A_208] : memref<2x128xi32, #tpu.memory_space<vmem>> -> memref<1x128xi32, #tpu.memory_space<vmem>>
        %dma_start3A_210 = tpu.memref_squeeze %dma_start3A_209 : memref<1x128xi32, #tpu.memory_space<vmem>> -> memref<128xi32, #tpu.memory_space<vmem>>
        %dma_start3A_211 = arith.constant 0 : i32
        %dma_start3A_212 = tpu.memref_slice %arg5[%add3A_200, %dma_start3A_211] : memref<2560x128xi32, #tpu.memory_space<hbm>> -> memref<1x128xi32, #tpu.memory_space<hbm>>
        %dma_start3A_213 = tpu.memref_squeeze %dma_start3A_212 : memref<1x128xi32, #tpu.memory_space<hbm>> -> memref<128xi32, #tpu.memory_space<hbm>>
        tpu.enqueue_dma source(%dma_start3A_213 : memref<128xi32, #tpu.memory_space<hbm>>) target(%dma_start3A_210 : memref<128xi32, #tpu.memory_space<vmem>>) target_semaphore(%arg15 : memref<!tpu.dma_semaphore, #tpu.memory_space<semaphore_mem>>)
      } else {
      }
      %mul3A_148 = arith.constant 2 : i32
      %mul3A_149 = arith.muli %scan3A_117, %mul3A_148 : i32
      %add3A_150 = arith.constant 1 : i32
      %add3A_151 = arith.addi %mul3A_149, %add3A_150 : i32
      %add3A_152 = arith.constant 1 : i32
      %add3A_153 = arith.addi %add3A_151, %add3A_152 : i32
      %lt3A_154 = arith.constant 160 : i32
      %lt3A_155 = arith.cmpi slt, %add3A_153, %lt3A_154 : i32
      %convert_element_type3A_156 = arith.extui %lt3A_155 : i1 to i32
      %cond3A_157 = arith.constant 0 : i32
      %cond3A_158 = arith.cmpi ne, %convert_element_type3A_156, %cond3A_157 : i32
      scf.if %cond3A_158 {
        %dma_wait3A_180 = arith.constant 0 : i32
        %dma_wait3A_181 = arith.constant 0 : i32
        %dma_wait3A_182 = arith.constant 0 : i32
        %dma_wait3A_183 = tpu.memref_slice %arg9[%dma_wait3A_181, %dma_wait3A_182] : memref<2x128xi32, #tpu.memory_space<vmem>> -> memref<1x128xi32, #tpu.memory_space<vmem>>
        %dma_wait3A_184 = tpu.memref_squeeze %dma_wait3A_183 : memref<1x128xi32, #tpu.memory_space<vmem>> -> memref<128xi32, #tpu.memory_space<vmem>>
        %dma_wait3A_185 = arith.constant 0 : i32
        %dma_wait3A_186 = tpu.memref_slice %arg4[%dma_wait3A_180, %dma_wait3A_185] : memref<2560x128xi32, #tpu.memory_space<hbm>> -> memref<1x128xi32, #tpu.memory_space<hbm>>
        %dma_wait3A_187 = tpu.memref_squeeze %dma_wait3A_186 : memref<1x128xi32, #tpu.memory_space<hbm>> -> memref<128xi32, #tpu.memory_space<hbm>>
        %dma_wait3A_188 = arith.constant 0 : i32
        %dma_wait3A_189 = tpu.memref_slice %arg9[%dma_wait3A_181, %dma_wait3A_188] : memref<2x128xi32, #tpu.memory_space<vmem>> -> memref<1x128xi32, #tpu.memory_space<vmem>>
        %dma_wait3A_190 = tpu.memref_squeeze %dma_wait3A_189 : memref<1x128xi32, #tpu.memory_space<vmem>> -> memref<128xi32, #tpu.memory_space<vmem>>
        %dma_wait3A_191 = arith.constant 0 : i32
        %dma_wait3A_192 = tpu.memref_slice %arg4[%dma_wait3A_180, %dma_wait3A_191] : memref<2560x128xi32, #tpu.memory_space<hbm>> -> memref<1x128xi32, #tpu.memory_space<hbm>>
        %dma_wait3A_193 = tpu.memref_squeeze %dma_wait3A_192 : memref<1x128xi32, #tpu.memory_space<hbm>> -> memref<128xi32, #tpu.memory_space<hbm>>
        tpu.wait_dma2 semaphore(%arg15 : memref<!tpu.dma_semaphore, #tpu.memory_space<semaphore_mem>>) src(%dma_wait3A_193 : memref<128xi32, #tpu.memory_space<hbm>>) dst(%dma_wait3A_190 : memref<128xi32, #tpu.memory_space<vmem>>)
        %dma_wait3A_194 = arith.constant 0 : i32
        %dma_wait3A_195 = arith.constant 0 : i32
        %dma_wait3A_196 = arith.constant 0 : i32
        %dma_wait3A_197 = tpu.memref_slice %arg10[%dma_wait3A_195, %dma_wait3A_196] : memref<2x128xi32, #tpu.memory_space<vmem>> -> memref<1x128xi32, #tpu.memory_space<vmem>>
        %dma_wait3A_198 = tpu.memref_squeeze %dma_wait3A_197 : memref<1x128xi32, #tpu.memory_space<vmem>> -> memref<128xi32, #tpu.memory_space<vmem>>
        %dma_wait3A_199 = arith.constant 0 : i32
        %dma_wait3A_200 = tpu.memref_slice %arg5[%dma_wait3A_194, %dma_wait3A_199] : memref<2560x128xi32, #tpu.memory_space<hbm>> -> memref<1x128xi32, #tpu.memory_space<hbm>>
        %dma_wait3A_201 = tpu.memref_squeeze %dma_wait3A_200 : memref<1x128xi32, #tpu.memory_space<hbm>> -> memref<128xi32, #tpu.memory_space<hbm>>
        %dma_wait3A_202 = arith.constant 0 : i32
        %dma_wait3A_203 = tpu.memref_slice %arg10[%dma_wait3A_195, %dma_wait3A_202] : memref<2x128xi32, #tpu.memory_space<vmem>> -> memref<1x128xi32, #tpu.memory_space<vmem>>
        %dma_wait3A_204 = tpu.memref_squeeze %dma_wait3A_203 : memref<1x128xi32, #tpu.memory_space<vmem>> -> memref<128xi32, #tpu.memory_space<vmem>>
        %dma_wait3A_205 = arith.constant 0 : i32
        %dma_wait3A_206 = tpu.memref_slice %arg5[%dma_wait3A_194, %dma_wait3A_205] : memref<2560x128xi32, #tpu.memory_space<hbm>> -> memref<1x128xi32, #tpu.memory_space<hbm>>
        %dma_wait3A_207 = tpu.memref_squeeze %dma_wait3A_206 : memref<1x128xi32, #tpu.memory_space<hbm>> -> memref<128xi32, #tpu.memory_space<hbm>>
        tpu.wait_dma2 semaphore(%arg15 : memref<!tpu.dma_semaphore, #tpu.memory_space<semaphore_mem>>) src(%dma_wait3A_207 : memref<128xi32, #tpu.memory_space<hbm>>) dst(%dma_wait3A_204 : memref<128xi32, #tpu.memory_space<vmem>>)
        %eq3A_208 = arith.constant 0 : i32
        %eq3A_209 = arith.cmpi eq, %arg0, %eq3A_208 : i32
        %convert_element_type3A_210 = arith.extui %eq3A_209 : i1 to i32
        %cond3A_211 = arith.constant 0 : i32
        %cond3A_212 = arith.cmpi ne, %convert_element_type3A_210, %cond3A_211 : i32
        scf.if %cond3A_212 {
          %dma_start3A_218 = arith.constant 0 : i32
          %dma_start3A_219 = arith.constant 0 : i32
          %dma_start3A_220 = arith.constant 0 : i32
          %dma_start3A_221 = arith.constant 0 : i32
          %dma_start3A_222 = tpu.memref_slice %arg11[%dma_start3A_219, %dma_start3A_220, %dma_start3A_221] : memref<2x128x128xf32, #tpu.memory_space<vmem>> -> memref<1x128x128xf32, #tpu.memory_space<vmem>>
          %dma_start3A_223 = tpu.memref_squeeze %dma_start3A_222 : memref<1x128x128xf32, #tpu.memory_space<vmem>> -> memref<128x128xf32, #tpu.memory_space<vmem>>
          %dma_start3A_224 = arith.constant 0 : i32
          %dma_start3A_225 = tpu.memref_slice %arg9[%dma_start3A_218, %dma_start3A_224] : memref<2x128xi32, #tpu.memory_space<vmem>> -> memref<1x128xi32, #tpu.memory_space<vmem>>
          %dma_start3A_226 = tpu.memref_squeeze %dma_start3A_225 : memref<1x128xi32, #tpu.memory_space<vmem>> -> memref<128xi32, #tpu.memory_space<vmem>>
          %dma_start3A_227 = arith.constant 0 : i32
          %dma_start3A_228 = arith.constant 0 : i32
          %dma_start3A_229 = tpu.memref_slice %arg2[%dma_start3A_227, %dma_start3A_228] : memref<10000x128xf32, #tpu.memory_space<hbm>> -> memref<10000x128xf32, #tpu.memory_space<hbm>>
          tpu.enqueue_indirect_dma source(%dma_start3A_229 : memref<10000x128xf32, #tpu.memory_space<hbm>>) target(%dma_start3A_223 : memref<128x128xf32, #tpu.memory_space<vmem>>) offsets(%dma_start3A_226 : memref<128xi32, #tpu.memory_space<vmem>>) semaphore(%arg13 : memref<!tpu.dma_semaphore, #tpu.memory_space<semaphore_mem>>)
        } else {
        }
        %eq3A_213 = arith.constant 1 : i32
        %eq3A_214 = arith.cmpi eq, %arg0, %eq3A_213 : i32
        %convert_element_type3A_215 = arith.extui %eq3A_214 : i1 to i32
        %cond3A_216 = arith.constant 0 : i32
        %cond3A_217 = arith.cmpi ne, %convert_element_type3A_215, %cond3A_216 : i32
        scf.if %cond3A_217 {
          %dma_start3A_218 = arith.constant 0 : i32
          %dma_start3A_219 = arith.constant 0 : i32
          %dma_start3A_220 = arith.constant 0 : i32
          %dma_start3A_221 = arith.constant 0 : i32
          %dma_start3A_222 = tpu.memref_slice %arg11[%dma_start3A_219, %dma_start3A_220, %dma_start3A_221] : memref<2x128x128xf32, #tpu.memory_space<vmem>> -> memref<1x128x128xf32, #tpu.memory_space<vmem>>
          %dma_start3A_223 = tpu.memref_squeeze %dma_start3A_222 : memref<1x128x128xf32, #tpu.memory_space<vmem>> -> memref<128x128xf32, #tpu.memory_space<vmem>>
          %dma_start3A_224 = arith.constant 0 : i32
          %dma_start3A_225 = tpu.memref_slice %arg9[%dma_start3A_218, %dma_start3A_224] : memref<2x128xi32, #tpu.memory_space<vmem>> -> memref<1x128xi32, #tpu.memory_space<vmem>>
          %dma_start3A_226 = tpu.memref_squeeze %dma_start3A_225 : memref<1x128xi32, #tpu.memory_space<vmem>> -> memref<128xi32, #tpu.memory_space<vmem>>
          %dma_start3A_227 = arith.constant 0 : i32
          %dma_start3A_228 = arith.constant 0 : i32
          %dma_start3A_229 = tpu.memref_slice %arg3[%dma_start3A_227, %dma_start3A_228] : memref<10000x128xf32, #tpu.memory_space<hbm>> -> memref<10000x128xf32, #tpu.memory_space<hbm>>
          tpu.enqueue_indirect_dma source(%dma_start3A_229 : memref<10000x128xf32, #tpu.memory_space<hbm>>) target(%dma_start3A_223 : memref<128x128xf32, #tpu.memory_space<vmem>>) offsets(%dma_start3A_226 : memref<128xi32, #tpu.memory_space<vmem>>) semaphore(%arg13 : memref<!tpu.dma_semaphore, #tpu.memory_space<semaphore_mem>>)
        } else {
        }
      } else {
      }
      %dma_wait3A_159 = arith.constant 1 : i32
      %dma_wait3A_160 = arith.constant 1 : i32
      %dma_wait3A_161 = arith.constant 0 : i32
      %dma_wait3A_162 = arith.constant 0 : i32
      %dma_wait3A_163 = tpu.memref_slice %arg11[%dma_wait3A_160, %dma_wait3A_161, %dma_wait3A_162] : memref<2x128x128xf32, #tpu.memory_space<vmem>> -> memref<1x128x128xf32, #tpu.memory_space<vmem>>
      %dma_wait3A_164 = tpu.memref_squeeze %dma_wait3A_163 : memref<1x128x128xf32, #tpu.memory_space<vmem>> -> memref<128x128xf32, #tpu.memory_space<vmem>>
      %dma_wait3A_165 = arith.constant 0 : i32
      %dma_wait3A_166 = tpu.memref_slice %arg9[%dma_wait3A_159, %dma_wait3A_165] : memref<2x128xi32, #tpu.memory_space<vmem>> -> memref<1x128xi32, #tpu.memory_space<vmem>>
      %dma_wait3A_167 = tpu.memref_squeeze %dma_wait3A_166 : memref<1x128xi32, #tpu.memory_space<vmem>> -> memref<128xi32, #tpu.memory_space<vmem>>
      %dma_wait3A_168 = arith.constant 0 : i32
      %dma_wait3A_169 = arith.constant 0 : i32
      %dma_wait3A_170 = tpu.memref_slice %arg2[%dma_wait3A_168, %dma_wait3A_169] : memref<10000x128xf32, #tpu.memory_space<hbm>> -> memref<10000x128xf32, #tpu.memory_space<hbm>>
      tpu.wait_indirect_dma semaphore(%arg14 : memref<!tpu.dma_semaphore, #tpu.memory_space<semaphore_mem>>) src(%dma_wait3A_170 : memref<10000x128xf32, #tpu.memory_space<hbm>>) dst(%dma_wait3A_164 : memref<128x128xf32, #tpu.memory_space<vmem>>)
      %run_scoped3A_171 = arith.constant 1 : i32
      %run_scoped3A_172 = arith.constant 1 : i32
      "tpu.region"() ({
        %run_scoped3A_180 = tpu.sem_alloc : memref<!tpu.dma_semaphore, #tpu.memory_space<semaphore_mem>>
        %dma_start3A_181 = arith.constant 0 : i32
        %dma_start3A_182 = arith.constant 0 : i32
        %dma_start3A_183 = tpu.memref_slice %arg11[%run_scoped3A_171, %dma_start3A_181, %dma_start3A_182] : memref<2x128x128xf32, #tpu.memory_space<vmem>> -> memref<1x128x128xf32, #tpu.memory_space<vmem>>
        %dma_start3A_184 = tpu.memref_squeeze %dma_start3A_183 : memref<1x128x128xf32, #tpu.memory_space<vmem>> -> memref<128x128xf32, #tpu.memory_space<vmem>>
        %dma_start3A_185 = arith.constant 0 : i32
        %dma_start3A_186 = tpu.memref_slice %arg10[%run_scoped3A_172, %dma_start3A_185] : memref<2x128xi32, #tpu.memory_space<vmem>> -> memref<1x128xi32, #tpu.memory_space<vmem>>
        %dma_start3A_187 = tpu.memref_squeeze %dma_start3A_186 : memref<1x128xi32, #tpu.memory_space<vmem>> -> memref<128xi32, #tpu.memory_space<vmem>>
        %dma_start3A_188 = arith.constant 0 : i32
        %dma_start3A_189 = arith.constant 0 : i32
        %dma_start3A_190 = tpu.memref_slice %arg12[%dma_start3A_188, %dma_start3A_189] : memref<10112x128xf32, #tpu.memory_space<vmem_shared>> -> memref<10112x128xf32, #tpu.memory_space<vmem_shared>>
        tpu.enqueue_indirect_dma source(%dma_start3A_184 : memref<128x128xf32, #tpu.memory_space<vmem>>) target(%dma_start3A_190 : memref<10112x128xf32, #tpu.memory_space<vmem_shared>>) offsets(%dma_start3A_187 : memref<128xi32, #tpu.memory_space<vmem>>) semaphore(%run_scoped3A_180 : memref<!tpu.dma_semaphore, #tpu.memory_space<semaphore_mem>>) {add = true}
        %dma_wait3A_191 = arith.constant 0 : i32
        %dma_wait3A_192 = arith.constant 0 : i32
        %dma_wait3A_193 = tpu.memref_slice %arg11[%run_scoped3A_171, %dma_wait3A_191, %dma_wait3A_192] : memref<2x128x128xf32, #tpu.memory_space<vmem>> -> memref<1x128x128xf32, #tpu.memory_space<vmem>>
        %dma_wait3A_194 = tpu.memref_squeeze %dma_wait3A_193 : memref<1x128x128xf32, #tpu.memory_space<vmem>> -> memref<128x128xf32, #tpu.memory_space<vmem>>
        %dma_wait3A_195 = arith.constant 0 : i32
        %dma_wait3A_196 = tpu.memref_slice %arg10[%run_scoped3A_172, %dma_wait3A_195] : memref<2x128xi32, #tpu.memory_space<vmem>> -> memref<1x128xi32, #tpu.memory_space<vmem>>
        %dma_wait3A_197 = tpu.memref_squeeze %dma_wait3A_196 : memref<1x128xi32, #tpu.memory_space<vmem>> -> memref<128xi32, #tpu.memory_space<vmem>>
        %dma_wait3A_198 = arith.constant 0 : i32
        %dma_wait3A_199 = arith.constant 0 : i32
        %dma_wait3A_200 = tpu.memref_slice %arg12[%dma_wait3A_198, %dma_wait3A_199] : memref<10112x128xf32, #tpu.memory_space<vmem_shared>> -> memref<10112x128xf32, #tpu.memory_space<vmem_shared>>
        tpu.wait_indirect_dma semaphore(%run_scoped3A_180 : memref<!tpu.dma_semaphore, #tpu.memory_space<semaphore_mem>>) src(%dma_wait3A_194 : memref<128x128xf32, #tpu.memory_space<vmem>>) dst(%dma_wait3A_200 : memref<10112x128xf32, #tpu.memory_space<vmem_shared>>)
        tpu.yield
      }) : () -> ()
      %add3A_173 = arith.constant 2 : i32
      %add3A_174 = arith.addi %add3A_151, %add3A_173 : i32
      %lt3A_175 = arith.constant 160 : i32
      %lt3A_176 = arith.cmpi slt, %add3A_174, %lt3A_175 : i32
      %convert_element_type3A_177 = arith.extui %lt3A_176 : i1 to i32
      %cond3A_178 = arith.constant 0 : i32
      %cond3A_179 = arith.cmpi ne, %convert_element_type3A_177, %cond3A_178 : i32
      scf.if %cond3A_179 {
        %add3A_180 = arith.constant 2 : i32
        %add3A_181 = arith.addi %add3A_151, %add3A_180 : i32
        %mul3A_182 = arith.constant 160 : i32
        %mul3A_183 = arith.muli %arg1, %mul3A_182 : i32
        %add3A_184 = arith.addi %mul3A_183, %add3A_181 : i32
        %dma_start3A_185 = arith.constant 1 : i32
        %dma_start3A_186 = arith.constant 0 : i32
        %dma_start3A_187 = tpu.memref_slice %arg9[%dma_start3A_185, %dma_start3A_186] : memref<2x128xi32, #tpu.memory_space<vmem>> -> memref<1x128xi32, #tpu.memory_space<vmem>>
        %dma_start3A_188 = tpu.memref_squeeze %dma_start3A_187 : memref<1x128xi32, #tpu.memory_space<vmem>> -> memref<128xi32, #tpu.memory_space<vmem>>
        %dma_start3A_189 = arith.constant 0 : i32
        %dma_start3A_190 = tpu.memref_slice %arg4[%add3A_184, %dma_start3A_189] : memref<2560x128xi32, #tpu.memory_space<hbm>> -> memref<1x128xi32, #tpu.memory_space<hbm>>
        %dma_start3A_191 = tpu.memref_squeeze %dma_start3A_190 : memref<1x128xi32, #tpu.memory_space<hbm>> -> memref<128xi32, #tpu.memory_space<hbm>>
        %dma_start3A_192 = arith.constant 0 : i32
        %dma_start3A_193 = tpu.memref_slice %arg9[%dma_start3A_185, %dma_start3A_192] : memref<2x128xi32, #tpu.memory_space<vmem>> -> memref<1x128xi32, #tpu.memory_space<vmem>>
        %dma_start3A_194 = tpu.memref_squeeze %dma_start3A_193 : memref<1x128xi32, #tpu.memory_space<vmem>> -> memref<128xi32, #tpu.memory_space<vmem>>
        %dma_start3A_195 = arith.constant 0 : i32
        %dma_start3A_196 = tpu.memref_slice %arg4[%add3A_184, %dma_start3A_195] : memref<2560x128xi32, #tpu.memory_space<hbm>> -> memref<1x128xi32, #tpu.memory_space<hbm>>
        %dma_start3A_197 = tpu.memref_squeeze %dma_start3A_196 : memref<1x128xi32, #tpu.memory_space<hbm>> -> memref<128xi32, #tpu.memory_space<hbm>>
        tpu.enqueue_dma source(%dma_start3A_197 : memref<128xi32, #tpu.memory_space<hbm>>) target(%dma_start3A_194 : memref<128xi32, #tpu.memory_space<vmem>>) target_semaphore(%arg16 : memref<!tpu.dma_semaphore, #tpu.memory_space<semaphore_mem>>)
        %mul3A_198 = arith.constant 160 : i32
        %mul3A_199 = arith.muli %arg1, %mul3A_198 : i32
        %add3A_200 = arith.addi %mul3A_199, %add3A_181 : i32
        %dma_start3A_201 = arith.constant 1 : i32
        %dma_start3A_202 = arith.constant 0 : i32
        %dma_start3A_203 = tpu.memref_slice %arg10[%dma_start3A_201, %dma_start3A_202] : memref<2x128xi32, #tpu.memory_space<vmem>> -> memref<1x128xi32, #tpu.memory_space<vmem>>
        %dma_start3A_204 = tpu.memref_squeeze %dma_start3A_203 : memref<1x128xi32, #tpu.memory_space<vmem>> -> memref<128xi32, #tpu.memory_space<vmem>>
        %dma_start3A_205 = arith.constant 0 : i32
        %dma_start3A_206 = tpu.memref_slice %arg5[%add3A_200, %dma_start3A_205] : memref<2560x128xi32, #tpu.memory_space<hbm>> -> memref<1x128xi32, #tpu.memory_space<hbm>>
        %dma_start3A_207 = tpu.memref_squeeze %dma_start3A_206 : memref<1x128xi32, #tpu.memory_space<hbm>> -> memref<128xi32, #tpu.memory_space<hbm>>
        %dma_start3A_208 = arith.constant 0 : i32
        %dma_start3A_209 = tpu.memref_slice %arg10[%dma_start3A_201, %dma_start3A_208] : memref<2x128xi32, #tpu.memory_space<vmem>> -> memref<1x128xi32, #tpu.memory_space<vmem>>
        %dma_start3A_210 = tpu.memref_squeeze %dma_start3A_209 : memref<1x128xi32, #tpu.memory_space<vmem>> -> memref<128xi32, #tpu.memory_space<vmem>>
        %dma_start3A_211 = arith.constant 0 : i32
        %dma_start3A_212 = tpu.memref_slice %arg5[%add3A_200, %dma_start3A_211] : memref<2560x128xi32, #tpu.memory_space<hbm>> -> memref<1x128xi32, #tpu.memory_space<hbm>>
        %dma_start3A_213 = tpu.memref_squeeze %dma_start3A_212 : memref<1x128xi32, #tpu.memory_space<hbm>> -> memref<128xi32, #tpu.memory_space<hbm>>
        tpu.enqueue_dma source(%dma_start3A_213 : memref<128xi32, #tpu.memory_space<hbm>>) target(%dma_start3A_210 : memref<128xi32, #tpu.memory_space<vmem>>) target_semaphore(%arg16 : memref<!tpu.dma_semaphore, #tpu.memory_space<semaphore_mem>>)
      } else {
      }
    }
    %scan3A_105 = arith.constant 80 : i32
    %barrier3A_106 = arith.constant 0 : index
    tpu.barrier barrier_id(%barrier3A_106)
    %eq3A_107 = arith.constant 0 : i32
    %eq3A_108 = arith.cmpi eq, %arg0, %eq3A_107 : i32
    %convert_element_type3A_109 = arith.extui %eq3A_108 : i1 to i32
    %cond3A_110 = arith.constant 0 : i32
    %cond3A_111 = arith.cmpi ne, %convert_element_type3A_109, %cond3A_110 : i32
    scf.if %cond3A_111 {
      %mul3A_117 = arith.constant 632 : i32
      %mul3A_118 = arith.muli %arg1, %mul3A_117 : i32
      %mul3A_119 = arith.constant 632 : i32
      %mul3A_120 = arith.muli %arg1, %mul3A_119 : i32
      "tpu.region"() ({
        %run_scoped3A = tpu.sem_alloc : memref<!tpu.dma_semaphore, #tpu.memory_space<semaphore_mem>>
        %dma_start3A_121 = arith.constant 0 : i32
        %dma_start3A_122 = tpu.memref_slice %arg7[%mul3A_120, %dma_start3A_121] : memref<10112x128xf32, #tpu.memory_space<hbm>> -> memref<632x128xf32, #tpu.memory_space<hbm>>
        %dma_start3A_123 = arith.constant 0 : i32
        %dma_start3A_124 = tpu.memref_slice %arg12[%mul3A_118, %dma_start3A_123] : memref<10112x128xf32, #tpu.memory_space<vmem_shared>> -> memref<632x128xf32, #tpu.memory_space<vmem_shared>>
        tpu.enqueue_dma source(%dma_start3A_124 : memref<632x128xf32, #tpu.memory_space<vmem_shared>>) target(%dma_start3A_122 : memref<632x128xf32, #tpu.memory_space<hbm>>) target_semaphore(%run_scoped3A : memref<!tpu.dma_semaphore, #tpu.memory_space<semaphore_mem>>)
        %dma_wait3A_125 = arith.constant 0 : i32
        %dma_wait3A_126 = tpu.memref_slice %arg7[%mul3A_120, %dma_wait3A_125] : memref<10112x128xf32, #tpu.memory_space<hbm>> -> memref<632x128xf32, #tpu.memory_space<hbm>>
        %dma_wait3A_127 = arith.constant 0 : i32
        %dma_wait3A_128 = tpu.memref_slice %arg12[%mul3A_118, %dma_wait3A_127] : memref<10112x128xf32, #tpu.memory_space<vmem_shared>> -> memref<632x128xf32, #tpu.memory_space<vmem_shared>>
        tpu.wait_dma2 semaphore(%run_scoped3A : memref<!tpu.dma_semaphore, #tpu.memory_space<semaphore_mem>>) src(%dma_wait3A_128 : memref<632x128xf32, #tpu.memory_space<vmem_shared>>) dst(%dma_wait3A_126 : memref<632x128xf32, #tpu.memory_space<hbm>>)
        tpu.yield
      }) : () -> ()
    } else {
    }
    %eq3A_112 = arith.constant 1 : i32
    %eq3A_113 = arith.cmpi eq, %arg0, %eq3A_112 : i32
    %convert_element_type3A_114 = arith.extui %eq3A_113 : i1 to i32
    %cond3A_115 = arith.constant 0 : i32
    %cond3A_116 = arith.cmpi ne, %convert_element_type3A_114, %cond3A_115 : i32
    scf.if %cond3A_116 {
      %mul3A_117 = arith.constant 632 : i32
      %mul3A_118 = arith.muli %arg1, %mul3A_117 : i32
      %mul3A_119 = arith.constant 632 : i32
      %mul3A_120 = arith.muli %arg1, %mul3A_119 : i32
      "tpu.region"() ({
        %run_scoped3A = tpu.sem_alloc : memref<!tpu.dma_semaphore, #tpu.memory_space<semaphore_mem>>
        %dma_start3A_121 = arith.constant 0 : i32
        %dma_start3A_122 = tpu.memref_slice %arg8[%mul3A_120, %dma_start3A_121] : memref<10112x128xf32, #tpu.memory_space<hbm>> -> memref<632x128xf32, #tpu.memory_space<hbm>>
        %dma_start3A_123 = arith.constant 0 : i32
        %dma_start3A_124 = tpu.memref_slice %arg12[%mul3A_118, %dma_start3A_123] : memref<10112x128xf32, #tpu.memory_space<vmem_shared>> -> memref<632x128xf32, #tpu.memory_space<vmem_shared>>
        tpu.enqueue_dma source(%dma_start3A_124 : memref<632x128xf32, #tpu.memory_space<vmem_shared>>) target(%dma_start3A_122 : memref<632x128xf32, #tpu.memory_space<hbm>>) target_semaphore(%run_scoped3A : memref<!tpu.dma_semaphore, #tpu.memory_space<semaphore_mem>>)
        %dma_wait3A_125 = arith.constant 0 : i32
        %dma_wait3A_126 = tpu.memref_slice %arg8[%mul3A_120, %dma_wait3A_125] : memref<10112x128xf32, #tpu.memory_space<hbm>> -> memref<632x128xf32, #tpu.memory_space<hbm>>
        %dma_wait3A_127 = arith.constant 0 : i32
        %dma_wait3A_128 = tpu.memref_slice %arg12[%mul3A_118, %dma_wait3A_127] : memref<10112x128xf32, #tpu.memory_space<vmem_shared>> -> memref<632x128xf32, #tpu.memory_space<vmem_shared>>
        tpu.wait_dma2 semaphore(%run_scoped3A : memref<!tpu.dma_semaphore, #tpu.memory_space<semaphore_mem>>) src(%dma_wait3A_128 : memref<632x128xf32, #tpu.memory_space<vmem_shared>>) dst(%dma_wait3A_126 : memref<632x128xf32, #tpu.memory_space<hbm>>)
        tpu.yield
      }) : () -> ()
    } else {
    }
    return
  }
}

#map = affine_map<(d0, d1) -> (0, 0)>
module attributes {stable_mosaic.version = 14 : i64} {
  func.func @_scatter_body(%arg0: i32, %arg1: i32, %arg2: memref<10000x128xf32, #tpu.memory_space<hbm>>, %arg3: memref<10000x128xf32, #tpu.memory_space<hbm>>, %arg4: memref<2560x128xi32, #tpu.memory_space<hbm>>, %arg5: memref<2560x128xi32, #tpu.memory_space<hbm>>, %arg6: memref<632x128xf32, #tpu.memory_space<hbm>>, %arg7: memref<10112x128xf32, #tpu.memory_space<hbm>>, %arg8: memref<10112x128xf32, #tpu.memory_space<hbm>>, %arg9: memref<2x128xi32, #tpu.memory_space<vmem>>, %arg10: memref<2x128xi32, #tpu.memory_space<vmem>>, %arg11: memref<2x128x128xf32, #tpu.memory_space<vmem>>, %arg12: memref<10112x128xf32, #tpu.memory_space<vmem_shared>>, %arg13: memref<!tpu.dma_semaphore, #tpu.memory_space<semaphore_mem>>, %arg14: memref<!tpu.dma_semaphore, #tpu.memory_space<semaphore_mem>>, %arg15: memref<!tpu.dma_semaphore, #tpu.memory_space<semaphore_mem>>, %arg16: memref<!tpu.dma_semaphore, #tpu.memory_space<semaphore_mem>>, %arg17: memref<!tpu.dma_semaphore, #tpu.memory_space<semaphore_mem>>, %arg18: memref<!tpu.dma_semaphore, #tpu.memory_space<semaphore_mem>>) attributes {dimension_semantics = [#tpu.dimension_semantics<core_parallel>, #tpu.dimension_semantics<subcore_parallel>], iteration_bounds = array<i64: 2, 16>, scalar_prefetch = 0 : i64, scratch_operands = 10 : i64, tpu.core_type = #tpu.core_type<sc_vector_subcore>, window_params = [{transform_indices = #map}, {transform_indices = #map}, {transform_indices = #map}, {transform_indices = #map}, {transform_indices = #map}, {transform_indices = #map}, {transform_indices = #map}]} {
    %mul3A = arith.constant 632 : i32
    %mul3A_0 = arith.muli %arg1, %mul3A : i32
    "tpu.region"() ({
      %run_scoped3A = tpu.sem_alloc : memref<!tpu.dma_semaphore, #tpu.memory_space<semaphore_mem>>
      %dma_start3A_117 = arith.constant 0 : i32
      %dma_start3A_118 = tpu.memref_slice %arg12[%mul3A_0, %dma_start3A_117] : memref<10112x128xf32, #tpu.memory_space<vmem_shared>> -> memref<632x128xf32, #tpu.memory_space<vmem_shared>>
      tpu.enqueue_dma source(%arg6 : memref<632x128xf32, #tpu.memory_space<hbm>>) target(%dma_start3A_118 : memref<632x128xf32, #tpu.memory_space<vmem_shared>>) target_semaphore(%run_scoped3A : memref<!tpu.dma_semaphore, #tpu.memory_space<semaphore_mem>>)
      %dma_wait3A_119 = arith.constant 0 : i32
      %dma_wait3A_120 = tpu.memref_slice %arg12[%mul3A_0, %dma_wait3A_119] : memref<10112x128xf32, #tpu.memory_space<vmem_shared>> -> memref<632x128xf32, #tpu.memory_space<vmem_shared>>
      tpu.wait_dma2 semaphore(%run_scoped3A : memref<!tpu.dma_semaphore, #tpu.memory_space<semaphore_mem>>) src(%arg6 : memref<632x128xf32, #tpu.memory_space<hbm>>) dst(%dma_wait3A_120 : memref<632x128xf32, #tpu.memory_space<vmem_shared>>)
      tpu.yield
    }) : () -> ()
    %barrier3A = arith.constant 0 : index
    tpu.barrier barrier_id(%barrier3A)
    %mul3A_1 = arith.constant 160 : i32
    %mul3A_2 = arith.muli %arg1, %mul3A_1 : i32
    %add3A = arith.constant 0 : i32
    %add3A_3 = arith.addi %mul3A_2, %add3A : i32
    %dma_start3A = arith.constant 0 : i32
    %dma_start3A_4 = arith.constant 0 : i32
    %dma_start3A_5 = tpu.memref_slice %arg9[%dma_start3A, %dma_start3A_4] : memref<2x128xi32, #tpu.memory_space<vmem>> -> memref<1x128xi32, #tpu.memory_space<vmem>>
    %dma_start3A_6 = tpu.memref_squeeze %dma_start3A_5 : memref<1x128xi32, #tpu.memory_space<vmem>> -> memref<128xi32, #tpu.memory_space<vmem>>
    %dma_start3A_7 = arith.constant 0 : i32
    %dma_start3A_8 = tpu.memref_slice %arg4[%add3A_3, %dma_start3A_7] : memref<2560x128xi32, #tpu.memory_space<hbm>> -> memref<1x128xi32, #tpu.memory_space<hbm>>
    %dma_start3A_9 = tpu.memref_squeeze %dma_start3A_8 : memref<1x128xi32, #tpu.memory_space<hbm>> -> memref<128xi32, #tpu.memory_space<hbm>>
    %dma_start3A_10 = arith.constant 0 : i32
    %dma_start3A_11 = tpu.memref_slice %arg9[%dma_start3A, %dma_start3A_10] : memref<2x128xi32, #tpu.memory_space<vmem>> -> memref<1x128xi32, #tpu.memory_space<vmem>>
    %dma_start3A_12 = tpu.memref_squeeze %dma_start3A_11 : memref<1x128xi32, #tpu.memory_space<vmem>> -> memref<128xi32, #tpu.memory_space<vmem>>
    %dma_start3A_13 = arith.constant 0 : i32
    %dma_start3A_14 = tpu.memref_slice %arg4[%add3A_3, %dma_start3A_13] : memref<2560x128xi32, #tpu.memory_space<hbm>> -> memref<1x128xi32, #tpu.memory_space<hbm>>
    %dma_start3A_15 = tpu.memref_squeeze %dma_start3A_14 : memref<1x128xi32, #tpu.memory_space<hbm>> -> memref<128xi32, #tpu.memory_space<hbm>>
    tpu.enqueue_dma source(%dma_start3A_15 : memref<128xi32, #tpu.memory_space<hbm>>) target(%dma_start3A_12 : memref<128xi32, #tpu.memory_space<vmem>>) target_semaphore(%arg15 : memref<!tpu.dma_semaphore, #tpu.memory_space<semaphore_mem>>)
    %mul3A_16 = arith.constant 160 : i32
    %mul3A_17 = arith.muli %arg1, %mul3A_16 : i32
    %add3A_18 = arith.constant 0 : i32
    %add3A_19 = arith.addi %mul3A_17, %add3A_18 : i32
    %dma_start3A_20 = arith.constant 0 : i32
    %dma_start3A_21 = arith.constant 0 : i32
    %dma_start3A_22 = tpu.memref_slice %arg10[%dma_start3A_20, %dma_start3A_21] : memref<2x128xi32, #tpu.memory_space<vmem>> -> memref<1x128xi32, #tpu.memory_space<vmem>>
    %dma_start3A_23 = tpu.memref_squeeze %dma_start3A_22 : memref<1x128xi32, #tpu.memory_space<vmem>> -> memref<128xi32, #tpu.memory_space<vmem>>
    %dma_start3A_24 = arith.constant 0 : i32
    %dma_start3A_25 = tpu.memref_slice %arg5[%add3A_19, %dma_start3A_24] : memref<2560x128xi32, #tpu.memory_space<hbm>> -> memref<1x128xi32, #tpu.memory_space<hbm>>
    %dma_start3A_26 = tpu.memref_squeeze %dma_start3A_25 : memref<1x128xi32, #tpu.memory_space<hbm>> -> memref<128xi32, #tpu.memory_space<hbm>>
    %dma_start3A_27 = arith.constant 0 : i32
    %dma_start3A_28 = tpu.memref_slice %arg10[%dma_start3A_20, %dma_start3A_27] : memref<2x128xi32, #tpu.memory_space<vmem>> -> memref<1x128xi32, #tpu.memory_space<vmem>>
    %dma_start3A_29 = tpu.memref_squeeze %dma_start3A_28 : memref<1x128xi32, #tpu.memory_space<vmem>> -> memref<128xi32, #tpu.memory_space<vmem>>
    %dma_start3A_30 = arith.constant 0 : i32
    %dma_start3A_31 = tpu.memref_slice %arg5[%add3A_19, %dma_start3A_30] : memref<2560x128xi32, #tpu.memory_space<hbm>> -> memref<1x128xi32, #tpu.memory_space<hbm>>
    %dma_start3A_32 = tpu.memref_squeeze %dma_start3A_31 : memref<1x128xi32, #tpu.memory_space<hbm>> -> memref<128xi32, #tpu.memory_space<hbm>>
    tpu.enqueue_dma source(%dma_start3A_32 : memref<128xi32, #tpu.memory_space<hbm>>) target(%dma_start3A_29 : memref<128xi32, #tpu.memory_space<vmem>>) target_semaphore(%arg15 : memref<!tpu.dma_semaphore, #tpu.memory_space<semaphore_mem>>)
    %mul3A_33 = arith.constant 160 : i32
    %mul3A_34 = arith.muli %arg1, %mul3A_33 : i32
    %add3A_35 = arith.constant 1 : i32
    %add3A_36 = arith.addi %mul3A_34, %add3A_35 : i32
    %dma_start3A_37 = arith.constant 1 : i32
    %dma_start3A_38 = arith.constant 0 : i32
    %dma_start3A_39 = tpu.memref_slice %arg9[%dma_start3A_37, %dma_start3A_38] : memref<2x128xi32, #tpu.memory_space<vmem>> -> memref<1x128xi32, #tpu.memory_space<vmem>>
    %dma_start3A_40 = tpu.memref_squeeze %dma_start3A_39 : memref<1x128xi32, #tpu.memory_space<vmem>> -> memref<128xi32, #tpu.memory_space<vmem>>
    %dma_start3A_41 = arith.constant 0 : i32
    %dma_start3A_42 = tpu.memref_slice %arg4[%add3A_36, %dma_start3A_41] : memref<2560x128xi32, #tpu.memory_space<hbm>> -> memref<1x128xi32, #tpu.memory_space<hbm>>
    %dma_start3A_43 = tpu.memref_squeeze %dma_start3A_42 : memref<1x128xi32, #tpu.memory_space<hbm>> -> memref<128xi32, #tpu.memory_space<hbm>>
    %dma_start3A_44 = arith.constant 0 : i32
    %dma_start3A_45 = tpu.memref_slice %arg9[%dma_start3A_37, %dma_start3A_44] : memref<2x128xi32, #tpu.memory_space<vmem>> -> memref<1x128xi32, #tpu.memory_space<vmem>>
    %dma_start3A_46 = tpu.memref_squeeze %dma_start3A_45 : memref<1x128xi32, #tpu.memory_space<vmem>> -> memref<128xi32, #tpu.memory_space<vmem>>
    %dma_start3A_47 = arith.constant 0 : i32
    %dma_start3A_48 = tpu.memref_slice %arg4[%add3A_36, %dma_start3A_47] : memref<2560x128xi32, #tpu.memory_space<hbm>> -> memref<1x128xi32, #tpu.memory_space<hbm>>
    %dma_start3A_49 = tpu.memref_squeeze %dma_start3A_48 : memref<1x128xi32, #tpu.memory_space<hbm>> -> memref<128xi32, #tpu.memory_space<hbm>>
    tpu.enqueue_dma source(%dma_start3A_49 : memref<128xi32, #tpu.memory_space<hbm>>) target(%dma_start3A_46 : memref<128xi32, #tpu.memory_space<vmem>>) target_semaphore(%arg16 : memref<!tpu.dma_semaphore, #tpu.memory_space<semaphore_mem>>)
    %mul3A_50 = arith.constant 160 : i32
    %mul3A_51 = arith.muli %arg1, %mul3A_50 : i32
    %add3A_52 = arith.constant 1 : i32
    %add3A_53 = arith.addi %mul3A_51, %add3A_52 : i32
    %dma_start3A_54 = arith.constant 1 : i32
    %dma_start3A_55 = arith.constant 0 : i32
    %dma_start3A_56 = tpu.memref_slice %arg10[%dma_start3A_54, %dma_start3A_55] : memref<2x128xi32, #tpu.memory_space<vmem>> -> memref<1x128xi32, #tpu.memory_space<vmem>>
    %dma_start3A_57 = tpu.memref_squeeze %dma_start3A_56 : memref<1x128xi32, #tpu.memory_space<vmem>> -> memref<128xi32, #tpu.memory_space<vmem>>
    %dma_start3A_58 = arith.constant 0 : i32
    %dma_start3A_59 = tpu.memref_slice %arg5[%add3A_53, %dma_start3A_58] : memref<2560x128xi32, #tpu.memory_space<hbm>> -> memref<1x128xi32, #tpu.memory_space<hbm>>
    %dma_start3A_60 = tpu.memref_squeeze %dma_start3A_59 : memref<1x128xi32, #tpu.memory_space<hbm>> -> memref<128xi32, #tpu.memory_space<hbm>>
    %dma_start3A_61 = arith.constant 0 : i32
    %dma_start3A_62 = tpu.memref_slice %arg10[%dma_start3A_54, %dma_start3A_61] : memref<2x128xi32, #tpu.memory_space<vmem>> -> memref<1x128xi32, #tpu.memory_space<vmem>>
    %dma_start3A_63 = tpu.memref_squeeze %dma_start3A_62 : memref<1x128xi32, #tpu.memory_space<vmem>> -> memref<128xi32, #tpu.memory_space<vmem>>
    %dma_start3A_64 = arith.constant 0 : i32
    %dma_start3A_65 = tpu.memref_slice %arg5[%add3A_53, %dma_start3A_64] : memref<2560x128xi32, #tpu.memory_space<hbm>> -> memref<1x128xi32, #tpu.memory_space<hbm>>
    %dma_start3A_66 = tpu.memref_squeeze %dma_start3A_65 : memref<1x128xi32, #tpu.memory_space<hbm>> -> memref<128xi32, #tpu.memory_space<hbm>>
    tpu.enqueue_dma source(%dma_start3A_66 : memref<128xi32, #tpu.memory_space<hbm>>) target(%dma_start3A_63 : memref<128xi32, #tpu.memory_space<vmem>>) target_semaphore(%arg16 : memref<!tpu.dma_semaphore, #tpu.memory_space<semaphore_mem>>)
    %dma_wait3A = arith.constant 0 : i32
    %dma_wait3A_67 = arith.constant 0 : i32
    %dma_wait3A_68 = arith.constant 0 : i32
    %dma_wait3A_69 = tpu.memref_slice %arg9[%dma_wait3A_67, %dma_wait3A_68] : memref<2x128xi32, #tpu.memory_space<vmem>> -> memref<1x128xi32, #tpu.memory_space<vmem>>
    %dma_wait3A_70 = tpu.memref_squeeze %dma_wait3A_69 : memref<1x128xi32, #tpu.memory_space<vmem>> -> memref<128xi32, #tpu.memory_space<vmem>>
    %dma_wait3A_71 = arith.constant 0 : i32
    %dma_wait3A_72 = tpu.memref_slice %arg4[%dma_wait3A, %dma_wait3A_71] : memref<2560x128xi32, #tpu.memory_space<hbm>> -> memref<1x128xi32, #tpu.memory_space<hbm>>
    %dma_wait3A_73 = tpu.memref_squeeze %dma_wait3A_72 : memref<1x128xi32, #tpu.memory_space<hbm>> -> memref<128xi32, #tpu.memory_space<hbm>>
    %dma_wait3A_74 = arith.constant 0 : i32
    %dma_wait3A_75 = tpu.memref_slice %arg9[%dma_wait3A_67, %dma_wait3A_74] : memref<2x128xi32, #tpu.memory_space<vmem>> -> memref<1x128xi32, #tpu.memory_space<vmem>>
    %dma_wait3A_76 = tpu.memref_squeeze %dma_wait3A_75 : memref<1x128xi32, #tpu.memory_space<vmem>> -> memref<128xi32, #tpu.memory_space<vmem>>
    %dma_wait3A_77 = arith.constant 0 : i32
    %dma_wait3A_78 = tpu.memref_slice %arg4[%dma_wait3A, %dma_wait3A_77] : memref<2560x128xi32, #tpu.memory_space<hbm>> -> memref<1x128xi32, #tpu.memory_space<hbm>>
    %dma_wait3A_79 = tpu.memref_squeeze %dma_wait3A_78 : memref<1x128xi32, #tpu.memory_space<hbm>> -> memref<128xi32, #tpu.memory_space<hbm>>
    tpu.wait_dma2 semaphore(%arg15 : memref<!tpu.dma_semaphore, #tpu.memory_space<semaphore_mem>>) src(%dma_wait3A_79 : memref<128xi32, #tpu.memory_space<hbm>>) dst(%dma_wait3A_76 : memref<128xi32, #tpu.memory_space<vmem>>)
    %dma_wait3A_80 = arith.constant 0 : i32
    %dma_wait3A_81 = arith.constant 0 : i32
    %dma_wait3A_82 = arith.constant 0 : i32
    %dma_wait3A_83 = tpu.memref_slice %arg10[%dma_wait3A_81, %dma_wait3A_82] : memref<2x128xi32, #tpu.memory_space<vmem>> -> memref<1x128xi32, #tpu.memory_space<vmem>>
    %dma_wait3A_84 = tpu.memref_squeeze %dma_wait3A_83 : memref<1x128xi32, #tpu.memory_space<vmem>> -> memref<128xi32, #tpu.memory_space<vmem>>
    %dma_wait3A_85 = arith.constant 0 : i32
    %dma_wait3A_86 = tpu.memref_slice %arg5[%dma_wait3A_80, %dma_wait3A_85] : memref<2560x128xi32, #tpu.memory_space<hbm>> -> memref<1x128xi32, #tpu.memory_space<hbm>>
    %dma_wait3A_87 = tpu.memref_squeeze %dma_wait3A_86 : memref<1x128xi32, #tpu.memory_space<hbm>> -> memref<128xi32, #tpu.memory_space<hbm>>
    %dma_wait3A_88 = arith.constant 0 : i32
    %dma_wait3A_89 = tpu.memref_slice %arg10[%dma_wait3A_81, %dma_wait3A_88] : memref<2x128xi32, #tpu.memory_space<vmem>> -> memref<1x128xi32, #tpu.memory_space<vmem>>
    %dma_wait3A_90 = tpu.memref_squeeze %dma_wait3A_89 : memref<1x128xi32, #tpu.memory_space<vmem>> -> memref<128xi32, #tpu.memory_space<vmem>>
    %dma_wait3A_91 = arith.constant 0 : i32
    %dma_wait3A_92 = tpu.memref_slice %arg5[%dma_wait3A_80, %dma_wait3A_91] : memref<2560x128xi32, #tpu.memory_space<hbm>> -> memref<1x128xi32, #tpu.memory_space<hbm>>
    %dma_wait3A_93 = tpu.memref_squeeze %dma_wait3A_92 : memref<1x128xi32, #tpu.memory_space<hbm>> -> memref<128xi32, #tpu.memory_space<hbm>>
    tpu.wait_dma2 semaphore(%arg15 : memref<!tpu.dma_semaphore, #tpu.memory_space<semaphore_mem>>) src(%dma_wait3A_93 : memref<128xi32, #tpu.memory_space<hbm>>) dst(%dma_wait3A_90 : memref<128xi32, #tpu.memory_space<vmem>>)
    %eq3A = arith.constant 0 : i32
    %eq3A_94 = arith.cmpi eq, %arg0, %eq3A : i32
    %convert_element_type3A = arith.extui %eq3A_94 : i1 to i32
    %cond3A = arith.constant 0 : i32
    %cond3A_95 = arith.cmpi ne, %convert_element_type3A, %cond3A : i32
    scf.if %cond3A_95 {
      %dma_start3A_117 = arith.constant 0 : i32
      %dma_start3A_118 = arith.constant 0 : i32
      %dma_start3A_119 = arith.constant 0 : i32
      %dma_start3A_120 = arith.constant 0 : i32
      %dma_start3A_121 = tpu.memref_slice %arg11[%dma_start3A_118, %dma_start3A_119, %dma_start3A_120] : memref<2x128x128xf32, #tpu.memory_space<vmem>> -> memref<1x128x128xf32, #tpu.memory_space<vmem>>
      %dma_start3A_122 = tpu.memref_squeeze %dma_start3A_121 : memref<1x128x128xf32, #tpu.memory_space<vmem>> -> memref<128x128xf32, #tpu.memory_space<vmem>>
      %dma_start3A_123 = arith.constant 0 : i32
      %dma_start3A_124 = tpu.memref_slice %arg9[%dma_start3A_117, %dma_start3A_123] : memref<2x128xi32, #tpu.memory_space<vmem>> -> memref<1x128xi32, #tpu.memory_space<vmem>>
      %dma_start3A_125 = tpu.memref_squeeze %dma_start3A_124 : memref<1x128xi32, #tpu.memory_space<vmem>> -> memref<128xi32, #tpu.memory_space<vmem>>
      %dma_start3A_126 = arith.constant 0 : i32
      %dma_start3A_127 = arith.constant 0 : i32
      %dma_start3A_128 = tpu.memref_slice %arg2[%dma_start3A_126, %dma_start3A_127] : memref<10000x128xf32, #tpu.memory_space<hbm>> -> memref<10000x128xf32, #tpu.memory_space<hbm>>
      tpu.enqueue_indirect_dma source(%dma_start3A_128 : memref<10000x128xf32, #tpu.memory_space<hbm>>) target(%dma_start3A_122 : memref<128x128xf32, #tpu.memory_space<vmem>>) offsets(%dma_start3A_125 : memref<128xi32, #tpu.memory_space<vmem>>) semaphore(%arg13 : memref<!tpu.dma_semaphore, #tpu.memory_space<semaphore_mem>>)
    } else {
    }
    %eq3A_96 = arith.constant 1 : i32
    %eq3A_97 = arith.cmpi eq, %arg0, %eq3A_96 : i32
    %convert_element_type3A_98 = arith.extui %eq3A_97 : i1 to i32
    %cond3A_99 = arith.constant 0 : i32
    %cond3A_100 = arith.cmpi ne, %convert_element_type3A_98, %cond3A_99 : i32
    scf.if %cond3A_100 {
      %dma_start3A_117 = arith.constant 0 : i32
      %dma_start3A_118 = arith.constant 0 : i32
      %dma_start3A_119 = arith.constant 0 : i32
      %dma_start3A_120 = arith.constant 0 : i32
      %dma_start3A_121 = tpu.memref_slice %arg11[%dma_start3A_118, %dma_start3A_119, %dma_start3A_120] : memref<2x128x128xf32, #tpu.memory_space<vmem>> -> memref<1x128x128xf32, #tpu.memory_space<vmem>>
      %dma_start3A_122 = tpu.memref_squeeze %dma_start3A_121 : memref<1x128x128xf32, #tpu.memory_space<vmem>> -> memref<128x128xf32, #tpu.memory_space<vmem>>
      %dma_start3A_123 = arith.constant 0 : i32
      %dma_start3A_124 = tpu.memref_slice %arg9[%dma_start3A_117, %dma_start3A_123] : memref<2x128xi32, #tpu.memory_space<vmem>> -> memref<1x128xi32, #tpu.memory_space<vmem>>
      %dma_start3A_125 = tpu.memref_squeeze %dma_start3A_124 : memref<1x128xi32, #tpu.memory_space<vmem>> -> memref<128xi32, #tpu.memory_space<vmem>>
      %dma_start3A_126 = arith.constant 0 : i32
      %dma_start3A_127 = arith.constant 0 : i32
      %dma_start3A_128 = tpu.memref_slice %arg3[%dma_start3A_126, %dma_start3A_127] : memref<10000x128xf32, #tpu.memory_space<hbm>> -> memref<10000x128xf32, #tpu.memory_space<hbm>>
      tpu.enqueue_indirect_dma source(%dma_start3A_128 : memref<10000x128xf32, #tpu.memory_space<hbm>>) target(%dma_start3A_122 : memref<128x128xf32, #tpu.memory_space<vmem>>) offsets(%dma_start3A_125 : memref<128xi32, #tpu.memory_space<vmem>>) semaphore(%arg13 : memref<!tpu.dma_semaphore, #tpu.memory_space<semaphore_mem>>)
    } else {
    }
    %scan3A = arith.constant 0 : i32
    %scan3A_101 = arith.constant 0 : i32
    %scan3A_102 = arith.constant 80 : i32
    %scan3A_103 = arith.addi %scan3A_101, %scan3A_102 : i32
    %scan3A_104 = arith.constant 1 : i32
    scf.for %scan3A_117 = %scan3A_101 to %scan3A_103 step %scan3A_104  : i32 {
      %mul3A_118 = arith.constant 2 : i32
      %mul3A_119 = arith.muli %scan3A_117, %mul3A_118 : i32
      %add3A_120 = arith.constant 0 : i32
      %add3A_121 = arith.addi %mul3A_119, %add3A_120 : i32
      %add3A_122 = arith.constant 1 : i32
      %add3A_123 = arith.addi %add3A_121, %add3A_122 : i32
      %lt3A = arith.constant 160 : i32
      %lt3A_124 = arith.cmpi slt, %add3A_123, %lt3A : i32
      %convert_element_type3A_125 = arith.extui %lt3A_124 : i1 to i32
      %cond3A_126 = arith.constant 0 : i32
      %cond3A_127 = arith.cmpi ne, %convert_element_type3A_125, %cond3A_126 : i32
      scf.if %cond3A_127 {
        %dma_wait3A_180 = arith.constant 0 : i32
        %dma_wait3A_181 = arith.constant 1 : i32
        %dma_wait3A_182 = arith.constant 0 : i32
        %dma_wait3A_183 = tpu.memref_slice %arg9[%dma_wait3A_181, %dma_wait3A_182] : memref<2x128xi32, #tpu.memory_space<vmem>> -> memref<1x128xi32, #tpu.memory_space<vmem>>
        %dma_wait3A_184 = tpu.memref_squeeze %dma_wait3A_183 : memref<1x128xi32, #tpu.memory_space<vmem>> -> memref<128xi32, #tpu.memory_space<vmem>>
        %dma_wait3A_185 = arith.constant 0 : i32
        %dma_wait3A_186 = tpu.memref_slice %arg4[%dma_wait3A_180, %dma_wait3A_185] : memref<2560x128xi32, #tpu.memory_space<hbm>> -> memref<1x128xi32, #tpu.memory_space<hbm>>
        %dma_wait3A_187 = tpu.memref_squeeze %dma_wait3A_186 : memref<1x128xi32, #tpu.memory_space<hbm>> -> memref<128xi32, #tpu.memory_space<hbm>>
        %dma_wait3A_188 = arith.constant 0 : i32
        %dma_wait3A_189 = tpu.memref_slice %arg9[%dma_wait3A_181, %dma_wait3A_188] : memref<2x128xi32, #tpu.memory_space<vmem>> -> memref<1x128xi32, #tpu.memory_space<vmem>>
        %dma_wait3A_190 = tpu.memref_squeeze %dma_wait3A_189 : memref<1x128xi32, #tpu.memory_space<vmem>> -> memref<128xi32, #tpu.memory_space<vmem>>
        %dma_wait3A_191 = arith.constant 0 : i32
        %dma_wait3A_192 = tpu.memref_slice %arg4[%dma_wait3A_180, %dma_wait3A_191] : memref<2560x128xi32, #tpu.memory_space<hbm>> -> memref<1x128xi32, #tpu.memory_space<hbm>>
        %dma_wait3A_193 = tpu.memref_squeeze %dma_wait3A_192 : memref<1x128xi32, #tpu.memory_space<hbm>> -> memref<128xi32, #tpu.memory_space<hbm>>
        tpu.wait_dma2 semaphore(%arg16 : memref<!tpu.dma_semaphore, #tpu.memory_space<semaphore_mem>>) src(%dma_wait3A_193 : memref<128xi32, #tpu.memory_space<hbm>>) dst(%dma_wait3A_190 : memref<128xi32, #tpu.memory_space<vmem>>)
        %dma_wait3A_194 = arith.constant 0 : i32
        %dma_wait3A_195 = arith.constant 1 : i32
        %dma_wait3A_196 = arith.constant 0 : i32
        %dma_wait3A_197 = tpu.memref_slice %arg10[%dma_wait3A_195, %dma_wait3A_196] : memref<2x128xi32, #tpu.memory_space<vmem>> -> memref<1x128xi32, #tpu.memory_space<vmem>>
        %dma_wait3A_198 = tpu.memref_squeeze %dma_wait3A_197 : memref<1x128xi32, #tpu.memory_space<vmem>> -> memref<128xi32, #tpu.memory_space<vmem>>
        %dma_wait3A_199 = arith.constant 0 : i32
        %dma_wait3A_200 = tpu.memref_slice %arg5[%dma_wait3A_194, %dma_wait3A_199] : memref<2560x128xi32, #tpu.memory_space<hbm>> -> memref<1x128xi32, #tpu.memory_space<hbm>>
        %dma_wait3A_201 = tpu.memref_squeeze %dma_wait3A_200 : memref<1x128xi32, #tpu.memory_space<hbm>> -> memref<128xi32, #tpu.memory_space<hbm>>
        %dma_wait3A_202 = arith.constant 0 : i32
        %dma_wait3A_203 = tpu.memref_slice %arg10[%dma_wait3A_195, %dma_wait3A_202] : memref<2x128xi32, #tpu.memory_space<vmem>> -> memref<1x128xi32, #tpu.memory_space<vmem>>
        %dma_wait3A_204 = tpu.memref_squeeze %dma_wait3A_203 : memref<1x128xi32, #tpu.memory_space<vmem>> -> memref<128xi32, #tpu.memory_space<vmem>>
        %dma_wait3A_205 = arith.constant 0 : i32
        %dma_wait3A_206 = tpu.memref_slice %arg5[%dma_wait3A_194, %dma_wait3A_205] : memref<2560x128xi32, #tpu.memory_space<hbm>> -> memref<1x128xi32, #tpu.memory_space<hbm>>
        %dma_wait3A_207 = tpu.memref_squeeze %dma_wait3A_206 : memref<1x128xi32, #tpu.memory_space<hbm>> -> memref<128xi32, #tpu.memory_space<hbm>>
        tpu.wait_dma2 semaphore(%arg16 : memref<!tpu.dma_semaphore, #tpu.memory_space<semaphore_mem>>) src(%dma_wait3A_207 : memref<128xi32, #tpu.memory_space<hbm>>) dst(%dma_wait3A_204 : memref<128xi32, #tpu.memory_space<vmem>>)
        %eq3A_208 = arith.constant 0 : i32
        %eq3A_209 = arith.cmpi eq, %arg0, %eq3A_208 : i32
        %convert_element_type3A_210 = arith.extui %eq3A_209 : i1 to i32
        %cond3A_211 = arith.constant 0 : i32
        %cond3A_212 = arith.cmpi ne, %convert_element_type3A_210, %cond3A_211 : i32
        scf.if %cond3A_212 {
          %dma_start3A_218 = arith.constant 1 : i32
          %dma_start3A_219 = arith.constant 1 : i32
          %dma_start3A_220 = arith.constant 0 : i32
          %dma_start3A_221 = arith.constant 0 : i32
          %dma_start3A_222 = tpu.memref_slice %arg11[%dma_start3A_219, %dma_start3A_220, %dma_start3A_221] : memref<2x128x128xf32, #tpu.memory_space<vmem>> -> memref<1x128x128xf32, #tpu.memory_space<vmem>>
          %dma_start3A_223 = tpu.memref_squeeze %dma_start3A_222 : memref<1x128x128xf32, #tpu.memory_space<vmem>> -> memref<128x128xf32, #tpu.memory_space<vmem>>
          %dma_start3A_224 = arith.constant 0 : i32
          %dma_start3A_225 = tpu.memref_slice %arg9[%dma_start3A_218, %dma_start3A_224] : memref<2x128xi32, #tpu.memory_space<vmem>> -> memref<1x128xi32, #tpu.memory_space<vmem>>
          %dma_start3A_226 = tpu.memref_squeeze %dma_start3A_225 : memref<1x128xi32, #tpu.memory_space<vmem>> -> memref<128xi32, #tpu.memory_space<vmem>>
          %dma_start3A_227 = arith.constant 0 : i32
          %dma_start3A_228 = arith.constant 0 : i32
          %dma_start3A_229 = tpu.memref_slice %arg2[%dma_start3A_227, %dma_start3A_228] : memref<10000x128xf32, #tpu.memory_space<hbm>> -> memref<10000x128xf32, #tpu.memory_space<hbm>>
          tpu.enqueue_indirect_dma source(%dma_start3A_229 : memref<10000x128xf32, #tpu.memory_space<hbm>>) target(%dma_start3A_223 : memref<128x128xf32, #tpu.memory_space<vmem>>) offsets(%dma_start3A_226 : memref<128xi32, #tpu.memory_space<vmem>>) semaphore(%arg14 : memref<!tpu.dma_semaphore, #tpu.memory_space<semaphore_mem>>)
        } else {
        }
        %eq3A_213 = arith.constant 1 : i32
        %eq3A_214 = arith.cmpi eq, %arg0, %eq3A_213 : i32
        %convert_element_type3A_215 = arith.extui %eq3A_214 : i1 to i32
        %cond3A_216 = arith.constant 0 : i32
        %cond3A_217 = arith.cmpi ne, %convert_element_type3A_215, %cond3A_216 : i32
        scf.if %cond3A_217 {
          %dma_start3A_218 = arith.constant 1 : i32
          %dma_start3A_219 = arith.constant 1 : i32
          %dma_start3A_220 = arith.constant 0 : i32
          %dma_start3A_221 = arith.constant 0 : i32
          %dma_start3A_222 = tpu.memref_slice %arg11[%dma_start3A_219, %dma_start3A_220, %dma_start3A_221] : memref<2x128x128xf32, #tpu.memory_space<vmem>> -> memref<1x128x128xf32, #tpu.memory_space<vmem>>
          %dma_start3A_223 = tpu.memref_squeeze %dma_start3A_222 : memref<1x128x128xf32, #tpu.memory_space<vmem>> -> memref<128x128xf32, #tpu.memory_space<vmem>>
          %dma_start3A_224 = arith.constant 0 : i32
          %dma_start3A_225 = tpu.memref_slice %arg9[%dma_start3A_218, %dma_start3A_224] : memref<2x128xi32, #tpu.memory_space<vmem>> -> memref<1x128xi32, #tpu.memory_space<vmem>>
          %dma_start3A_226 = tpu.memref_squeeze %dma_start3A_225 : memref<1x128xi32, #tpu.memory_space<vmem>> -> memref<128xi32, #tpu.memory_space<vmem>>
          %dma_start3A_227 = arith.constant 0 : i32
          %dma_start3A_228 = arith.constant 0 : i32
          %dma_start3A_229 = tpu.memref_slice %arg3[%dma_start3A_227, %dma_start3A_228] : memref<10000x128xf32, #tpu.memory_space<hbm>> -> memref<10000x128xf32, #tpu.memory_space<hbm>>
          tpu.enqueue_indirect_dma source(%dma_start3A_229 : memref<10000x128xf32, #tpu.memory_space<hbm>>) target(%dma_start3A_223 : memref<128x128xf32, #tpu.memory_space<vmem>>) offsets(%dma_start3A_226 : memref<128xi32, #tpu.memory_space<vmem>>) semaphore(%arg14 : memref<!tpu.dma_semaphore, #tpu.memory_space<semaphore_mem>>)
        } else {
        }
      } else {
      }
      %dma_wait3A_128 = arith.constant 0 : i32
      %dma_wait3A_129 = arith.constant 0 : i32
      %dma_wait3A_130 = arith.constant 0 : i32
      %dma_wait3A_131 = arith.constant 0 : i32
      %dma_wait3A_132 = tpu.memref_slice %arg11[%dma_wait3A_129, %dma_wait3A_130, %dma_wait3A_131] : memref<2x128x128xf32, #tpu.memory_space<vmem>> -> memref<1x128x128xf32, #tpu.memory_space<vmem>>
      %dma_wait3A_133 = tpu.memref_squeeze %dma_wait3A_132 : memref<1x128x128xf32, #tpu.memory_space<vmem>> -> memref<128x128xf32, #tpu.memory_space<vmem>>
      %dma_wait3A_134 = arith.constant 0 : i32
      %dma_wait3A_135 = tpu.memref_slice %arg9[%dma_wait3A_128, %dma_wait3A_134] : memref<2x128xi32, #tpu.memory_space<vmem>> -> memref<1x128xi32, #tpu.memory_space<vmem>>
      %dma_wait3A_136 = tpu.memref_squeeze %dma_wait3A_135 : memref<1x128xi32, #tpu.memory_space<vmem>> -> memref<128xi32, #tpu.memory_space<vmem>>
      %dma_wait3A_137 = arith.constant 0 : i32
      %dma_wait3A_138 = arith.constant 0 : i32
      %dma_wait3A_139 = tpu.memref_slice %arg2[%dma_wait3A_137, %dma_wait3A_138] : memref<10000x128xf32, #tpu.memory_space<hbm>> -> memref<10000x128xf32, #tpu.memory_space<hbm>>
      tpu.wait_indirect_dma semaphore(%arg13 : memref<!tpu.dma_semaphore, #tpu.memory_space<semaphore_mem>>) src(%dma_wait3A_139 : memref<10000x128xf32, #tpu.memory_space<hbm>>) dst(%dma_wait3A_133 : memref<128x128xf32, #tpu.memory_space<vmem>>)
      %run_scoped3A = arith.constant 0 : i32
      %run_scoped3A_140 = arith.constant 0 : i32
      "tpu.region"() ({
        %run_scoped3A_180 = tpu.sem_alloc : memref<!tpu.dma_semaphore, #tpu.memory_space<semaphore_mem>>
        %dma_start3A_181 = arith.constant 0 : i32
        %dma_start3A_182 = arith.constant 0 : i32
        %dma_start3A_183 = tpu.memref_slice %arg11[%run_scoped3A, %dma_start3A_181, %dma_start3A_182] : memref<2x128x128xf32, #tpu.memory_space<vmem>> -> memref<1x128x128xf32, #tpu.memory_space<vmem>>
        %dma_start3A_184 = tpu.memref_squeeze %dma_start3A_183 : memref<1x128x128xf32, #tpu.memory_space<vmem>> -> memref<128x128xf32, #tpu.memory_space<vmem>>
        %dma_start3A_185 = arith.constant 0 : i32
        %dma_start3A_186 = tpu.memref_slice %arg10[%run_scoped3A_140, %dma_start3A_185] : memref<2x128xi32, #tpu.memory_space<vmem>> -> memref<1x128xi32, #tpu.memory_space<vmem>>
        %dma_start3A_187 = tpu.memref_squeeze %dma_start3A_186 : memref<1x128xi32, #tpu.memory_space<vmem>> -> memref<128xi32, #tpu.memory_space<vmem>>
        %dma_start3A_188 = arith.constant 0 : i32
        %dma_start3A_189 = arith.constant 0 : i32
        %dma_start3A_190 = tpu.memref_slice %arg12[%dma_start3A_188, %dma_start3A_189] : memref<10112x128xf32, #tpu.memory_space<vmem_shared>> -> memref<10112x128xf32, #tpu.memory_space<vmem_shared>>
        tpu.enqueue_indirect_dma source(%dma_start3A_184 : memref<128x128xf32, #tpu.memory_space<vmem>>) target(%dma_start3A_190 : memref<10112x128xf32, #tpu.memory_space<vmem_shared>>) offsets(%dma_start3A_187 : memref<128xi32, #tpu.memory_space<vmem>>) semaphore(%run_scoped3A_180 : memref<!tpu.dma_semaphore, #tpu.memory_space<semaphore_mem>>) {add = true}
        %dma_wait3A_191 = arith.constant 0 : i32
        %dma_wait3A_192 = arith.constant 0 : i32
        %dma_wait3A_193 = tpu.memref_slice %arg11[%run_scoped3A, %dma_wait3A_191, %dma_wait3A_192] : memref<2x128x128xf32, #tpu.memory_space<vmem>> -> memref<1x128x128xf32, #tpu.memory_space<vmem>>
        %dma_wait3A_194 = tpu.memref_squeeze %dma_wait3A_193 : memref<1x128x128xf32, #tpu.memory_space<vmem>> -> memref<128x128xf32, #tpu.memory_space<vmem>>
        %dma_wait3A_195 = arith.constant 0 : i32
        %dma_wait3A_196 = tpu.memref_slice %arg10[%run_scoped3A_140, %dma_wait3A_195] : memref<2x128xi32, #tpu.memory_space<vmem>> -> memref<1x128xi32, #tpu.memory_space<vmem>>
        %dma_wait3A_197 = tpu.memref_squeeze %dma_wait3A_196 : memref<1x128xi32, #tpu.memory_space<vmem>> -> memref<128xi32, #tpu.memory_space<vmem>>
        %dma_wait3A_198 = arith.constant 0 : i32
        %dma_wait3A_199 = arith.constant 0 : i32
        %dma_wait3A_200 = tpu.memref_slice %arg12[%dma_wait3A_198, %dma_wait3A_199] : memref<10112x128xf32, #tpu.memory_space<vmem_shared>> -> memref<10112x128xf32, #tpu.memory_space<vmem_shared>>
        tpu.wait_indirect_dma semaphore(%run_scoped3A_180 : memref<!tpu.dma_semaphore, #tpu.memory_space<semaphore_mem>>) src(%dma_wait3A_194 : memref<128x128xf32, #tpu.memory_space<vmem>>) dst(%dma_wait3A_200 : memref<10112x128xf32, #tpu.memory_space<vmem_shared>>)
        tpu.yield
      }) : () -> ()
      %add3A_141 = arith.constant 2 : i32
      %add3A_142 = arith.addi %add3A_121, %add3A_141 : i32
      %lt3A_143 = arith.constant 160 : i32
      %lt3A_144 = arith.cmpi slt, %add3A_142, %lt3A_143 : i32
      %convert_element_type3A_145 = arith.extui %lt3A_144 : i1 to i32
      %cond3A_146 = arith.constant 0 : i32
      %cond3A_147 = arith.cmpi ne, %convert_element_type3A_145, %cond3A_146 : i32
      scf.if %cond3A_147 {
        %add3A_180 = arith.constant 2 : i32
        %add3A_181 = arith.addi %add3A_121, %add3A_180 : i32
        %mul3A_182 = arith.constant 160 : i32
        %mul3A_183 = arith.muli %arg1, %mul3A_182 : i32
        %add3A_184 = arith.addi %mul3A_183, %add3A_181 : i32
        %dma_start3A_185 = arith.constant 0 : i32
        %dma_start3A_186 = arith.constant 0 : i32
        %dma_start3A_187 = tpu.memref_slice %arg9[%dma_start3A_185, %dma_start3A_186] : memref<2x128xi32, #tpu.memory_space<vmem>> -> memref<1x128xi32, #tpu.memory_space<vmem>>
        %dma_start3A_188 = tpu.memref_squeeze %dma_start3A_187 : memref<1x128xi32, #tpu.memory_space<vmem>> -> memref<128xi32, #tpu.memory_space<vmem>>
        %dma_start3A_189 = arith.constant 0 : i32
        %dma_start3A_190 = tpu.memref_slice %arg4[%add3A_184, %dma_start3A_189] : memref<2560x128xi32, #tpu.memory_space<hbm>> -> memref<1x128xi32, #tpu.memory_space<hbm>>
        %dma_start3A_191 = tpu.memref_squeeze %dma_start3A_190 : memref<1x128xi32, #tpu.memory_space<hbm>> -> memref<128xi32, #tpu.memory_space<hbm>>
        %dma_start3A_192 = arith.constant 0 : i32
        %dma_start3A_193 = tpu.memref_slice %arg9[%dma_start3A_185, %dma_start3A_192] : memref<2x128xi32, #tpu.memory_space<vmem>> -> memref<1x128xi32, #tpu.memory_space<vmem>>
        %dma_start3A_194 = tpu.memref_squeeze %dma_start3A_193 : memref<1x128xi32, #tpu.memory_space<vmem>> -> memref<128xi32, #tpu.memory_space<vmem>>
        %dma_start3A_195 = arith.constant 0 : i32
        %dma_start3A_196 = tpu.memref_slice %arg4[%add3A_184, %dma_start3A_195] : memref<2560x128xi32, #tpu.memory_space<hbm>> -> memref<1x128xi32, #tpu.memory_space<hbm>>
        %dma_start3A_197 = tpu.memref_squeeze %dma_start3A_196 : memref<1x128xi32, #tpu.memory_space<hbm>> -> memref<128xi32, #tpu.memory_space<hbm>>
        tpu.enqueue_dma source(%dma_start3A_197 : memref<128xi32, #tpu.memory_space<hbm>>) target(%dma_start3A_194 : memref<128xi32, #tpu.memory_space<vmem>>) target_semaphore(%arg15 : memref<!tpu.dma_semaphore, #tpu.memory_space<semaphore_mem>>)
        %mul3A_198 = arith.constant 160 : i32
        %mul3A_199 = arith.muli %arg1, %mul3A_198 : i32
        %add3A_200 = arith.addi %mul3A_199, %add3A_181 : i32
        %dma_start3A_201 = arith.constant 0 : i32
        %dma_start3A_202 = arith.constant 0 : i32
        %dma_start3A_203 = tpu.memref_slice %arg10[%dma_start3A_201, %dma_start3A_202] : memref<2x128xi32, #tpu.memory_space<vmem>> -> memref<1x128xi32, #tpu.memory_space<vmem>>
        %dma_start3A_204 = tpu.memref_squeeze %dma_start3A_203 : memref<1x128xi32, #tpu.memory_space<vmem>> -> memref<128xi32, #tpu.memory_space<vmem>>
        %dma_start3A_205 = arith.constant 0 : i32
        %dma_start3A_206 = tpu.memref_slice %arg5[%add3A_200, %dma_start3A_205] : memref<2560x128xi32, #tpu.memory_space<hbm>> -> memref<1x128xi32, #tpu.memory_space<hbm>>
        %dma_start3A_207 = tpu.memref_squeeze %dma_start3A_206 : memref<1x128xi32, #tpu.memory_space<hbm>> -> memref<128xi32, #tpu.memory_space<hbm>>
        %dma_start3A_208 = arith.constant 0 : i32
        %dma_start3A_209 = tpu.memref_slice %arg10[%dma_start3A_201, %dma_start3A_208] : memref<2x128xi32, #tpu.memory_space<vmem>> -> memref<1x128xi32, #tpu.memory_space<vmem>>
        %dma_start3A_210 = tpu.memref_squeeze %dma_start3A_209 : memref<1x128xi32, #tpu.memory_space<vmem>> -> memref<128xi32, #tpu.memory_space<vmem>>
        %dma_start3A_211 = arith.constant 0 : i32
        %dma_start3A_212 = tpu.memref_slice %arg5[%add3A_200, %dma_start3A_211] : memref<2560x128xi32, #tpu.memory_space<hbm>> -> memref<1x128xi32, #tpu.memory_space<hbm>>
        %dma_start3A_213 = tpu.memref_squeeze %dma_start3A_212 : memref<1x128xi32, #tpu.memory_space<hbm>> -> memref<128xi32, #tpu.memory_space<hbm>>
        tpu.enqueue_dma source(%dma_start3A_213 : memref<128xi32, #tpu.memory_space<hbm>>) target(%dma_start3A_210 : memref<128xi32, #tpu.memory_space<vmem>>) target_semaphore(%arg15 : memref<!tpu.dma_semaphore, #tpu.memory_space<semaphore_mem>>)
      } else {
      }
      %mul3A_148 = arith.constant 2 : i32
      %mul3A_149 = arith.muli %scan3A_117, %mul3A_148 : i32
      %add3A_150 = arith.constant 1 : i32
      %add3A_151 = arith.addi %mul3A_149, %add3A_150 : i32
      %add3A_152 = arith.constant 1 : i32
      %add3A_153 = arith.addi %add3A_151, %add3A_152 : i32
      %lt3A_154 = arith.constant 160 : i32
      %lt3A_155 = arith.cmpi slt, %add3A_153, %lt3A_154 : i32
      %convert_element_type3A_156 = arith.extui %lt3A_155 : i1 to i32
      %cond3A_157 = arith.constant 0 : i32
      %cond3A_158 = arith.cmpi ne, %convert_element_type3A_156, %cond3A_157 : i32
      scf.if %cond3A_158 {
        %dma_wait3A_180 = arith.constant 0 : i32
        %dma_wait3A_181 = arith.constant 0 : i32
        %dma_wait3A_182 = arith.constant 0 : i32
        %dma_wait3A_183 = tpu.memref_slice %arg9[%dma_wait3A_181, %dma_wait3A_182] : memref<2x128xi32, #tpu.memory_space<vmem>> -> memref<1x128xi32, #tpu.memory_space<vmem>>
        %dma_wait3A_184 = tpu.memref_squeeze %dma_wait3A_183 : memref<1x128xi32, #tpu.memory_space<vmem>> -> memref<128xi32, #tpu.memory_space<vmem>>
        %dma_wait3A_185 = arith.constant 0 : i32
        %dma_wait3A_186 = tpu.memref_slice %arg4[%dma_wait3A_180, %dma_wait3A_185] : memref<2560x128xi32, #tpu.memory_space<hbm>> -> memref<1x128xi32, #tpu.memory_space<hbm>>
        %dma_wait3A_187 = tpu.memref_squeeze %dma_wait3A_186 : memref<1x128xi32, #tpu.memory_space<hbm>> -> memref<128xi32, #tpu.memory_space<hbm>>
        %dma_wait3A_188 = arith.constant 0 : i32
        %dma_wait3A_189 = tpu.memref_slice %arg9[%dma_wait3A_181, %dma_wait3A_188] : memref<2x128xi32, #tpu.memory_space<vmem>> -> memref<1x128xi32, #tpu.memory_space<vmem>>
        %dma_wait3A_190 = tpu.memref_squeeze %dma_wait3A_189 : memref<1x128xi32, #tpu.memory_space<vmem>> -> memref<128xi32, #tpu.memory_space<vmem>>
        %dma_wait3A_191 = arith.constant 0 : i32
        %dma_wait3A_192 = tpu.memref_slice %arg4[%dma_wait3A_180, %dma_wait3A_191] : memref<2560x128xi32, #tpu.memory_space<hbm>> -> memref<1x128xi32, #tpu.memory_space<hbm>>
        %dma_wait3A_193 = tpu.memref_squeeze %dma_wait3A_192 : memref<1x128xi32, #tpu.memory_space<hbm>> -> memref<128xi32, #tpu.memory_space<hbm>>
        tpu.wait_dma2 semaphore(%arg15 : memref<!tpu.dma_semaphore, #tpu.memory_space<semaphore_mem>>) src(%dma_wait3A_193 : memref<128xi32, #tpu.memory_space<hbm>>) dst(%dma_wait3A_190 : memref<128xi32, #tpu.memory_space<vmem>>)
        %dma_wait3A_194 = arith.constant 0 : i32
        %dma_wait3A_195 = arith.constant 0 : i32
        %dma_wait3A_196 = arith.constant 0 : i32
        %dma_wait3A_197 = tpu.memref_slice %arg10[%dma_wait3A_195, %dma_wait3A_196] : memref<2x128xi32, #tpu.memory_space<vmem>> -> memref<1x128xi32, #tpu.memory_space<vmem>>
        %dma_wait3A_198 = tpu.memref_squeeze %dma_wait3A_197 : memref<1x128xi32, #tpu.memory_space<vmem>> -> memref<128xi32, #tpu.memory_space<vmem>>
        %dma_wait3A_199 = arith.constant 0 : i32
        %dma_wait3A_200 = tpu.memref_slice %arg5[%dma_wait3A_194, %dma_wait3A_199] : memref<2560x128xi32, #tpu.memory_space<hbm>> -> memref<1x128xi32, #tpu.memory_space<hbm>>
        %dma_wait3A_201 = tpu.memref_squeeze %dma_wait3A_200 : memref<1x128xi32, #tpu.memory_space<hbm>> -> memref<128xi32, #tpu.memory_space<hbm>>
        %dma_wait3A_202 = arith.constant 0 : i32
        %dma_wait3A_203 = tpu.memref_slice %arg10[%dma_wait3A_195, %dma_wait3A_202] : memref<2x128xi32, #tpu.memory_space<vmem>> -> memref<1x128xi32, #tpu.memory_space<vmem>>
        %dma_wait3A_204 = tpu.memref_squeeze %dma_wait3A_203 : memref<1x128xi32, #tpu.memory_space<vmem>> -> memref<128xi32, #tpu.memory_space<vmem>>
        %dma_wait3A_205 = arith.constant 0 : i32
        %dma_wait3A_206 = tpu.memref_slice %arg5[%dma_wait3A_194, %dma_wait3A_205] : memref<2560x128xi32, #tpu.memory_space<hbm>> -> memref<1x128xi32, #tpu.memory_space<hbm>>
        %dma_wait3A_207 = tpu.memref_squeeze %dma_wait3A_206 : memref<1x128xi32, #tpu.memory_space<hbm>> -> memref<128xi32, #tpu.memory_space<hbm>>
        tpu.wait_dma2 semaphore(%arg15 : memref<!tpu.dma_semaphore, #tpu.memory_space<semaphore_mem>>) src(%dma_wait3A_207 : memref<128xi32, #tpu.memory_space<hbm>>) dst(%dma_wait3A_204 : memref<128xi32, #tpu.memory_space<vmem>>)
        %eq3A_208 = arith.constant 0 : i32
        %eq3A_209 = arith.cmpi eq, %arg0, %eq3A_208 : i32
        %convert_element_type3A_210 = arith.extui %eq3A_209 : i1 to i32
        %cond3A_211 = arith.constant 0 : i32
        %cond3A_212 = arith.cmpi ne, %convert_element_type3A_210, %cond3A_211 : i32
        scf.if %cond3A_212 {
          %dma_start3A_218 = arith.constant 0 : i32
          %dma_start3A_219 = arith.constant 0 : i32
          %dma_start3A_220 = arith.constant 0 : i32
          %dma_start3A_221 = arith.constant 0 : i32
          %dma_start3A_222 = tpu.memref_slice %arg11[%dma_start3A_219, %dma_start3A_220, %dma_start3A_221] : memref<2x128x128xf32, #tpu.memory_space<vmem>> -> memref<1x128x128xf32, #tpu.memory_space<vmem>>
          %dma_start3A_223 = tpu.memref_squeeze %dma_start3A_222 : memref<1x128x128xf32, #tpu.memory_space<vmem>> -> memref<128x128xf32, #tpu.memory_space<vmem>>
          %dma_start3A_224 = arith.constant 0 : i32
          %dma_start3A_225 = tpu.memref_slice %arg9[%dma_start3A_218, %dma_start3A_224] : memref<2x128xi32, #tpu.memory_space<vmem>> -> memref<1x128xi32, #tpu.memory_space<vmem>>
          %dma_start3A_226 = tpu.memref_squeeze %dma_start3A_225 : memref<1x128xi32, #tpu.memory_space<vmem>> -> memref<128xi32, #tpu.memory_space<vmem>>
          %dma_start3A_227 = arith.constant 0 : i32
          %dma_start3A_228 = arith.constant 0 : i32
          %dma_start3A_229 = tpu.memref_slice %arg2[%dma_start3A_227, %dma_start3A_228] : memref<10000x128xf32, #tpu.memory_space<hbm>> -> memref<10000x128xf32, #tpu.memory_space<hbm>>
          tpu.enqueue_indirect_dma source(%dma_start3A_229 : memref<10000x128xf32, #tpu.memory_space<hbm>>) target(%dma_start3A_223 : memref<128x128xf32, #tpu.memory_space<vmem>>) offsets(%dma_start3A_226 : memref<128xi32, #tpu.memory_space<vmem>>) semaphore(%arg13 : memref<!tpu.dma_semaphore, #tpu.memory_space<semaphore_mem>>)
        } else {
        }
        %eq3A_213 = arith.constant 1 : i32
        %eq3A_214 = arith.cmpi eq, %arg0, %eq3A_213 : i32
        %convert_element_type3A_215 = arith.extui %eq3A_214 : i1 to i32
        %cond3A_216 = arith.constant 0 : i32
        %cond3A_217 = arith.cmpi ne, %convert_element_type3A_215, %cond3A_216 : i32
        scf.if %cond3A_217 {
          %dma_start3A_218 = arith.constant 0 : i32
          %dma_start3A_219 = arith.constant 0 : i32
          %dma_start3A_220 = arith.constant 0 : i32
          %dma_start3A_221 = arith.constant 0 : i32
          %dma_start3A_222 = tpu.memref_slice %arg11[%dma_start3A_219, %dma_start3A_220, %dma_start3A_221] : memref<2x128x128xf32, #tpu.memory_space<vmem>> -> memref<1x128x128xf32, #tpu.memory_space<vmem>>
          %dma_start3A_223 = tpu.memref_squeeze %dma_start3A_222 : memref<1x128x128xf32, #tpu.memory_space<vmem>> -> memref<128x128xf32, #tpu.memory_space<vmem>>
          %dma_start3A_224 = arith.constant 0 : i32
          %dma_start3A_225 = tpu.memref_slice %arg9[%dma_start3A_218, %dma_start3A_224] : memref<2x128xi32, #tpu.memory_space<vmem>> -> memref<1x128xi32, #tpu.memory_space<vmem>>
          %dma_start3A_226 = tpu.memref_squeeze %dma_start3A_225 : memref<1x128xi32, #tpu.memory_space<vmem>> -> memref<128xi32, #tpu.memory_space<vmem>>
          %dma_start3A_227 = arith.constant 0 : i32
          %dma_start3A_228 = arith.constant 0 : i32
          %dma_start3A_229 = tpu.memref_slice %arg3[%dma_start3A_227, %dma_start3A_228] : memref<10000x128xf32, #tpu.memory_space<hbm>> -> memref<10000x128xf32, #tpu.memory_space<hbm>>
          tpu.enqueue_indirect_dma source(%dma_start3A_229 : memref<10000x128xf32, #tpu.memory_space<hbm>>) target(%dma_start3A_223 : memref<128x128xf32, #tpu.memory_space<vmem>>) offsets(%dma_start3A_226 : memref<128xi32, #tpu.memory_space<vmem>>) semaphore(%arg13 : memref<!tpu.dma_semaphore, #tpu.memory_space<semaphore_mem>>)
        } else {
        }
      } else {
      }
      %dma_wait3A_159 = arith.constant 1 : i32
      %dma_wait3A_160 = arith.constant 1 : i32
      %dma_wait3A_161 = arith.constant 0 : i32
      %dma_wait3A_162 = arith.constant 0 : i32
      %dma_wait3A_163 = tpu.memref_slice %arg11[%dma_wait3A_160, %dma_wait3A_161, %dma_wait3A_162] : memref<2x128x128xf32, #tpu.memory_space<vmem>> -> memref<1x128x128xf32, #tpu.memory_space<vmem>>
      %dma_wait3A_164 = tpu.memref_squeeze %dma_wait3A_163 : memref<1x128x128xf32, #tpu.memory_space<vmem>> -> memref<128x128xf32, #tpu.memory_space<vmem>>
      %dma_wait3A_165 = arith.constant 0 : i32
      %dma_wait3A_166 = tpu.memref_slice %arg9[%dma_wait3A_159, %dma_wait3A_165] : memref<2x128xi32, #tpu.memory_space<vmem>> -> memref<1x128xi32, #tpu.memory_space<vmem>>
      %dma_wait3A_167 = tpu.memref_squeeze %dma_wait3A_166 : memref<1x128xi32, #tpu.memory_space<vmem>> -> memref<128xi32, #tpu.memory_space<vmem>>
      %dma_wait3A_168 = arith.constant 0 : i32
      %dma_wait3A_169 = arith.constant 0 : i32
      %dma_wait3A_170 = tpu.memref_slice %arg2[%dma_wait3A_168, %dma_wait3A_169] : memref<10000x128xf32, #tpu.memory_space<hbm>> -> memref<10000x128xf32, #tpu.memory_space<hbm>>
      tpu.wait_indirect_dma semaphore(%arg14 : memref<!tpu.dma_semaphore, #tpu.memory_space<semaphore_mem>>) src(%dma_wait3A_170 : memref<10000x128xf32, #tpu.memory_space<hbm>>) dst(%dma_wait3A_164 : memref<128x128xf32, #tpu.memory_space<vmem>>)
      %run_scoped3A_171 = arith.constant 1 : i32
      %run_scoped3A_172 = arith.constant 1 : i32
      "tpu.region"() ({
        %run_scoped3A_180 = tpu.sem_alloc : memref<!tpu.dma_semaphore, #tpu.memory_space<semaphore_mem>>
        %dma_start3A_181 = arith.constant 0 : i32
        %dma_start3A_182 = arith.constant 0 : i32
        %dma_start3A_183 = tpu.memref_slice %arg11[%run_scoped3A_171, %dma_start3A_181, %dma_start3A_182] : memref<2x128x128xf32, #tpu.memory_space<vmem>> -> memref<1x128x128xf32, #tpu.memory_space<vmem>>
        %dma_start3A_184 = tpu.memref_squeeze %dma_start3A_183 : memref<1x128x128xf32, #tpu.memory_space<vmem>> -> memref<128x128xf32, #tpu.memory_space<vmem>>
        %dma_start3A_185 = arith.constant 0 : i32
        %dma_start3A_186 = tpu.memref_slice %arg10[%run_scoped3A_172, %dma_start3A_185] : memref<2x128xi32, #tpu.memory_space<vmem>> -> memref<1x128xi32, #tpu.memory_space<vmem>>
        %dma_start3A_187 = tpu.memref_squeeze %dma_start3A_186 : memref<1x128xi32, #tpu.memory_space<vmem>> -> memref<128xi32, #tpu.memory_space<vmem>>
        %dma_start3A_188 = arith.constant 0 : i32
        %dma_start3A_189 = arith.constant 0 : i32
        %dma_start3A_190 = tpu.memref_slice %arg12[%dma_start3A_188, %dma_start3A_189] : memref<10112x128xf32, #tpu.memory_space<vmem_shared>> -> memref<10112x128xf32, #tpu.memory_space<vmem_shared>>
        tpu.enqueue_indirect_dma source(%dma_start3A_184 : memref<128x128xf32, #tpu.memory_space<vmem>>) target(%dma_start3A_190 : memref<10112x128xf32, #tpu.memory_space<vmem_shared>>) offsets(%dma_start3A_187 : memref<128xi32, #tpu.memory_space<vmem>>) semaphore(%run_scoped3A_180 : memref<!tpu.dma_semaphore, #tpu.memory_space<semaphore_mem>>) {add = true}
        %dma_wait3A_191 = arith.constant 0 : i32
        %dma_wait3A_192 = arith.constant 0 : i32
        %dma_wait3A_193 = tpu.memref_slice %arg11[%run_scoped3A_171, %dma_wait3A_191, %dma_wait3A_192] : memref<2x128x128xf32, #tpu.memory_space<vmem>> -> memref<1x128x128xf32, #tpu.memory_space<vmem>>
        %dma_wait3A_194 = tpu.memref_squeeze %dma_wait3A_193 : memref<1x128x128xf32, #tpu.memory_space<vmem>> -> memref<128x128xf32, #tpu.memory_space<vmem>>
        %dma_wait3A_195 = arith.constant 0 : i32
        %dma_wait3A_196 = tpu.memref_slice %arg10[%run_scoped3A_172, %dma_wait3A_195] : memref<2x128xi32, #tpu.memory_space<vmem>> -> memref<1x128xi32, #tpu.memory_space<vmem>>
        %dma_wait3A_197 = tpu.memref_squeeze %dma_wait3A_196 : memref<1x128xi32, #tpu.memory_space<vmem>> -> memref<128xi32, #tpu.memory_space<vmem>>
        %dma_wait3A_198 = arith.constant 0 : i32
        %dma_wait3A_199 = arith.constant 0 : i32
        %dma_wait3A_200 = tpu.memref_slice %arg12[%dma_wait3A_198, %dma_wait3A_199] : memref<10112x128xf32, #tpu.memory_space<vmem_shared>> -> memref<10112x128xf32, #tpu.memory_space<vmem_shared>>
        tpu.wait_indirect_dma semaphore(%run_scoped3A_180 : memref<!tpu.dma_semaphore, #tpu.memory_space<semaphore_mem>>) src(%dma_wait3A_194 : memref<128x128xf32, #tpu.memory_space<vmem>>) dst(%dma_wait3A_200 : memref<10112x128xf32, #tpu.memory_space<vmem_shared>>)
        tpu.yield
      }) : () -> ()
      %add3A_173 = arith.constant 2 : i32
      %add3A_174 = arith.addi %add3A_151, %add3A_173 : i32
      %lt3A_175 = arith.constant 160 : i32
      %lt3A_176 = arith.cmpi slt, %add3A_174, %lt3A_175 : i32
      %convert_element_type3A_177 = arith.extui %lt3A_176 : i1 to i32
      %cond3A_178 = arith.constant 0 : i32
      %cond3A_179 = arith.cmpi ne, %convert_element_type3A_177, %cond3A_178 : i32
      scf.if %cond3A_179 {
        %add3A_180 = arith.constant 2 : i32
        %add3A_181 = arith.addi %add3A_151, %add3A_180 : i32
        %mul3A_182 = arith.constant 160 : i32
        %mul3A_183 = arith.muli %arg1, %mul3A_182 : i32
        %add3A_184 = arith.addi %mul3A_183, %add3A_181 : i32
        %dma_start3A_185 = arith.constant 1 : i32
        %dma_start3A_186 = arith.constant 0 : i32
        %dma_start3A_187 = tpu.memref_slice %arg9[%dma_start3A_185, %dma_start3A_186] : memref<2x128xi32, #tpu.memory_space<vmem>> -> memref<1x128xi32, #tpu.memory_space<vmem>>
        %dma_start3A_188 = tpu.memref_squeeze %dma_start3A_187 : memref<1x128xi32, #tpu.memory_space<vmem>> -> memref<128xi32, #tpu.memory_space<vmem>>
        %dma_start3A_189 = arith.constant 0 : i32
        %dma_start3A_190 = tpu.memref_slice %arg4[%add3A_184, %dma_start3A_189] : memref<2560x128xi32, #tpu.memory_space<hbm>> -> memref<1x128xi32, #tpu.memory_space<hbm>>
        %dma_start3A_191 = tpu.memref_squeeze %dma_start3A_190 : memref<1x128xi32, #tpu.memory_space<hbm>> -> memref<128xi32, #tpu.memory_space<hbm>>
        %dma_start3A_192 = arith.constant 0 : i32
        %dma_start3A_193 = tpu.memref_slice %arg9[%dma_start3A_185, %dma_start3A_192] : memref<2x128xi32, #tpu.memory_space<vmem>> -> memref<1x128xi32, #tpu.memory_space<vmem>>
        %dma_start3A_194 = tpu.memref_squeeze %dma_start3A_193 : memref<1x128xi32, #tpu.memory_space<vmem>> -> memref<128xi32, #tpu.memory_space<vmem>>
        %dma_start3A_195 = arith.constant 0 : i32
        %dma_start3A_196 = tpu.memref_slice %arg4[%add3A_184, %dma_start3A_195] : memref<2560x128xi32, #tpu.memory_space<hbm>> -> memref<1x128xi32, #tpu.memory_space<hbm>>
        %dma_start3A_197 = tpu.memref_squeeze %dma_start3A_196 : memref<1x128xi32, #tpu.memory_space<hbm>> -> memref<128xi32, #tpu.memory_space<hbm>>
        tpu.enqueue_dma source(%dma_start3A_197 : memref<128xi32, #tpu.memory_space<hbm>>) target(%dma_start3A_194 : memref<128xi32, #tpu.memory_space<vmem>>) target_semaphore(%arg16 : memref<!tpu.dma_semaphore, #tpu.memory_space<semaphore_mem>>)
        %mul3A_198 = arith.constant 160 : i32
        %mul3A_199 = arith.muli %arg1, %mul3A_198 : i32
        %add3A_200 = arith.addi %mul3A_199, %add3A_181 : i32
        %dma_start3A_201 = arith.constant 1 : i32
        %dma_start3A_202 = arith.constant 0 : i32
        %dma_start3A_203 = tpu.memref_slice %arg10[%dma_start3A_201, %dma_start3A_202] : memref<2x128xi32, #tpu.memory_space<vmem>> -> memref<1x128xi32, #tpu.memory_space<vmem>>
        %dma_start3A_204 = tpu.memref_squeeze %dma_start3A_203 : memref<1x128xi32, #tpu.memory_space<vmem>> -> memref<128xi32, #tpu.memory_space<vmem>>
        %dma_start3A_205 = arith.constant 0 : i32
        %dma_start3A_206 = tpu.memref_slice %arg5[%add3A_200, %dma_start3A_205] : memref<2560x128xi32, #tpu.memory_space<hbm>> -> memref<1x128xi32, #tpu.memory_space<hbm>>
        %dma_start3A_207 = tpu.memref_squeeze %dma_start3A_206 : memref<1x128xi32, #tpu.memory_space<hbm>> -> memref<128xi32, #tpu.memory_space<hbm>>
        %dma_start3A_208 = arith.constant 0 : i32
        %dma_start3A_209 = tpu.memref_slice %arg10[%dma_start3A_201, %dma_start3A_208] : memref<2x128xi32, #tpu.memory_space<vmem>> -> memref<1x128xi32, #tpu.memory_space<vmem>>
        %dma_start3A_210 = tpu.memref_squeeze %dma_start3A_209 : memref<1x128xi32, #tpu.memory_space<vmem>> -> memref<128xi32, #tpu.memory_space<vmem>>
        %dma_start3A_211 = arith.constant 0 : i32
        %dma_start3A_212 = tpu.memref_slice %arg5[%add3A_200, %dma_start3A_211] : memref<2560x128xi32, #tpu.memory_space<hbm>> -> memref<1x128xi32, #tpu.memory_space<hbm>>
        %dma_start3A_213 = tpu.memref_squeeze %dma_start3A_212 : memref<1x128xi32, #tpu.memory_space<hbm>> -> memref<128xi32, #tpu.memory_space<hbm>>
        tpu.enqueue_dma source(%dma_start3A_213 : memref<128xi32, #tpu.memory_space<hbm>>) target(%dma_start3A_210 : memref<128xi32, #tpu.memory_space<vmem>>) target_semaphore(%arg16 : memref<!tpu.dma_semaphore, #tpu.memory_space<semaphore_mem>>)
      } else {
      }
    }
    %scan3A_105 = arith.constant 80 : i32
    %barrier3A_106 = arith.constant 0 : index
    tpu.barrier barrier_id(%barrier3A_106)
    %eq3A_107 = arith.constant 0 : i32
    %eq3A_108 = arith.cmpi eq, %arg0, %eq3A_107 : i32
    %convert_element_type3A_109 = arith.extui %eq3A_108 : i1 to i32
    %cond3A_110 = arith.constant 0 : i32
    %cond3A_111 = arith.cmpi ne, %convert_element_type3A_109, %cond3A_110 : i32
    scf.if %cond3A_111 {
      %mul3A_117 = arith.constant 632 : i32
      %mul3A_118 = arith.muli %arg1, %mul3A_117 : i32
      %mul3A_119 = arith.constant 632 : i32
      %mul3A_120 = arith.muli %arg1, %mul3A_119 : i32
      "tpu.region"() ({
        %run_scoped3A = tpu.sem_alloc : memref<!tpu.dma_semaphore, #tpu.memory_space<semaphore_mem>>
        %dma_start3A_121 = arith.constant 0 : i32
        %dma_start3A_122 = tpu.memref_slice %arg7[%mul3A_120, %dma_start3A_121] : memref<10112x128xf32, #tpu.memory_space<hbm>> -> memref<632x128xf32, #tpu.memory_space<hbm>>
        %dma_start3A_123 = arith.constant 0 : i32
        %dma_start3A_124 = tpu.memref_slice %arg12[%mul3A_118, %dma_start3A_123] : memref<10112x128xf32, #tpu.memory_space<vmem_shared>> -> memref<632x128xf32, #tpu.memory_space<vmem_shared>>
        tpu.enqueue_dma source(%dma_start3A_124 : memref<632x128xf32, #tpu.memory_space<vmem_shared>>) target(%dma_start3A_122 : memref<632x128xf32, #tpu.memory_space<hbm>>) target_semaphore(%run_scoped3A : memref<!tpu.dma_semaphore, #tpu.memory_space<semaphore_mem>>)
        %dma_wait3A_125 = arith.constant 0 : i32
        %dma_wait3A_126 = tpu.memref_slice %arg7[%mul3A_120, %dma_wait3A_125] : memref<10112x128xf32, #tpu.memory_space<hbm>> -> memref<632x128xf32, #tpu.memory_space<hbm>>
        %dma_wait3A_127 = arith.constant 0 : i32
        %dma_wait3A_128 = tpu.memref_slice %arg12[%mul3A_118, %dma_wait3A_127] : memref<10112x128xf32, #tpu.memory_space<vmem_shared>> -> memref<632x128xf32, #tpu.memory_space<vmem_shared>>
        tpu.wait_dma2 semaphore(%run_scoped3A : memref<!tpu.dma_semaphore, #tpu.memory_space<semaphore_mem>>) src(%dma_wait3A_128 : memref<632x128xf32, #tpu.memory_space<vmem_shared>>) dst(%dma_wait3A_126 : memref<632x128xf32, #tpu.memory_space<hbm>>)
        tpu.yield
      }) : () -> ()
    } else {
    }
    %eq3A_112 = arith.constant 1 : i32
    %eq3A_113 = arith.cmpi eq, %arg0, %eq3A_112 : i32
    %convert_element_type3A_114 = arith.extui %eq3A_113 : i1 to i32
    %cond3A_115 = arith.constant 0 : i32
    %cond3A_116 = arith.cmpi ne, %convert_element_type3A_114, %cond3A_115 : i32
    scf.if %cond3A_116 {
      %mul3A_117 = arith.constant 632 : i32
      %mul3A_118 = arith.muli %arg1, %mul3A_117 : i32
      %mul3A_119 = arith.constant 632 : i32
      %mul3A_120 = arith.muli %arg1, %mul3A_119 : i32
      "tpu.region"() ({
        %run_scoped3A = tpu.sem_alloc : memref<!tpu.dma_semaphore, #tpu.memory_space<semaphore_mem>>
        %dma_start3A_121 = arith.constant 0 : i32
        %dma_start3A_122 = tpu.memref_slice %arg8[%mul3A_120, %dma_start3A_121] : memref<10112x128xf32, #tpu.memory_space<hbm>> -> memref<632x128xf32, #tpu.memory_space<hbm>>
        %dma_start3A_123 = arith.constant 0 : i32
        %dma_start3A_124 = tpu.memref_slice %arg12[%mul3A_118, %dma_start3A_123] : memref<10112x128xf32, #tpu.memory_space<vmem_shared>> -> memref<632x128xf32, #tpu.memory_space<vmem_shared>>
        tpu.enqueue_dma source(%dma_start3A_124 : memref<632x128xf32, #tpu.memory_space<vmem_shared>>) target(%dma_start3A_122 : memref<632x128xf32, #tpu.memory_space<hbm>>) target_semaphore(%run_scoped3A : memref<!tpu.dma_semaphore, #tpu.memory_space<semaphore_mem>>)
        %dma_wait3A_125 = arith.constant 0 : i32
        %dma_wait3A_126 = tpu.memref_slice %arg8[%mul3A_120, %dma_wait3A_125] : memref<10112x128xf32, #tpu.memory_space<hbm>> -> memref<632x128xf32, #tpu.memory_space<hbm>>
        %dma_wait3A_127 = arith.constant 0 : i32
        %dma_wait3A_128 = tpu.memref_slice %arg12[%mul3A_118, %dma_wait3A_127] : memref<10112x128xf32, #tpu.memory_space<vmem_shared>> -> memref<632x128xf32, #tpu.memory_space<vmem_shared>>
        tpu.wait_dma2 semaphore(%run_scoped3A : memref<!tpu.dma_semaphore, #tpu.memory_space<semaphore_mem>>) src(%dma_wait3A_128 : memref<632x128xf32, #tpu.memory_space<vmem_shared>>) dst(%dma_wait3A_126 : memref<632x128xf32, #tpu.memory_space<hbm>>)
        tpu.yield
      }) : () -> ()
    } else {
    }
    return
  }
}

module attributes {stable_mosaic.version = 14 : i64} {
  func.func @_mm0_body(%arg0: memref<10000x128xf32, #tpu.memory_space<vmem>>, %arg1: memref<128x256xf32, #tpu.memory_space<vmem>>, %arg2: memref<10000x256xf32, #tpu.memory_space<vmem>>) attributes {dimension_semantics = [], scalar_prefetch = 0 : i64, scratch_operands = 0 : i64, tpu.core_type = #tpu.core_type<tc>} {
    %get3A = arith.constant 0 : index
    %get3A_0 = arith.constant 0 : index
    %get3A_1 = vector.load %arg0[%get3A, %get3A_0] : memref<10000x128xf32, #tpu.memory_space<vmem>>, vector<10000x128xf32>
    %get3A_2 = arith.constant 0 : index
    %get3A_3 = arith.constant 0 : index
    %get3A_4 = vector.load %arg1[%get3A_2, %get3A_3] : memref<128x256xf32, #tpu.memory_space<vmem>>, vector<128x256xf32>
    %dot_general3A = arith.constant dense<0.000000e+00> : vector<10000x256xf32>
    %dot_general3A_5 = tpu.matmul %get3A_1, %get3A_4, %dot_general3A {dimension_numbers = #tpu.dot_dimension_numbers<[1], [0], [0], [1], [0, 0, 1, 1], [], []>, transpose_lhs_hint = false} : vector<10000x128xf32>, vector<128x256xf32>, vector<10000x256xf32> -> vector<10000x256xf32>
    %swap3A = arith.constant 0 : index
    %swap3A_6 = arith.constant 0 : index
    %swap3A_7 = vector.load %arg2[%swap3A, %swap3A_6] : memref<10000x256xf32, #tpu.memory_space<vmem>>, vector<10000x256xf32>
    tpu.vector_store %arg2[%swap3A, %swap3A_6], %dot_general3A_5 {strides = array<i32>} : memref<10000x256xf32, #tpu.memory_space<vmem>>, vector<10000x256xf32>,
    return
  }
}

module attributes {stable_mosaic.version = 14 : i64} {
  func.func @_scale_body(%arg0: memref<10112x128xf32, #tpu.memory_space<vmem>>, %arg1: memref<10112x128xf32, #tpu.memory_space<vmem>>, %arg2: memref<10000x256xf32, #tpu.memory_space<vmem>>, %arg3: memref<10000x128xf32, #tpu.memory_space<vmem>>, %arg4: memref<10000x128xf32, #tpu.memory_space<vmem>>, %arg5: memref<10000x8xf32, #tpu.memory_space<vmem>>) attributes {dimension_semantics = [], scalar_prefetch = 0 : i64, scratch_operands = 0 : i64, tpu.core_type = #tpu.core_type<tc>} {
    %get3A = arith.constant 0 : index
    %get3A_0 = arith.constant 0 : index
    %get3A_1 = vector.load %arg0[%get3A, %get3A_0] : memref<10112x128xf32, #tpu.memory_space<vmem>>, vector<10112x128xf32>
    %slice3A = vector.extract_strided_slice %get3A_1 {offsets = [0, 0], sizes = [10000, 1], strides = [1, 1]} : vector<10112x128xf32> to vector<10000x1xf32>
    %get3A_2 = arith.constant 0 : index
    %get3A_3 = arith.constant 0 : index
    %get3A_4 = vector.load %arg1[%get3A_2, %get3A_3] : memref<10112x128xf32, #tpu.memory_space<vmem>>, vector<10112x128xf32>
    %slice3A_5 = vector.extract_strided_slice %get3A_4 {offsets = [0, 0], sizes = [10000, 1], strides = [1, 1]} : vector<10112x128xf32> to vector<10000x1xf32>
    %add3A = arith.addf %slice3A, %slice3A_5 : vector<10000x1xf32>
    %add3A_6 = arith.constant 1.000000e+00 : f32
    %add3A_7 = vector.broadcast %add3A_6 : f32 to vector<10000x1xf32>
    %add3A_8 = arith.addf %add3A, %add3A_7 : vector<10000x1xf32>
    %rsqrt3A = math.rsqrt %add3A_8 : vector<10000x1xf32>
    %get3A_9 = arith.constant 0 : index
    %get3A_10 = arith.constant 0 : index
    %get3A_11 = vector.load %arg2[%get3A_9, %get3A_10] : memref<10000x256xf32, #tpu.memory_space<vmem>>, vector<10000x256xf32>
    %mul3A = vector.broadcast %rsqrt3A : vector<10000x1xf32> to vector<10000x256xf32>
    %mul3A_12 = arith.mulf %get3A_11, %mul3A : vector<10000x256xf32>
    %slice3A_13 = vector.extract_strided_slice %mul3A_12 {offsets = [0, 0], sizes = [10000, 128], strides = [1, 1]} : vector<10000x256xf32> to vector<10000x128xf32>
    %swap3A = arith.constant 0 : index
    %swap3A_14 = arith.constant 0 : index
    %swap3A_15 = vector.load %arg3[%swap3A, %swap3A_14] : memref<10000x128xf32, #tpu.memory_space<vmem>>, vector<10000x128xf32>
    tpu.vector_store %arg3[%swap3A, %swap3A_14], %slice3A_13 {strides = array<i32>} : memref<10000x128xf32, #tpu.memory_space<vmem>>, vector<10000x128xf32>,
    %slice3A_16 = vector.extract_strided_slice %mul3A_12 {offsets = [0, 128], sizes = [10000, 128], strides = [1, 1]} : vector<10000x256xf32> to vector<10000x128xf32>
    %swap3A_17 = arith.constant 0 : index
    %swap3A_18 = arith.constant 0 : index
    %swap3A_19 = vector.load %arg4[%swap3A_17, %swap3A_18] : memref<10000x128xf32, #tpu.memory_space<vmem>>, vector<10000x128xf32>
    tpu.vector_store %arg4[%swap3A_17, %swap3A_18], %slice3A_16 {strides = array<i32>} : memref<10000x128xf32, #tpu.memory_space<vmem>>, vector<10000x128xf32>,
    %broadcast_in_dim3A = vector.shape_cast %rsqrt3A : vector<10000x1xf32> to vector<10000x1xf32>
    %broadcast_in_dim3A_20 = vector.broadcast %broadcast_in_dim3A : vector<10000x1xf32> to vector<10000x8xf32>
    %swap3A_21 = arith.constant 0 : index
    %swap3A_22 = arith.constant 0 : index
    %swap3A_23 = vector.load %arg5[%swap3A_21, %swap3A_22] : memref<10000x8xf32, #tpu.memory_space<vmem>>, vector<10000x8xf32>
    tpu.vector_store %arg5[%swap3A_21, %swap3A_22], %broadcast_in_dim3A_20 {strides = array<i32>} : memref<10000x8xf32, #tpu.memory_space<vmem>>, vector<10000x8xf32>,
    return
  }
}

module attributes {stable_mosaic.version = 14 : i64} {
  func.func @_epi_body(%arg0: memref<10000x8xf32, #tpu.memory_space<vmem>>, %arg1: memref<10112x128xf32, #tpu.memory_space<vmem>>, %arg2: memref<10112x128xf32, #tpu.memory_space<vmem>>, %arg3: memref<10000x128xf32, #tpu.memory_space<vmem>>, %arg4: memref<10000x128xf32, #tpu.memory_space<vmem>>, %arg5: memref<1x256xf32, #tpu.memory_space<vmem>>, %arg6: memref<1x256xf32, #tpu.memory_space<vmem>>, %arg7: memref<1x256xf32, #tpu.memory_space<vmem>>, %arg8: memref<256x256xf32, #tpu.memory_space<vmem>>, %arg9: memref<10000x128xf32, #tpu.memory_space<vmem>>, %arg10: memref<10000x128xf32, #tpu.memory_space<vmem>>) attributes {dimension_semantics = [], scalar_prefetch = 0 : i64, scratch_operands = 0 : i64, tpu.core_type = #tpu.core_type<tc>} {
    %get3A = arith.constant 0 : index
    %get3A_0 = arith.constant 0 : index
    %get3A_1 = vector.load %arg0[%get3A, %get3A_0] : memref<10000x8xf32, #tpu.memory_space<vmem>>, vector<10000x8xf32>
    %slice3A = vector.extract_strided_slice %get3A_1 {offsets = [0, 0], sizes = [10000, 1], strides = [1, 1]} : vector<10000x8xf32> to vector<10000x1xf32>
    %get3A_2 = arith.constant 0 : index
    %get3A_3 = arith.constant 0 : index
    %get3A_4 = vector.load %arg1[%get3A_2, %get3A_3] : memref<10112x128xf32, #tpu.memory_space<vmem>>, vector<10112x128xf32>
    %slice3A_5 = vector.extract_strided_slice %get3A_4 {offsets = [0, 0], sizes = [10000, 128], strides = [1, 1]} : vector<10112x128xf32> to vector<10000x128xf32>
    %get3A_6 = arith.constant 0 : index
    %get3A_7 = arith.constant 0 : index
    %get3A_8 = vector.load %arg2[%get3A_6, %get3A_7] : memref<10112x128xf32, #tpu.memory_space<vmem>>, vector<10112x128xf32>
    %slice3A_9 = vector.extract_strided_slice %get3A_8 {offsets = [0, 0], sizes = [10000, 128], strides = [1, 1]} : vector<10112x128xf32> to vector<10000x128xf32>
    %concatenate3A = tpu.concatenate %slice3A_5, %slice3A_9 in 1 : vector<10000x128xf32>, vector<10000x128xf32> -> vector<10000x256xf32>
    %get3A_10 = arith.constant 0 : index
    %get3A_11 = arith.constant 0 : index
    %get3A_12 = vector.load %arg3[%get3A_10, %get3A_11] : memref<10000x128xf32, #tpu.memory_space<vmem>>, vector<10000x128xf32>
    %get3A_13 = arith.constant 0 : index
    %get3A_14 = arith.constant 0 : index
    %get3A_15 = vector.load %arg4[%get3A_13, %get3A_14] : memref<10000x128xf32, #tpu.memory_space<vmem>>, vector<10000x128xf32>
    %concatenate3A_16 = tpu.concatenate %get3A_12, %get3A_15 in 1 : vector<10000x128xf32>, vector<10000x128xf32> -> vector<10000x256xf32>
    %add3A = arith.addf %concatenate3A, %concatenate3A_16 : vector<10000x256xf32>
    %mul3A = vector.broadcast %slice3A : vector<10000x1xf32> to vector<10000x256xf32>
    %mul3A_17 = arith.mulf %mul3A, %add3A : vector<10000x256xf32>
    %get3A_18 = arith.constant 0 : index
    %get3A_19 = arith.constant 0 : index
    %get3A_20 = vector.load %arg5[%get3A_18, %get3A_19] : memref<1x256xf32, #tpu.memory_space<vmem>>, vector<1x256xf32>
    %add3A_21 = vector.broadcast %get3A_20 : vector<1x256xf32> to vector<10000x256xf32>
    %add3A_22 = arith.addf %mul3A_17, %add3A_21 : vector<10000x256xf32>
    %max3A = arith.constant 0.000000e+00 : f32
    %max3A_23 = vector.broadcast %max3A : f32 to vector<10000x256xf32>
    %max3A_24 = arith.maximumf %add3A_22, %max3A_23 : vector<10000x256xf32>
    %reduce_sum3A = arith.constant dense<0.000000e+00> : vector<256xf32>
    %reduce_sum3A_25 = vector.multi_reduction <add>, %max3A_24, %reduce_sum3A [0] : vector<10000x256xf32> to vector<256xf32>
    %broadcast_in_dim3A = vector.shape_cast %reduce_sum3A_25 : vector<256xf32> to vector<1x256xf32>
    %div3A = arith.constant 1.000000e+04 : f32
    %div3A_26 = vector.broadcast %div3A : f32 to vector<1x256xf32>
    %div3A_27 = arith.divf %broadcast_in_dim3A, %div3A_26 : vector<1x256xf32>
    %sub3A = vector.broadcast %div3A_27 : vector<1x256xf32> to vector<10000x256xf32>
    %sub3A_28 = arith.subf %max3A_24, %sub3A : vector<10000x256xf32>
    %sub3A_29 = vector.broadcast %div3A_27 : vector<1x256xf32> to vector<10000x256xf32>
    %sub3A_30 = arith.subf %max3A_24, %sub3A_29 : vector<10000x256xf32>
    %mul3A_31 = arith.mulf %sub3A_28, %sub3A_30 : vector<10000x256xf32>
    %reduce_sum3A_32 = arith.constant dense<0.000000e+00> : vector<256xf32>
    %reduce_sum3A_33 = vector.multi_reduction <add>, %mul3A_31, %reduce_sum3A_32 [0] : vector<10000x256xf32> to vector<256xf32>
    %broadcast_in_dim3A_34 = vector.shape_cast %reduce_sum3A_33 : vector<256xf32> to vector<1x256xf32>
    %div3A_35 = arith.constant 1.000000e+04 : f32
    %div3A_36 = vector.broadcast %div3A_35 : f32 to vector<1x256xf32>
    %div3A_37 = arith.divf %broadcast_in_dim3A_34, %div3A_36 : vector<1x256xf32>
    %get3A_38 = arith.constant 0 : index
    %get3A_39 = arith.constant 0 : index
    %get3A_40 = vector.load %arg6[%get3A_38, %get3A_39] : memref<1x256xf32, #tpu.memory_space<vmem>>, vector<1x256xf32>
    %sub3A_41 = vector.broadcast %div3A_27 : vector<1x256xf32> to vector<10000x256xf32>
    %sub3A_42 = arith.subf %max3A_24, %sub3A_41 : vector<10000x256xf32>
    %mul3A_43 = vector.broadcast %get3A_40 : vector<1x256xf32> to vector<10000x256xf32>
    %mul3A_44 = arith.mulf %mul3A_43, %sub3A_42 : vector<10000x256xf32>
    %add3A_45 = arith.constant 9.99999974E-6 : f32
    %add3A_46 = vector.broadcast %add3A_45 : f32 to vector<1x256xf32>
    %add3A_47 = arith.addf %div3A_37, %add3A_46 : vector<1x256xf32>
    %rsqrt3A = math.rsqrt %add3A_47 : vector<1x256xf32>
    %mul3A_48 = vector.broadcast %rsqrt3A : vector<1x256xf32> to vector<10000x256xf32>
    %mul3A_49 = arith.mulf %mul3A_44, %mul3A_48 : vector<10000x256xf32>
    %get3A_50 = arith.constant 0 : index
    %get3A_51 = arith.constant 0 : index
    %get3A_52 = vector.load %arg7[%get3A_50, %get3A_51] : memref<1x256xf32, #tpu.memory_space<vmem>>, vector<1x256xf32>
    %add3A_53 = vector.broadcast %get3A_52 : vector<1x256xf32> to vector<10000x256xf32>
    %add3A_54 = arith.addf %mul3A_49, %add3A_53 : vector<10000x256xf32>
    %get3A_55 = arith.constant 0 : index
    %get3A_56 = arith.constant 0 : index
    %get3A_57 = vector.load %arg8[%get3A_55, %get3A_56] : memref<256x256xf32, #tpu.memory_space<vmem>>, vector<256x256xf32>
    %dot_general3A = arith.constant dense<0.000000e+00> : vector<10000x256xf32>
    %dot_general3A_58 = tpu.matmul %add3A_54, %get3A_57, %dot_general3A {dimension_numbers = #tpu.dot_dimension_numbers<[1], [0], [0], [1], [0, 0, 1, 1], [], []>, transpose_lhs_hint = false} : vector<10000x256xf32>, vector<256x256xf32>, vector<10000x256xf32> -> vector<10000x256xf32>
    %mul3A_59 = vector.broadcast %slice3A : vector<10000x1xf32> to vector<10000x256xf32>
    %mul3A_60 = arith.mulf %dot_general3A_58, %mul3A_59 : vector<10000x256xf32>
    %slice3A_61 = vector.extract_strided_slice %mul3A_60 {offsets = [0, 0], sizes = [10000, 128], strides = [1, 1]} : vector<10000x256xf32> to vector<10000x128xf32>
    %swap3A = arith.constant 0 : index
    %swap3A_62 = arith.constant 0 : index
    %swap3A_63 = vector.load %arg9[%swap3A, %swap3A_62] : memref<10000x128xf32, #tpu.memory_space<vmem>>, vector<10000x128xf32>
    tpu.vector_store %arg9[%swap3A, %swap3A_62], %slice3A_61 {strides = array<i32>} : memref<10000x128xf32, #tpu.memory_space<vmem>>, vector<10000x128xf32>,
    %slice3A_64 = vector.extract_strided_slice %mul3A_60 {offsets = [0, 128], sizes = [10000, 128], strides = [1, 1]} : vector<10000x256xf32> to vector<10000x128xf32>
    %swap3A_65 = arith.constant 0 : index
    %swap3A_66 = arith.constant 0 : index
    %swap3A_67 = vector.load %arg10[%swap3A_65, %swap3A_66] : memref<10000x128xf32, #tpu.memory_space<vmem>>, vector<10000x128xf32>
    tpu.vector_store %arg10[%swap3A_65, %swap3A_66], %slice3A_64 {strides = array<i32>} : memref<10000x128xf32, #tpu.memory_space<vmem>>, vector<10000x128xf32>,
    return
  }
}

module attributes {stable_mosaic.version = 14 : i64} {
  func.func @_head_body(%arg0: memref<10000x8xf32, #tpu.memory_space<vmem>>, %arg1: memref<10112x128xf32, #tpu.memory_space<vmem>>, %arg2: memref<10112x128xf32, #tpu.memory_space<vmem>>, %arg3: memref<10000x128xf32, #tpu.memory_space<vmem>>, %arg4: memref<10000x128xf32, #tpu.memory_space<vmem>>, %arg5: memref<1x256xf32, #tpu.memory_space<vmem>>, %arg6: memref<10000x1xi32, #tpu.memory_space<vmem>>, %arg7: memref<128x1xi32, #tpu.memory_space<vmem>>, %arg8: memref<256x256xf32, #tpu.memory_space<vmem>>, %arg9: memref<1x256xf32, #tpu.memory_space<vmem>>, %arg10: memref<256x256xf32, #tpu.memory_space<vmem>>, %arg11: memref<1x256xf32, #tpu.memory_space<vmem>>, %arg12: memref<512x256xf32, #tpu.memory_space<vmem>>, %arg13: memref<1x256xf32, #tpu.memory_space<vmem>>, %arg14: memref<256x16xf32, #tpu.memory_space<vmem>>, %arg15: memref<1x16xf32, #tpu.memory_space<vmem>>, %arg16: memref<128x16xf32, #tpu.memory_space<vmem>>, %arg17: memref<1x1xf32, #tpu.memory_space<vmem>>) attributes {dimension_semantics = [], scalar_prefetch = 0 : i64, scratch_operands = 0 : i64, tpu.core_type = #tpu.core_type<tc>} {
    %get3A = arith.constant 0 : index
    %get3A_0 = arith.constant 0 : index
    %get3A_1 = vector.load %arg0[%get3A, %get3A_0] : memref<10000x8xf32, #tpu.memory_space<vmem>>, vector<10000x8xf32>
    %slice3A = vector.extract_strided_slice %get3A_1 {offsets = [0, 0], sizes = [10000, 1], strides = [1, 1]} : vector<10000x8xf32> to vector<10000x1xf32>
    %get3A_2 = arith.constant 0 : index
    %get3A_3 = arith.constant 0 : index
    %get3A_4 = vector.load %arg1[%get3A_2, %get3A_3] : memref<10112x128xf32, #tpu.memory_space<vmem>>, vector<10112x128xf32>
    %slice3A_5 = vector.extract_strided_slice %get3A_4 {offsets = [0, 0], sizes = [10000, 128], strides = [1, 1]} : vector<10112x128xf32> to vector<10000x128xf32>
    %get3A_6 = arith.constant 0 : index
    %get3A_7 = arith.constant 0 : index
    %get3A_8 = vector.load %arg2[%get3A_6, %get3A_7] : memref<10112x128xf32, #tpu.memory_space<vmem>>, vector<10112x128xf32>
    %slice3A_9 = vector.extract_strided_slice %get3A_8 {offsets = [0, 0], sizes = [10000, 128], strides = [1, 1]} : vector<10112x128xf32> to vector<10000x128xf32>
    %concatenate3A = tpu.concatenate %slice3A_5, %slice3A_9 in 1 : vector<10000x128xf32>, vector<10000x128xf32> -> vector<10000x256xf32>
    %get3A_10 = arith.constant 0 : index
    %get3A_11 = arith.constant 0 : index
    %get3A_12 = vector.load %arg3[%get3A_10, %get3A_11] : memref<10000x128xf32, #tpu.memory_space<vmem>>, vector<10000x128xf32>
    %get3A_13 = arith.constant 0 : index
    %get3A_14 = arith.constant 0 : index
    %get3A_15 = vector.load %arg4[%get3A_13, %get3A_14] : memref<10000x128xf32, #tpu.memory_space<vmem>>, vector<10000x128xf32>
    %concatenate3A_16 = tpu.concatenate %get3A_12, %get3A_15 in 1 : vector<10000x128xf32>, vector<10000x128xf32> -> vector<10000x256xf32>
    %add3A = arith.addf %concatenate3A, %concatenate3A_16 : vector<10000x256xf32>
    %mul3A = vector.broadcast %slice3A : vector<10000x1xf32> to vector<10000x256xf32>
    %mul3A_17 = arith.mulf %mul3A, %add3A : vector<10000x256xf32>
    %get3A_18 = arith.constant 0 : index
    %get3A_19 = arith.constant 0 : index
    %get3A_20 = vector.load %arg5[%get3A_18, %get3A_19] : memref<1x256xf32, #tpu.memory_space<vmem>>, vector<1x256xf32>
    %add3A_21 = vector.broadcast %get3A_20 : vector<1x256xf32> to vector<10000x256xf32>
    %add3A_22 = arith.addf %mul3A_17, %add3A_21 : vector<10000x256xf32>
    %max3A = arith.constant 0.000000e+00 : f32
    %max3A_23 = vector.broadcast %max3A : f32 to vector<10000x256xf32>
    %max3A_24 = arith.maximumf %add3A_22, %max3A_23 : vector<10000x256xf32>
    %iota3A = tpu.iota {dimensions = array<i32: 1>} : vector<1x128xi32>
    %get3A_25 = arith.constant 0 : index
    %get3A_26 = arith.constant 0 : index
    %get3A_27 = vector.load %arg6[%get3A_25, %get3A_26] : memref<10000x1xi32, #tpu.memory_space<vmem>>, vector<10000x1xi32>
    %eq3A = vector.broadcast %get3A_27 : vector<10000x1xi32> to vector<10000x128xi32>
    %eq3A_28 = vector.broadcast %iota3A : vector<1x128xi32> to vector<10000x128xi32>
    %eq3A_29 = arith.cmpi eq, %eq3A, %eq3A_28 : vector<10000x128xi32>
    %convert_element_type3A = arith.extui %eq3A_29 : vector<10000x128xi1> to vector<10000x128xi32>
    %convert_element_type3A_30 = arith.sitofp %convert_element_type3A : vector<10000x128xi32> to vector<10000x128xf32>
    %dot_general3A = arith.constant dense<0.000000e+00> : vector<128x256xf32>
    %dot_general3A_31 = tpu.matmul %convert_element_type3A_30, %max3A_24, %dot_general3A {dimension_numbers = #tpu.dot_dimension_numbers<[0], [0], [1], [1], [0, 1, 1, 1], [], []>, transpose_lhs_hint = false} : vector<10000x128xf32>, vector<10000x256xf32>, vector<128x256xf32> -> vector<128x256xf32>
    %broadcast_in_dim3A = arith.constant 1.000000e+00 : f32
    %broadcast_in_dim3A_32 = vector.broadcast %broadcast_in_dim3A : f32 to vector<10000x1xf32>
    %dot_general3A_33 = arith.constant dense<0.000000e+00> : vector<128x1xf32>
    %dot_general3A_34 = tpu.matmul %convert_element_type3A_30, %broadcast_in_dim3A_32, %dot_general3A_33 {dimension_numbers = #tpu.dot_dimension_numbers<[0], [0], [1], [1], [0, 1, 1, 1], [], []>, transpose_lhs_hint = false} : vector<10000x128xf32>, vector<10000x1xf32>, vector<128x1xf32> -> vector<128x1xf32>
    %max3A_35 = arith.constant 1.000000e+00 : f32
    %max3A_36 = vector.broadcast %max3A_35 : f32 to vector<128x1xf32>
    %max3A_37 = arith.maximumf %dot_general3A_34, %max3A_36 : vector<128x1xf32>
    %div3A = vector.broadcast %max3A_37 : vector<128x1xf32> to vector<128x256xf32>
    %div3A_38 = arith.divf %dot_general3A_31, %div3A : vector<128x256xf32>
    %get3A_39 = arith.constant 0 : index
    %get3A_40 = arith.constant 0 : index
    %get3A_41 = vector.load %arg8[%get3A_39, %get3A_40] : memref<256x256xf32, #tpu.memory_space<vmem>>, vector<256x256xf32>
    %dot_general3A_42 = arith.constant dense<0.000000e+00> : vector<128x256xf32>
    %dot_general3A_43 = tpu.matmul %div3A_38, %get3A_41, %dot_general3A_42 {dimension_numbers = #tpu.dot_dimension_numbers<[1], [0], [0], [1], [0, 0, 1, 1], [], []>, transpose_lhs_hint = false} : vector<128x256xf32>, vector<256x256xf32>, vector<128x256xf32> -> vector<128x256xf32>
    %get3A_44 = arith.constant 0 : index
    %get3A_45 = arith.constant 0 : index
    %get3A_46 = vector.load %arg9[%get3A_44, %get3A_45] : memref<1x256xf32, #tpu.memory_space<vmem>>, vector<1x256xf32>
    %add3A_47 = vector.broadcast %get3A_46 : vector<1x256xf32> to vector<128x256xf32>
    %add3A_48 = arith.addf %dot_general3A_43, %add3A_47 : vector<128x256xf32>
    %get3A_49 = arith.constant 0 : index
    %get3A_50 = arith.constant 0 : index
    %get3A_51 = vector.load %arg10[%get3A_49, %get3A_50] : memref<256x256xf32, #tpu.memory_space<vmem>>, vector<256x256xf32>
    %dot_general3A_52 = arith.constant dense<0.000000e+00> : vector<128x256xf32>
    %dot_general3A_53 = tpu.matmul %div3A_38, %get3A_51, %dot_general3A_52 {dimension_numbers = #tpu.dot_dimension_numbers<[1], [0], [0], [1], [0, 0, 1, 1], [], []>, transpose_lhs_hint = false} : vector<128x256xf32>, vector<256x256xf32>, vector<128x256xf32> -> vector<128x256xf32>
    %get3A_54 = arith.constant 0 : index
    %get3A_55 = arith.constant 0 : index
    %get3A_56 = vector.load %arg11[%get3A_54, %get3A_55] : memref<1x256xf32, #tpu.memory_space<vmem>>, vector<1x256xf32>
    %add3A_57 = vector.broadcast %get3A_56 : vector<1x256xf32> to vector<128x256xf32>
    %add3A_58 = arith.addf %dot_general3A_53, %add3A_57 : vector<128x256xf32>
    %max3A_59 = arith.constant 0.000000e+00 : f32
    %max3A_60 = vector.broadcast %max3A_59 : f32 to vector<128x256xf32>
    %max3A_61 = arith.maximumf %add3A_58, %max3A_60 : vector<128x256xf32>
    %abs3A = math.absf %add3A_58 : vector<128x256xf32>
    %neg3A = arith.constant 0.000000e+00 : f32
    %neg3A_62 = vector.broadcast %neg3A : f32 to vector<128x256xf32>
    %neg3A_63 = arith.subf %neg3A_62, %abs3A : vector<128x256xf32>
    %exp3A = math.exp %neg3A_63 : vector<128x256xf32>
    %add3A_64 = arith.constant 1.000000e+00 : f32
    %add3A_65 = vector.broadcast %add3A_64 : f32 to vector<128x256xf32>
    %add3A_66 = arith.addf %add3A_65, %exp3A : vector<128x256xf32>
    %log3A = math.log %add3A_66 : vector<128x256xf32>
    %add3A_67 = arith.addf %max3A_61, %log3A : vector<128x256xf32>
    %concatenate3A_68 = tpu.concatenate %add3A_48, %add3A_67 in 1 : vector<128x256xf32>, vector<128x256xf32> -> vector<128x512xf32>
    %get3A_69 = arith.constant 0 : index
    %get3A_70 = arith.constant 0 : index
    %get3A_71 = vector.load %arg12[%get3A_69, %get3A_70] : memref<512x256xf32, #tpu.memory_space<vmem>>, vector<512x256xf32>
    %dot_general3A_72 = arith.constant dense<0.000000e+00> : vector<128x256xf32>
    %dot_general3A_73 = tpu.matmul %concatenate3A_68, %get3A_71, %dot_general3A_72 {dimension_numbers = #tpu.dot_dimension_numbers<[1], [0], [0], [1], [0, 0, 1, 1], [], []>, transpose_lhs_hint = false} : vector<128x512xf32>, vector<512x256xf32>, vector<128x256xf32> -> vector<128x256xf32>
    %get3A_74 = arith.constant 0 : index
    %get3A_75 = arith.constant 0 : index
    %get3A_76 = vector.load %arg13[%get3A_74, %get3A_75] : memref<1x256xf32, #tpu.memory_space<vmem>>, vector<1x256xf32>
    %add3A_77 = vector.broadcast %get3A_76 : vector<1x256xf32> to vector<128x256xf32>
    %add3A_78 = arith.addf %dot_general3A_73, %add3A_77 : vector<128x256xf32>
    %max3A_79 = arith.constant 0.000000e+00 : f32
    %max3A_80 = vector.broadcast %max3A_79 : f32 to vector<128x256xf32>
    %max3A_81 = arith.maximumf %add3A_78, %max3A_80 : vector<128x256xf32>
    %get3A_82 = arith.constant 0 : index
    %get3A_83 = arith.constant 0 : index
    %get3A_84 = vector.load %arg14[%get3A_82, %get3A_83] : memref<256x16xf32, #tpu.memory_space<vmem>>, vector<256x16xf32>
    %dot_general3A_85 = arith.constant dense<0.000000e+00> : vector<128x16xf32>
    %dot_general3A_86 = tpu.matmul %max3A_81, %get3A_84, %dot_general3A_85 {dimension_numbers = #tpu.dot_dimension_numbers<[1], [0], [0], [1], [0, 0, 1, 1], [], []>, transpose_lhs_hint = false} : vector<128x256xf32>, vector<256x16xf32>, vector<128x16xf32> -> vector<128x16xf32>
    %get3A_87 = arith.constant 0 : index
    %get3A_88 = arith.constant 0 : index
    %get3A_89 = vector.load %arg15[%get3A_87, %get3A_88] : memref<1x16xf32, #tpu.memory_space<vmem>>, vector<1x16xf32>
    %add3A_90 = vector.broadcast %get3A_89 : vector<1x16xf32> to vector<128x16xf32>
    %add3A_91 = arith.addf %dot_general3A_86, %add3A_90 : vector<128x16xf32>
    %reduce_max3A = arith.constant dense<0xFF800000> : vector<128xf32>
    %reduce_max3A_92 = vector.multi_reduction <maximumf>, %add3A_91, %reduce_max3A [1] : vector<128x16xf32> to vector<128xf32>
    %broadcast_in_dim3A_93 = vector.shape_cast %reduce_max3A_92 : vector<128xf32> to vector<128x1xf32>
    %sub3A = vector.broadcast %broadcast_in_dim3A_93 : vector<128x1xf32> to vector<128x16xf32>
    %sub3A_94 = arith.subf %add3A_91, %sub3A : vector<128x16xf32>
    %exp3A_95 = math.exp %sub3A_94 : vector<128x16xf32>
    %reduce_sum3A = arith.constant dense<0.000000e+00> : vector<128xf32>
    %reduce_sum3A_96 = vector.multi_reduction <add>, %exp3A_95, %reduce_sum3A [1] : vector<128x16xf32> to vector<128xf32>
    %broadcast_in_dim3A_97 = vector.shape_cast %reduce_sum3A_96 : vector<128xf32> to vector<128x1xf32>
    %log3A_98 = math.log %broadcast_in_dim3A_97 : vector<128x1xf32>
    %sub3A_99 = vector.broadcast %log3A_98 : vector<128x1xf32> to vector<128x16xf32>
    %sub3A_100 = arith.subf %sub3A_94, %sub3A_99 : vector<128x16xf32>
    %iota3A_101 = tpu.iota {dimensions = array<i32: 1>} : vector<1x16xi32>
    %get3A_102 = arith.constant 0 : index
    %get3A_103 = arith.constant 0 : index
    %get3A_104 = vector.load %arg7[%get3A_102, %get3A_103] : memref<128x1xi32, #tpu.memory_space<vmem>>, vector<128x1xi32>
    %eq3A_105 = vector.broadcast %get3A_104 : vector<128x1xi32> to vector<128x16xi32>
    %eq3A_106 = vector.broadcast %iota3A_101 : vector<1x16xi32> to vector<128x16xi32>
    %eq3A_107 = arith.cmpi eq, %eq3A_105, %eq3A_106 : vector<128x16xi32>
    %jit3A = arith.constant 0.000000e+00 : f32
    %broadcast_in_dim3A_108 = vector.broadcast %jit3A : f32 to vector<128x16xf32>
    %select_n3A = arith.select %eq3A_107, %sub3A_100, %broadcast_in_dim3A_108 : vector<128x16xi1>, vector<128x16xf32>
    %reduce_sum3A_109 = vector.shape_cast %select_n3A : vector<128x16xf32> to vector<1x128x16xf32>
    %reduce_sum3A_110 = arith.constant dense<0.000000e+00> : vector<1xf32>
    %reduce_sum3A_111 = vector.multi_reduction <add>, %reduce_sum3A_109, %reduce_sum3A_110 [1, 2] : vector<1x128x16xf32> to vector<1xf32>
    %reduce_sum3A_112 = vector.shape_cast %reduce_sum3A_111 : vector<1xf32> to vector<1x1x1xf32>
    %reduce_sum3A_113 = vector.extract %reduce_sum3A_112[0, 0, 0] : f32 from vector<1x1x1xf32>
    %neg3A_114 = arith.constant 0.000000e+00 : f32
    %neg3A_115 = arith.subf %neg3A_114, %reduce_sum3A_113 : f32
    %div3A_116 = arith.constant 1.280000e+02 : f32
    %div3A_117 = arith.divf %neg3A_115, %div3A_116 : f32
    %swap3A = arith.constant 0 : index
    %swap3A_118 = arith.constant 0 : index
    %swap3A_119 = vector.load %arg16[%swap3A, %swap3A_118] : memref<128x16xf32, #tpu.memory_space<vmem>>, vector<128x16xf32>
    tpu.vector_store %arg16[%swap3A, %swap3A_118], %add3A_91 {strides = array<i32>} : memref<128x16xf32, #tpu.memory_space<vmem>>, vector<128x16xf32>,
    %reshape3A = vector.broadcast %div3A_117 : f32 to vector<1x1xf32>
    %swap3A_120 = arith.constant 0 : index
    %swap3A_121 = arith.constant 0 : index
    %swap3A_122 = vector.load %arg17[%swap3A_120, %swap3A_121] : memref<1x1xf32, #tpu.memory_space<vmem>>, vector<1x1xf32>
    tpu.vector_store %arg17[%swap3A_120, %swap3A_121], %reshape3A {strides = array<i32>} : memref<1x1xf32, #tpu.memory_space<vmem>>, vector<1x1xf32>,
    return
  }
}

</mosaic_0001>

<sc_bundles>
// kernel: kernel.11.cloned.1.call-start
scs
__scs_entry_jumppad:
0x0: {  	(pc) =	sbr.rel $0x88, $3  }
0x1: {  	(tag) =	ssettag $0x0;
	lr =	simm.s32 $0x1  }
0x2: {  	[smem:$0x3F8B] =	sst lr;
	_ =	strace $0xD0000000  }
0x3: {  	_ = 	snop  }
0x4: {  	_ = 	snop  }
0x5: {  	_ = 	snop  }
0x6: {  	_ = 	snop  }
0x7: {  	_ = 	snop  }
__scs_overlays_trampoline_lowered:
0x8: {  	[smem:$0x3F9A] =	sst s0  }
0x9: {  	[smem:$0x3F9B] =	sst s1  }
0xa: {  	[smem:$0x3F9C] =	sst s2  }
0xb: {  	[smem:$0x3F9D] =	sst s3  }
0xc: {  	[smem:$0x3F9E] =	sst s4  }
0xd: {  	[smem:$0x3F9F] =	sst s5  }
0xe: {  	[smem:$0x3FA0] =	sst s6  }
0xf: {  	[smem:$0x3FA1] =	sst s7  }
0x10: {  	[smem:$0x3FA2] =	sst s8  }
0x11: {  	[smem:$0x3FA3] =	sst s9;
	s0 =	simm.s32 @!p0 $0x0  }
0x12: {  	s1 =	sld [smem:$0x3F89];
	s0 =	simm.s32 @p0 $0x1  }
0x13: {  	[smem:$0x3FA4] =	sst s0;
	s0 =	simm.s32 @!p1 $0x0  }
0x14: {  	s2 =	sld [smem:$0x3F88];
	s0 =	simm.s32 @p1 $0x1  }
0x15: {  	[smem:$0x3FA5] =	sst s0;
	s0 =	simm.s32 @!p2 $0x0  }
0x16: {  	s3 =	sld [smem:$0x3FDB];
	s0 =	simm.s32 @p2 $0x1  }
0x17: {  	s4 =	simm.s32 $0x1BF5;
	[smem:$0x3FA7] =	sst s0  }
0x18: {  	s0 =	sld [smem:$0x3F8A];
	_ =	swait.ge [sflag:s4], $0x0  }
0x19: {  	s7 =	sld [smem:$0x3F8B]  }
0x1a: {  	s8 =	sadd.s32 $0xFFFFE003, lr  }
0x1b: {  	s9 =	sadd.s32 $0xFFFFFEF7, lr;
	s5 =	simm.s32 $0xFFFFFFFF;
	p2 =	slt.u32 s8, $0xFFFFF086  }
0x1c: {  	p1 =	slt.u32 s9, $0xF7A;
	s5 =	simm.s32 @!p2 $0x0  }
0x1d: {  	s5 =	simm.s32 @p1 $0x1;
	p0 =	seq.s32 s7, s2  }
0x1e: {  	s7 =	smul.u32 @!p0 $0xF7A, s2;
	p2 =	seq.s32 @!p0 s5, $0x0  }
0x1f: {  	s9 =	smul.u32 $0xF7A, s1;
	s8 =	simm.s32 @!p0 $0x1BF5;
	p2 =	por !p2, p0  }
0x20: {  	[sflag:s8] =	ssyncset.s32 @!p0 $0xFFFFF086;
	s6 =	sadd.s32 @!p0 s3, s7;
	s7 =	simm.s32 @!p0 $0x108  }
0x21: {  	s3 =	sadd.s32 s3, s9;
	s6 =	sadd.s32 @!p0 $0x88, s6;
	s7 =	simm.s32 @p2 $0x1082  }
0x22: {  	[simem:s7], [sflag:s8] =	dma.local @!p0 [hbm:s6], $0xF7A  }
0x23: {  	s9 =	sor.u32 $0xD0000000, s2;
	s6 =	simm.s32 $0x108;
	_ =	swait.ge @!p0 [sflag:s8], $0x0  }
0x24: {  	s3 =	sadd.s32 $0x88, s3;
	s6 =	simm.s32 @!p1 $0x1082;
	[sflag:s4] =	ssyncset.s32 $0xFFFFF086  }
0x25: {  	[simem:s6], [sflag:s4] =	dma.local [hbm:s3], $0xF7A  }
0x26: {  	[smem:$0x3F8B] =	sst s1;
	(tag) =	ssettag s2;
	_ =	strace s9  }
0x27: {  	s1 =	sld [smem:$0x3F9B]  }
0x28: {  	s2 =	sld [smem:$0x3F9C]  }
0x29: {  	s4 =	sld [smem:$0x3F9E]  }
0x2a: {  	p0 =	seq.s32 s5, $0x0;
	s5 =	sld [smem:$0x3F9F]  }
0x2b: {  	s6 =	sld [smem:$0x3FA0]  }
0x2c: {  	s7 =	sld [smem:$0x3FA1]  }
0x2d: {  	s3 =	simm.s32 $0x108;
	s8 =	sld [smem:$0x3FA2]  }
0x2e: {  	s3 =	simm.s32 @!p0 $0x1082;
	s9 =	sld [smem:$0x3FA3]  }
0x2f: {  	lr =	sadd.s32 s0, s3;
	s0 =	sld [smem:$0x3F9A]  }
0x30: {  	s3 =	sld [smem:$0x3F9D]  }
0x31: {  	[smem:$0x3FA6] =	sst s10  }
0x32: {  	s10 =	sld [smem:$0x3FA4];
	_ =	sdelay $0x3  }
0x33: {  	p0 =	seq.s32 s10, $0x1;
	s10 =	sld [smem:$0x3FA6];
	_ =	sdelay $0x3  }
0x34: {  	[smem:$0x3FA6] =	sst s10  }
0x35: {  	s10 =	sld [smem:$0x3FA5];
	_ =	sdelay $0x3  }
0x36: {  	p1 =	seq.s32 s10, $0x1;
	s10 =	sld [smem:$0x3FA6];
	_ =	sdelay $0x3  }
0x37: {  	[smem:$0x3FA6] =	sst s10  }
0x38: {  	s10 =	sld [smem:$0x3FA7]  }
0x39: {  	_ = 	snop;
	(pc) =	sbr.ind lr, $3  }
0x3a: {  	_ = 	snop  }
0x3b: {  	_ = 	snop  }
0x3c: {  	p2 =	seq.s32 s10, $0x1;
	s10 =	sld [smem:$0x3FA6]  }
0x3d: {  	_ =	shalt  }
0x3e: {  	_ =	shalt  }
0x3f: {  	_ =	shalt  }
0x40: {  	_ =	shalt  }
0x41: {  	_ =	shalt  }
0x42: {  	_ =	shalt  }
0x43: {  	_ =	shalt  }
0x44: {  	_ =	shalt  }
0x45: {  	_ =	shalt  }
0x46: {  	_ =	shalt  }
0x47: {  	_ =	shalt  }
0x48: {  	_ =	shalt  }
0x49: {  	_ =	shalt  }
0x4a: {  	_ =	shalt  }
0x4b: {  	_ =	shalt  }
0x4c: {  	_ =	shalt  }
0x4d: {  	_ =	shalt  }
0x4e: {  	_ =	shalt  }
0x4f: {  	_ =	shalt  }
0x50: {  	_ =	shalt  }
0x51: {  	_ =	shalt  }
0x52: {  	_ =	shalt  }
0x53: {  	_ =	shalt  }
0x54: {  	_ =	shalt  }
0x55: {  	_ =	shalt  }
0x56: {  	_ =	shalt  }
0x57: {  	_ =	shalt  }
0x58: {  	_ =	shalt  }
0x59: {  	_ =	shalt  }
0x5a: {  	_ =	shalt  }
0x5b: {  	_ =	shalt  }
0x5c: {  	_ =	shalt  }
0x5d: {  	_ =	shalt  }
0x5e: {  	_ =	shalt  }
0x5f: {  	_ =	shalt  }
0x60: {  	_ =	shalt  }
0x61: {  	_ =	shalt  }
0x62: {  	_ =	shalt  }
0x63: {  	_ =	shalt  }
0x64: {  	_ =	shalt  }
0x65: {  	_ =	shalt  }
0x66: {  	_ =	shalt  }
0x67: {  	_ =	shalt  }
0x68: {  	_ =	shalt  }
0x69: {  	_ =	shalt  }
0x6a: {  	_ =	shalt  }
0x6b: {  	_ =	shalt  }
0x6c: {  	_ =	shalt  }
0x6d: {  	_ =	shalt  }
0x6e: {  	_ =	shalt  }
0x6f: {  	_ =	shalt  }
0x70: {  	_ =	shalt  }
0x71: {  	_ =	shalt  }
0x72: {  	_ =	shalt  }
0x73: {  	_ =	shalt  }
0x74: {  	_ =	shalt  }
0x75: {  	_ =	shalt  }
0x76: {  	_ =	shalt  }
0x77: {  	_ =	shalt  }
0x78: {  	_ =	shalt  }
0x79: {  	_ =	shalt  }
0x7a: {  	_ =	shalt  }
0x7b: {  	_ =	shalt  }
0x7c: {  	_ =	shalt  }
0x7d: {  	_ =	shalt  }
0x7e: {  	_ =	shalt  }
0x7f: {  	_ =	shalt  }
0x80: {  	_ =	shalt  }
0x81: {  	_ =	shalt  }
0x82: {  	_ =	shalt  }
0x83: {  	_ =	shalt  }
0x84: {  	_ =	shalt  }
0x85: {  	_ =	shalt  }
0x86: {  	_ =	shalt  }
0x87: {  	_ =	shalt  }
.Lfunc_end0:
.L_simem_size_0:
called_computation_lowered:
.L_overlay_start_0:
0x88: {  	s2 =	sld [smem:$0x3FD9]  }
0x89: {  	s3 =	sld [smem:$0x3FFE];
	_ =	sdelay $0x1  }
0x8a: {  	s1 =	srdreg.scid  }
0x8b: {  	s0 =	sand.u32 $0x1, s1  }
0x8c: {  	s16 =	sshll.u32 s0, $0xA;
	s2 =	sadd.s32 s3, s2  }
0x8d: {  	s2 =	sadd.s32 s2, s16  }
0x8e: {  	[smem:$0x3FB2] =	sst s2  }
0x8f: {  	_ = 	snop  }
0x90: {  	(tm) =	ssettm $0x1  }
0x91: {  	s17 =	sld [smem:$0x3FFB];
	_ =	sdelay $0x3  }
0x92: {  	_ =	strace s17  }
0x93: {  	s2 =	sld [smem:$0x3FFC];
	_ =	sdelay $0x3  }
0x94: {  	_ =	strace s2  }
0x95: {  	s2 =	sld [smem:$0x3FFD];
	_ =	sdelay $0x3  }
0x96: {  	_ =	strace s2  }
0x97: {  	_ =	strace $0x8FFFFFFF  }
0x98: {  	s18 =	sld [smem:$0x3FDB];
	_ =	sdelay $0x1  }
0x99: {  	s19 =	simm.s32 $_scs_section_size  }
0x9a: {  	s4 =	simm.s32 $_size__tile_overlayer_lowered;
	s5 =	simm.s32 $_tile_overlayer_lowered  }
0x9b: {  	s22 =	simm.s32 $0x1BFF;
	s21 =	sshll.u32 s5, $0x1;
	s2 =	sadd.s32 s19, s18  }
0x9c: {  	s6 =	simm.s32 $0x0;
	s20 =	sshll.u32 s4, $0x1;
	s4 =	sadd.s32 s21, s2  }
0x9d: {  	[timem:s6], [sflag:s22] =	dma.local [hbm:s4], s20  }
0x9e: {  	_ =	swait.ge [sflag:s22], s20  }
0x9f: {  	s3 =	ssub.s32 $0x0, s20;
	[sflag:s22] =	ssyncset.done $0x0  }
0xa0: {  	[sflag:s22] =	ssyncadd.s32 s3;
	_ =	sdelay $0x1  }
0xa1: {  	s23 =	simm.s32 $0x1B8B  }
0xa2: {  	_ =	swait.ge [sflag:s23], $0x1  }
0xa3: {  	[sflag:s23] =	ssyncset.done $0x0  }
0xa4: {  	s25 =	simm.s32 $0x1B8E;
	s24 =	sld [smem:$0x3FFE];
	[sflag:s23] =	ssyncadd.s32 $0xFFFFFFFF  }
0xa5: {  	s26 =	simm.s32 $execute0_lowered;
	[smem:$0x3FD2] =	sst s25  }
0xa6: {  	s4 =	sshll.u32 s26, $0x1;
	_ =	strace $0x80000046;
	[dreg:$0x1] =	wrdreg $0xFFFFFFFF  }
0xa7: {  	s28 =	simm.s32 $_size_execute0_lowered;
	s2 =	sadd.s32 s2, s4;
	[dreg:$0x0] =	wrdreg $0x0  }
0xa8: {  	s4 =	sshll.u32 s28, $0x1;
	[dreg:$0x2] =	wrdreg s2  }
0xa9: {  	[dreg:$0x3] =	wrdreg s4  }
0xaa: {  	[dreg:$0x4] =	wrdreg $0xC0  }
0xab: {  	_ =	task [dreg:s6], $0x5FFFF  }
0xac: {  	[dreg:$0x1] =	wrdreg $0xFFFFFFFF  }
0xad: {  	[dreg:$0x0] =	wrdreg $0x60  }
0xae: {  	[dreg:$0x2] =	wrdreg s24  }
0xaf: {  	[dreg:$0x3] =	wrdreg $0x68000  }
0xb0: {  	[dreg:$0x4] =	wrdreg $0x9  }
0xb1: {  	_ =	task.clear_ibuf [dreg:s6], $0x5FFFF;
	_ =	strace $0x90000046  }
0xb2: {  	s29 =	simm.s32 $0x9;
	_ =	strace $0x80000048  }
0xb3: {  	_ =	swait.ge [sflag:s29], $0x1  }
0xb4: {  	[sflag:s29] =	ssyncadd.s32 $0xFFFFFFFF  }
0xb5: {  	_ =	strace $0x90000048  }
0xb6: {  	_ =	sfence  }
0xb7: {  	s30 =	sld [smem:$0x0];
	_ =	sdelay $0x2  }
0xb8: {  	s31 =	sshll.u32 s1, $0xD;
	s1 =	sshrl.u32 s1, $0x2  }
0xb9: {  	s3 =	sand.u32 $0x4000, s31;
	s1 =	sadd.s32 s1, s30  }
0xba: {  	s0 =	sor.u32 s3, s0;
	s1 =	sshll.u32 s1, $0x11  }
0xbb: {  	s0 =	sor.u32 s1, s0  }
0xbc: {  	s0 =	sadd.s32 $0x8F2B, s0  }
0xbd: {  	[sflag:s0] =	ssyncadd.remote.s32 $0x1  }
0xbe: {  	_ =	sfence.sel $0xFFFF  }
0xbf: {  	[dreg:$0x0] =	wrdreg $0xFFFFFFFF;
	(pc) =	sbr.abs _section_cstart, $3  }
0xc0: {  	[dreg:$0x1] =	wrdreg $0xFFFFFFFF  }
0xc1: {  	_ =	task.clear_ibuf [dreg:s6], $0x2FFFF;
	_ =	strace $0x9FFFFFFF  }
0xc2: {  	(tm) =	ssettm $0x7FFFFFFF  }
0xc3: {  	_ =	shalt  }
tec
execute0_lowered:
.L_overlay_start_1:
0x0: {  	(tag) =	ssettag $0x1  }
0x1: {  	s0 =	srdreg.scid;
	s7 =	rddreg [dreg:$0x0]  }
0x2: {  	s2 =	rddreg [dreg:$0x1];
	s1 =	stileid.u32  }
0x3: {  	s3 =	simm.s32 $0x0;
	s13 =	simm.s32 $0x80;
	s14 =	simm.s32 $0x1  }
0x4: {  	s15 =	simm.s32 $0x0;
	s6 =	sand.u32 $0x1, s0;
	s0 =	rddreg [dreg:$0x2]  }
0x5: {  	[smem:$0x7FF] =	sst s3;
	s11 =	smul.u32 $0x4F000, s1;
	s5 =	sadd.s32 $0x1AA00, s7  }
0x6: {  	s31 =	sshll.u32 s1, $0x6;
	s12 =	smul.u32 $0x2780, s1;
	s4 =	sshll.u32 s6, $0x4  }
0x7: {  	_ =	strace $0x80000047;
	s8 =	ssub.s32 $0x2, s6;
	p0 =	seq.s32 s6, $0x1  }
0x8: {  	s6 =	sor.u32 $0x1C02, s31;
	s4 =	sor.u32 s1, s4;
	s10 =	sshrl.u32 s8, $0x1  }
0x9: {  	s30 =	sshrl.u32 s11, $0x2;
	s11 =	simm.s32 $0x45200;
	s4 =	smul.u32 $0x500, s4  }
0xa: {  	s8 =	ssub.s32 s8, s10;
	s11 =	simm.s32 @!p0 $0x1DA00;
	s10 =	sadd.s32 s30, s2  }
0xb: {  	s11 =	sadd.s32 s11, s7;
	s8 =	smax.u32 s8, $0x1;
	s9 =	sadd.s32 s4, s7  }
0xc: {  	s10 =	sshrl.u32 s10, $0x3;
	s4 =	sadd.s32 $0x1D200, s7;
	s7 =	sadd.s32 $0x6A00, s9  }
0xd: {  	s9 =	sadd.s32 s11, s12;
	s11 =	simm.s32 $0x2;
	s12 =	simm.s32 $0x2800  }
.LBB2_1:
0xe: {  	[spmem:s10], [sflag:s6] =	dma.local [hbm:s5], $0x2780  }
0xf: {  	_ =	swait.ge [sflag:s11], $0x2780  }
0x10: {  	[sflag:s11] =	ssyncset.done $0x0  }
0x11: {  	[sflag:s11] =	ssyncadd.s32 $0xFFFFD880  }
0x12: {  	[tilespmem:s12], [sflag:$0x2] =	stream.linear.gather [hbm4b:s4+s3], $0x4000, $0x38;
	[tilespmem:$0x1A400] =	vst v63  }
0x13: {  	_ =	swait.ge [sflag:s11], $0x4000  }
0x14: {  	[sflag:s11] =	ssyncset.done $0x0  }
0x15: {  	[sflag:s11] =	ssyncadd.s32 $0xFFFFC000  }
0x16: {  	[tilespmem:s3], [sflag:$0x2] =	stream.linear.gather [hbm4b:s7+s3], $0x2800, $0x38;
	[tilespmem:$0x1A400] =	vst v63  }
0x17: {  	_ =	swait.ge [sflag:s11], $0x2800  }
0x18: {  	[sflag:s11] =	ssyncset.done $0x0  }
0x19: {  	[sflag:s11] =	ssyncadd.s32 $0xFFFFD800  }
0x1a: {  	s16 =	simm.s32 $0x0;
	[bflag:$0x0] =	sbarrier.arrive $0xFFFF  }
.LBB2_2:
0x1b: {  	p0 =	sne.s32 s16, $0x9E00  }
.Ltmp0:
0x1c: {  	_ = 	snop;
	(pc) =	sbr.rel @p0 .LBB2_2-.Ltmp0, $3  }
0x1d: {  	_ =	sdelay $0x1  }
0x1e: {  	s17 =	sshra.s32 s16, $0x2;
	s16 =	sadd.s32 $0x200, s16  }
0x1f: {  	[spmem:s2] =	stream.indirect.scatter.add.f32 [tilespmem:s12], [sflag:$0x1], $0x80, s17, s13, $0xb8;
	[tilespmem:$0x1A400] =	vst v63  }
0x20: {  	_ =	swait.ge [sflag:s14], $0x4000  }
0x21: {  	s16 =	simm.s32 $0x4F;
	[sflag:s14] =	ssyncset.done $0x0  }
.LBB2_4:
0x22: {  	p0 =	sne.s32 s16, $0x1;
	s16 =	sadd.s32 $0xFFFFFFFF, s16;
	[sflag:s14] =	ssyncadd.s32 $0xFFFFC000  }
.Ltmp1:
0x23: {  	(pc) =	sbr.rel @p0 .LBB2_4-.Ltmp1, $3  }
0x24: {  	_ =	sdelay $0x1  }
0x25: {  	_ =	swait.ge [sflag:s14], $0x4000  }
0x26: {  	[sflag:s14] =	ssyncset.done $0x0  }
0x27: {  	s15 =	sadd.s32 $0x1, s15  }
0x28: {  	[sflag:s14] =	ssyncadd.s32 $0xFFFFC000;
	p0 =	sne.s32 s15, s8  }
.Ltmp2:
0x29: {  	[bflag:$0x0] =	sbarrier.arrive $0xFFFF;
	(pc) =	sbr.rel @p0 .LBB2_1-.Ltmp2, $4  }
0x2a: {  	[hbm:s9], [sflag:s6] =	dma.local [spmem:s10], $0x2780  }
0x2b: {  	_ =	swait.ge [sflag:s11], $0x2780  }
0x2c: {  	[sflag:s11] =	ssyncset.done $0x0  }
0x2d: {  	[sflag:s11] =	ssyncadd.s32 $0xFFFFD880  }
0x2e: {  	_ =	sfence.sel $0x180000  }
0x2f: {  	[bflag:$0x0] =	sbarrier.arrive $0xFFFF  }
0x30: {  	p0 =	sne.s32 s1, $0x0;
	_ =	strace $0x90000047  }
0x31: {  	s0 =	sadd.s32 @!p0 $0x100000, s0;
	[bflag:$0x2] =	sbarrier.arrive $0xFFFF  }
0x32: {  	[sflag:s0] =	ssyncadd.tile.s32 @!p0 $0x1;
	_ =	shalt  }
.Lfunc_end2:
_tile_overlayer_lowered:
.L_overlay_start_2:
0x33: {  	(tag) =	ssettag $0x2  }
0x34: {  	s0 =	rddreg [dreg:$0x0];
	s2 =	stileid.u32  }
0x35: {  	s1 =	rddreg [dreg:$0x1];
	p0 =	sne.s32 s2, $0x0  }
0x36: {  	s3 =	rddreg [dreg:$0x2];
	[bflag:$0x3] =	sbarrier.arrive $0xFFFF;
	s2 =	simm.s32 @!p0 $0x1C02  }
0x37: {  	[timem:s3], [sflag:s2] =	dma.local @!p0 [hbm:s0], s1  }
0x38: {  	s0 =	simm.s32 @!p0 $0x2  }
0x39: {  	_ =	swait.ge @!p0 [sflag:s0], s1  }
0x3a: {  	s1 =	ssub.s32 @!p0 $0x0, s1;
	[sflag:s0] =	ssyncset.done @!p0 $0x0  }
0x3b: {  	[sflag:s0] =	ssyncadd.s32 @!p0 s1  }
0x3c: {  	[bflag:$0x3] =	sbarrier.arrive $0xFFFF  }
0x3d: {  	_ =	shalt  }

// kernel: kernel.14.cloned.1.call-start
scs
__scs_entry_jumppad:
0x0: {  	(pc) =	sbr.rel $0x88, $3  }
0x1: {  	(tag) =	ssettag $0x0;
	lr =	simm.s32 $0x1  }
0x2: {  	[smem:$0x3F8B] =	sst lr;
	_ =	strace $0xD0000000  }
0x3: {  	_ = 	snop  }
0x4: {  	_ = 	snop  }
0x5: {  	_ = 	snop  }
0x6: {  	_ = 	snop  }
0x7: {  	_ = 	snop  }
__scs_overlays_trampoline_lowered:
0x8: {  	[smem:$0x3F9A] =	sst s0  }
0x9: {  	[smem:$0x3F9B] =	sst s1  }
0xa: {  	[smem:$0x3F9C] =	sst s2  }
0xb: {  	[smem:$0x3F9D] =	sst s3  }
0xc: {  	[smem:$0x3F9E] =	sst s4  }
0xd: {  	[smem:$0x3F9F] =	sst s5  }
0xe: {  	[smem:$0x3FA0] =	sst s6  }
0xf: {  	[smem:$0x3FA1] =	sst s7  }
0x10: {  	[smem:$0x3FA2] =	sst s8  }
0x11: {  	[smem:$0x3FA3] =	sst s9;
	s0 =	simm.s32 @!p0 $0x0  }
0x12: {  	s1 =	sld [smem:$0x3F89];
	s0 =	simm.s32 @p0 $0x1  }
0x13: {  	[smem:$0x3FA4] =	sst s0;
	s0 =	simm.s32 @!p1 $0x0  }
0x14: {  	s2 =	sld [smem:$0x3F88];
	s0 =	simm.s32 @p1 $0x1  }
0x15: {  	[smem:$0x3FA5] =	sst s0;
	s0 =	simm.s32 @!p2 $0x0  }
0x16: {  	s3 =	sld [smem:$0x3FDB];
	s0 =	simm.s32 @p2 $0x1  }
0x17: {  	s4 =	simm.s32 $0x1BF5;
	[smem:$0x3FA7] =	sst s0  }
0x18: {  	s0 =	sld [smem:$0x3F8A];
	_ =	swait.ge [sflag:s4], $0x0  }
0x19: {  	s7 =	sld [smem:$0x3F8B]  }
0x1a: {  	s8 =	sadd.s32 $0xFFFFE003, lr  }
0x1b: {  	s9 =	sadd.s32 $0xFFFFFEF7, lr;
	s5 =	simm.s32 $0xFFFFFFFF;
	p2 =	slt.u32 s8, $0xFFFFF086  }
0x1c: {  	p1 =	slt.u32 s9, $0xF7A;
	s5 =	simm.s32 @!p2 $0x0  }
0x1d: {  	s5 =	simm.s32 @p1 $0x1;
	p0 =	seq.s32 s7, s2  }
0x1e: {  	s7 =	smul.u32 @!p0 $0xF7A, s2;
	p2 =	seq.s32 @!p0 s5, $0x0  }
0x1f: {  	s9 =	smul.u32 $0xF7A, s1;
	s8 =	simm.s32 @!p0 $0x1BF5;
	p2 =	por !p2, p0  }
0x20: {  	[sflag:s8] =	ssyncset.s32 @!p0 $0xFFFFF086;
	s6 =	sadd.s32 @!p0 s3, s7;
	s7 =	simm.s32 @!p0 $0x108  }
0x21: {  	s3 =	sadd.s32 s3, s9;
	s6 =	sadd.s32 @!p0 $0x88, s6;
	s7 =	simm.s32 @p2 $0x1082  }
0x22: {  	[simem:s7], [sflag:s8] =	dma.local @!p0 [hbm:s6], $0xF7A  }
0x23: {  	s9 =	sor.u32 $0xD0000000, s2;
	s6 =	simm.s32 $0x108;
	_ =	swait.ge @!p0 [sflag:s8], $0x0  }
0x24: {  	s3 =	sadd.s32 $0x88, s3;
	s6 =	simm.s32 @!p1 $0x1082;
	[sflag:s4] =	ssyncset.s32 $0xFFFFF086  }
0x25: {  	[simem:s6], [sflag:s4] =	dma.local [hbm:s3], $0xF7A  }
0x26: {  	[smem:$0x3F8B] =	sst s1;
	(tag) =	ssettag s2;
	_ =	strace s9  }
0x27: {  	s1 =	sld [smem:$0x3F9B]  }
0x28: {  	s2 =	sld [smem:$0x3F9C]  }
0x29: {  	s4 =	sld [smem:$0x3F9E]  }
0x2a: {  	p0 =	seq.s32 s5, $0x0;
	s5 =	sld [smem:$0x3F9F]  }
0x2b: {  	s6 =	sld [smem:$0x3FA0]  }
0x2c: {  	s7 =	sld [smem:$0x3FA1]  }
0x2d: {  	s3 =	simm.s32 $0x108;
	s8 =	sld [smem:$0x3FA2]  }
0x2e: {  	s3 =	simm.s32 @!p0 $0x1082;
	s9 =	sld [smem:$0x3FA3]  }
0x2f: {  	lr =	sadd.s32 s0, s3;
	s0 =	sld [smem:$0x3F9A]  }
0x30: {  	s3 =	sld [smem:$0x3F9D]  }
0x31: {  	[smem:$0x3FA6] =	sst s10  }
0x32: {  	s10 =	sld [smem:$0x3FA4];
	_ =	sdelay $0x3  }
0x33: {  	p0 =	seq.s32 s10, $0x1;
	s10 =	sld [smem:$0x3FA6];
	_ =	sdelay $0x3  }
0x34: {  	[smem:$0x3FA6] =	sst s10  }
0x35: {  	s10 =	sld [smem:$0x3FA5];
	_ =	sdelay $0x3  }
0x36: {  	p1 =	seq.s32 s10, $0x1;
	s10 =	sld [smem:$0x3FA6];
	_ =	sdelay $0x3  }
0x37: {  	[smem:$0x3FA6] =	sst s10  }
0x38: {  	s10 =	sld [smem:$0x3FA7]  }
0x39: {  	_ = 	snop;
	(pc) =	sbr.ind lr, $3  }
0x3a: {  	_ = 	snop  }
0x3b: {  	_ = 	snop  }
0x3c: {  	p2 =	seq.s32 s10, $0x1;
	s10 =	sld [smem:$0x3FA6]  }
0x3d: {  	_ =	shalt  }
0x3e: {  	_ =	shalt  }
0x3f: {  	_ =	shalt  }
0x40: {  	_ =	shalt  }
0x41: {  	_ =	shalt  }
0x42: {  	_ =	shalt  }
0x43: {  	_ =	shalt  }
0x44: {  	_ =	shalt  }
0x45: {  	_ =	shalt  }
0x46: {  	_ =	shalt  }
0x47: {  	_ =	shalt  }
0x48: {  	_ =	shalt  }
0x49: {  	_ =	shalt  }
0x4a: {  	_ =	shalt  }
0x4b: {  	_ =	shalt  }
0x4c: {  	_ =	shalt  }
0x4d: {  	_ =	shalt  }
0x4e: {  	_ =	shalt  }
0x4f: {  	_ =	shalt  }
0x50: {  	_ =	shalt  }
0x51: {  	_ =	shalt  }
0x52: {  	_ =	shalt  }
0x53: {  	_ =	shalt  }
0x54: {  	_ =	shalt  }
0x55: {  	_ =	shalt  }
0x56: {  	_ =	shalt  }
0x57: {  	_ =	shalt  }
0x58: {  	_ =	shalt  }
0x59: {  	_ =	shalt  }
0x5a: {  	_ =	shalt  }
0x5b: {  	_ =	shalt  }
0x5c: {  	_ =	shalt  }
0x5d: {  	_ =	shalt  }
0x5e: {  	_ =	shalt  }
0x5f: {  	_ =	shalt  }
0x60: {  	_ =	shalt  }
0x61: {  	_ =	shalt  }
0x62: {  	_ =	shalt  }
0x63: {  	_ =	shalt  }
0x64: {  	_ =	shalt  }
0x65: {  	_ =	shalt  }
0x66: {  	_ =	shalt  }
0x67: {  	_ =	shalt  }
0x68: {  	_ =	shalt  }
0x69: {  	_ =	shalt  }
0x6a: {  	_ =	shalt  }
0x6b: {  	_ =	shalt  }
0x6c: {  	_ =	shalt  }
0x6d: {  	_ =	shalt  }
0x6e: {  	_ =	shalt  }
0x6f: {  	_ =	shalt  }
0x70: {  	_ =	shalt  }
0x71: {  	_ =	shalt  }
0x72: {  	_ =	shalt  }
0x73: {  	_ =	shalt  }
0x74: {  	_ =	shalt  }
0x75: {  	_ =	shalt  }
0x76: {  	_ =	shalt  }
0x77: {  	_ =	shalt  }
0x78: {  	_ =	shalt  }
0x79: {  	_ =	shalt  }
0x7a: {  	_ =	shalt  }
0x7b: {  	_ =	shalt  }
0x7c: {  	_ =	shalt  }
0x7d: {  	_ =	shalt  }
0x7e: {  	_ =	shalt  }
0x7f: {  	_ =	shalt  }
0x80: {  	_ =	shalt  }
0x81: {  	_ =	shalt  }
0x82: {  	_ =	shalt  }
0x83: {  	_ =	shalt  }
0x84: {  	_ =	shalt  }
0x85: {  	_ =	shalt  }
0x86: {  	_ =	shalt  }
0x87: {  	_ =	shalt  }
.Lfunc_end0:
.L_simem_size_0:
called_computation.1_lowered:
.L_overlay_start_0:
0x88: {  	s2 =	sld [smem:$0x3FD9]  }
0x89: {  	s3 =	sld [smem:$0x3FFE];
	_ =	sdelay $0x1  }
0x8a: {  	s1 =	srdreg.scid  }
0x8b: {  	s0 =	sand.u32 $0x1, s1  }
0x8c: {  	s16 =	sshll.u32 s0, $0xA;
	s2 =	sadd.s32 s3, s2  }
0x8d: {  	s2 =	sadd.s32 s2, s16  }
0x8e: {  	[smem:$0x3FB2] =	sst s2  }
0x8f: {  	_ = 	snop  }
0x90: {  	(tm) =	ssettm $0x1  }
0x91: {  	s17 =	sld [smem:$0x3FFB];
	_ =	sdelay $0x3  }
0x92: {  	_ =	strace s17  }
0x93: {  	s2 =	sld [smem:$0x3FFC];
	_ =	sdelay $0x3  }
0x94: {  	_ =	strace s2  }
0x95: {  	s2 =	sld [smem:$0x3FFD];
	_ =	sdelay $0x3  }
0x96: {  	_ =	strace s2  }
0x97: {  	_ =	strace $0x8FFFFFFF  }
0x98: {  	s18 =	sld [smem:$0x3FDB];
	_ =	sdelay $0x1  }
0x99: {  	s19 =	simm.s32 $_scs_section_size  }
0x9a: {  	s4 =	simm.s32 $_size__tile_overlayer_lowered;
	s5 =	simm.s32 $_tile_overlayer_lowered  }
0x9b: {  	s22 =	simm.s32 $0x1BFF;
	s21 =	sshll.u32 s5, $0x1;
	s2 =	sadd.s32 s19, s18  }
0x9c: {  	s6 =	simm.s32 $0x0;
	s20 =	sshll.u32 s4, $0x1;
	s4 =	sadd.s32 s21, s2  }
0x9d: {  	[timem:s6], [sflag:s22] =	dma.local [hbm:s4], s20  }
0x9e: {  	_ =	swait.ge [sflag:s22], s20  }
0x9f: {  	s3 =	ssub.s32 $0x0, s20;
	[sflag:s22] =	ssyncset.done $0x0  }
0xa0: {  	[sflag:s22] =	ssyncadd.s32 s3;
	_ =	sdelay $0x1  }
0xa1: {  	s23 =	simm.s32 $0x1B8B  }
0xa2: {  	_ =	swait.ge [sflag:s23], $0x1  }
0xa3: {  	[sflag:s23] =	ssyncset.done $0x0  }
0xa4: {  	s25 =	simm.s32 $0x1B8E;
	s24 =	sld [smem:$0x3FFE];
	[sflag:s23] =	ssyncadd.s32 $0xFFFFFFFF  }
0xa5: {  	s26 =	simm.s32 $execute0_lowered;
	[smem:$0x3FD2] =	sst s25  }
0xa6: {  	s4 =	sshll.u32 s26, $0x1;
	_ =	strace $0x80000049;
	[dreg:$0x1] =	wrdreg $0xFFFFFFFF  }
0xa7: {  	s28 =	simm.s32 $_size_execute0_lowered;
	s2 =	sadd.s32 s2, s4;
	[dreg:$0x0] =	wrdreg $0x0  }
0xa8: {  	s4 =	sshll.u32 s28, $0x1;
	[dreg:$0x2] =	wrdreg s2  }
0xa9: {  	[dreg:$0x3] =	wrdreg s4  }
0xaa: {  	[dreg:$0x4] =	wrdreg $0xC0  }
0xab: {  	_ =	task [dreg:s6], $0x5FFFF  }
0xac: {  	[dreg:$0x1] =	wrdreg $0xFFFFFFFF  }
0xad: {  	[dreg:$0x0] =	wrdreg $0x60  }
0xae: {  	[dreg:$0x2] =	wrdreg s24  }
0xaf: {  	[dreg:$0x3] =	wrdreg $0x82000  }
0xb0: {  	[dreg:$0x4] =	wrdreg $0x9  }
0xb1: {  	_ =	task.clear_ibuf [dreg:s6], $0x5FFFF;
	_ =	strace $0x90000049  }
0xb2: {  	s29 =	simm.s32 $0x9;
	_ =	strace $0x8000004B  }
0xb3: {  	_ =	swait.ge [sflag:s29], $0x1  }
0xb4: {  	[sflag:s29] =	ssyncadd.s32 $0xFFFFFFFF  }
0xb5: {  	_ =	strace $0x9000004B  }
0xb6: {  	_ =	sfence  }
0xb7: {  	s30 =	sld [smem:$0x0];
	_ =	sdelay $0x2  }
0xb8: {  	s31 =	sshll.u32 s1, $0xD;
	s1 =	sshrl.u32 s1, $0x2  }
0xb9: {  	s3 =	sand.u32 $0x4000, s31;
	s1 =	sadd.s32 s1, s30  }
0xba: {  	s0 =	sor.u32 s3, s0;
	s1 =	sshll.u32 s1, $0x11  }
0xbb: {  	s0 =	sor.u32 s1, s0  }
0xbc: {  	s0 =	sadd.s32 $0x8F2B, s0  }
0xbd: {  	[sflag:s0] =	ssyncadd.remote.s32 $0x1  }
0xbe: {  	_ =	sfence.sel $0xFFFF  }
0xbf: {  	[dreg:$0x0] =	wrdreg $0xFFFFFFFF;
	(pc) =	sbr.abs _section_cstart, $3  }
0xc0: {  	[dreg:$0x1] =	wrdreg $0xFFFFFFFF  }
0xc1: {  	_ =	task.clear_ibuf [dreg:s6], $0x2FFFF;
	_ =	strace $0x9FFFFFFF  }
0xc2: {  	(tm) =	ssettm $0x7FFFFFFF  }
0xc3: {  	_ =	shalt  }
tec
execute0_lowered:
.L_overlay_start_1:
0x0: {  	(tag) =	ssettag $0x1  }
0x1: {  	s8 =	rddreg [dreg:$0x0]  }
0x2: {  	s1 =	rddreg [dreg:$0x1];
	s2 =	simm.s32 $0x0  }
0x3: {  	s9 =	srdreg.scid;
	s3 =	stileid.u32;
	s20 =	simm.s32 $0x180  }
0x4: {  	s21 =	simm.s32 $0x3;
	s22 =	simm.s32 $0x200;
	s23 =	simm.s32 $0x4  }
0x5: {  	s24 =	simm.s32 $0x4200;
	s25 =	simm.s32 $0x1;
	s26 =	simm.s32 $0x2  }
0x6: {  	s28 =	simm.s32 $0x0;
	[smem:$0x7FF] =	sst s2;
	s15 =	sadd.s32 $0x1D200, s8  }
0x7: {  	s4 =	sadd.s32 $0x44400, s8;
	s5 =	sadd.s32 $0x10A00, s8;
	s6 =	sadd.s32 $0x6A00, s8  }
0x8: {  	s7 =	sadd.s32 $0x1AA00, s8;
	s12 =	sand.u32 $0x1, s9;
	s30 =	smul.u32 $0x4F000, s3  }
0x9: {  	s14 =	sadd.s32 $0x6B600, s8;
	s16 =	sadd.s32 $0x92E00, s8;
	s8 =	smul.u32 $0xA00, s3  }
0xa: {  	s31 =	sshll.u32 s3, $0x6;
	s19 =	smul.u32 $0x2780, s3;
	s10 =	ssub.s32 $0x2, s12  }
0xb: {  	_ =	strace $0x8000004A;
	p0 =	seq.s32 s12, $0x0;
	s11 =	sshrl.u32 s10, $0x1  }
0xc: {  	s9 =	sshrl.u32 s30, $0x2;
	s13 =	sor.u32 $0x10, s8;
	s16 =	smov.u32 @p0 s14  }
.Ltmp0:
0xd: {  	s4 =	smov.u32 @p0 s15;
	s17 =	ssub.s32 s10, s11;
	(pc) =	sbr.rel .LBB2_1-.Ltmp0, $4  }
0xe: {  	s18 =	sadd.s32 s9, s1;
	s9 =	sor.u32 $0x1C05, s31;
	s10 =	sadd.s32 s5, s8  }
0xf: {  	s11 =	sadd.s32 s6, s8;
	s12 =	sadd.s32 s5, s13;
	s13 =	sadd.s32 s6, s13  }
0x10: {  	s15 =	sadd.s32 s16, s19;
	s19 =	simm.s32 $0x80;
	s14 =	smax.u32 s17, $0x1  }
0x11: {  	s16 =	sshrl.u32 s18, $0x3;
	s17 =	simm.s32 $0x5;
	s18 =	simm.s32 $0x100  }
.LBB2_4:
0x12: {  	_ =	swait.ge [sflag:s26], $0x4000  }
0x13: {  	[sflag:s26] =	ssyncset.done $0x0  }
0x14: {  	[sflag:s26] =	ssyncadd.s32 $0xFFFFC000  }
0x15: {  	[spmem:s1] =	stream.indirect.scatter.add.f32 [tilespmem:s24], [sflag:$0x5], $0x80, s20, s19, $0xb8;
	[tilespmem:$0x1BE00] =	vst v63  }
0x16: {  	_ =	swait.ge [sflag:s17], $0x4000  }
0x17: {  	s28 =	sadd.s32 $0x1, s28;
	[sflag:s17] =	ssyncset.done $0x0  }
0x18: {  	p0 =	sne.s32 s28, s14;
	[sflag:s17] =	ssyncadd.s32 $0xFFFFC000  }
.Ltmp1:
0x19: {  	[bflag:$0x0] =	sbarrier.arrive $0xFFFF;
	(pc) =	sbr.rel @!p0 .LBB2_5-.Ltmp1, $4  }
0x1a: {  	[hbm:s15], [sflag:s9] =	dma.local [spmem:s16], $0x2780  }
0x1b: {  	_ =	swait.ge [sflag:s17], $0x2780  }
0x1c: {  	[sflag:s17] =	ssyncset.done $0x0  }
0x1d: {  	[sflag:s17] =	ssyncadd.s32 $0xFFFFD880  }
.LBB2_1:
0x1e: {  	[spmem:s16], [sflag:s9] =	dma.local [hbm:s7], $0x2780  }
0x1f: {  	_ =	swait.ge [sflag:s17], $0x2780  }
0x20: {  	[sflag:s17] =	ssyncset.done $0x0  }
0x21: {  	[sflag:s17] =	ssyncadd.s32 $0xFFFFD880  }
0x22: {  	[bflag:$0x0] =	sbarrier.arrive $0xFFFF  }
0x23: {  	[tilespmem:s2], [sflag:$0x3] =	stream.linear.gather [hbm4b:s10+s2], $0x80, $0x38;
	[tilespmem:$0x1BE00] =	vst v63  }
0x24: {  	_ = 	snop  }
0x25: {  	[tilespmem:s18], [sflag:$0x3] =	stream.linear.gather [hbm4b:s11+s2], $0x80, $0x38;
	[tilespmem:$0x1BE00] =	vst v63  }
0x26: {  	_ = 	snop  }
0x27: {  	[tilespmem:s19], [sflag:$0x4] =	stream.linear.gather [hbm4b:s12+s2], $0x80, $0x38;
	[tilespmem:$0x1BE00] =	vst v63  }
0x28: {  	_ = 	snop  }
0x29: {  	[tilespmem:s20], [sflag:$0x4] =	stream.linear.gather [hbm4b:s13+s2], $0x80, $0x38;
	[tilespmem:$0x1BE00] =	vst v63  }
0x2a: {  	_ =	swait.ge [sflag:s21], $0x80  }
0x2b: {  	[sflag:s21] =	ssyncset.done $0x0  }
0x2c: {  	[sflag:s21] =	ssyncadd.s32 $0xFFFFFF80  }
0x2d: {  	_ =	swait.ge [sflag:s21], $0x80  }
0x2e: {  	[sflag:s21] =	ssyncset.done $0x0  }
0x2f: {  	s29 =	simm.s32 $0xFFFFF620;
	[sflag:s21] =	ssyncadd.s32 $0xFFFFFF80  }
0x30: {  	[tilespmem:s22], [sflag:$0x1] =	stream.indirect.gather [hbm4b:s4+s19], $0x80, s2, s19, $0xb8;
	[tilespmem:$0x1BE00] =	vst v63  }
.LBB2_2:
0x31: {  	_ =	swait.ge [sflag:s23], $0x80  }
0x32: {  	[sflag:s23] =	ssyncset.done $0x0  }
0x33: {  	[sflag:s23] =	ssyncadd.s32 $0xFFFFFF80  }
0x34: {  	_ =	swait.ge [sflag:s23], $0x80  }
0x35: {  	[sflag:s23] =	ssyncset.done $0x0  }
0x36: {  	[sflag:s23] =	ssyncadd.s32 $0xFFFFFF80  }
0x37: {  	[tilespmem:s24], [sflag:$0x2] =	stream.indirect.gather [hbm4b:s4+s19], $0x80, s19, s19, $0xb8;
	[tilespmem:$0x1BE00] =	vst v63  }
0x38: {  	_ =	swait.ge [sflag:s25], $0x4000  }
0x39: {  	p0 =	seq.s32 s29, $0x0;
	[sflag:s25] =	ssyncset.done $0x0  }
.Ltmp2:
0x3a: {  	[sflag:s25] =	ssyncadd.s32 $0xFFFFC000;
	(pc) =	sbr.rel @p0 .LBB2_4-.Ltmp2, $4  }
0x3b: {  	[spmem:s1] =	stream.indirect.scatter.add.f32 [tilespmem:s22], [sflag:$0x5], $0x80, s18, s19, $0xb8;
	[tilespmem:$0x1BE00] =	vst v63  }
0x3c: {  	_ =	swait.ge [sflag:s17], $0x4000  }
0x3d: {  	[sflag:s17] =	ssyncset.done $0x0  }
0x3e: {  	[sflag:s17] =	ssyncadd.s32 $0xFFFFC000  }
0x3f: {  	s30 =	sadd.s32 s29, s8  }
0x40: {  	s0 =	sadd.s32 $0xA00, s29;
	s31 =	sadd.s32 $0xA00, s30  }
0x41: {  	s0 =	sand.u32 $0x60, s0;
	s31 =	sand.u32 $0x1FF80, s31  }
0x42: {  	s0 =	sor.u32 s0, s31  }
0x43: {  	s31 =	sadd.s32 s5, s0  }
0x44: {  	[tilespmem:s2], [sflag:$0x3] =	stream.linear.gather [hbm4b:s31+s2], $0x80, $0x38;
	[tilespmem:$0x1BE00] =	vst v63  }
0x45: {  	s0 =	sadd.s32 s6, s0  }
0x46: {  	[tilespmem:s18], [sflag:$0x3] =	stream.linear.gather [hbm4b:s0+s2], $0x80, $0x38;
	[tilespmem:$0x1BE00] =	vst v63  }
0x47: {  	_ =	swait.ge [sflag:s21], $0x80  }
0x48: {  	[sflag:s21] =	ssyncset.done $0x0  }
0x49: {  	[sflag:s21] =	ssyncadd.s32 $0xFFFFFF80  }
0x4a: {  	_ =	swait.ge [sflag:s21], $0x80  }
0x4b: {  	[sflag:s21] =	ssyncset.done $0x0  }
0x4c: {  	[sflag:s21] =	ssyncadd.s32 $0xFFFFFF80  }
0x4d: {  	[tilespmem:s22], [sflag:$0x1] =	stream.indirect.gather [hbm4b:s4+s19], $0x80, s2, s19, $0xb8;
	[tilespmem:$0x1BE00] =	vst v63  }
0x4e: {  	_ =	swait.ge [sflag:s26], $0x4000  }
0x4f: {  	[sflag:s26] =	ssyncset.done $0x0  }
0x50: {  	s31 =	sadd.s32 $0xA10, s29;
	s0 =	sadd.s32 $0xA10, s30;
	[sflag:s26] =	ssyncadd.s32 $0xFFFFC000  }
0x51: {  	[spmem:s1] =	stream.indirect.scatter.add.f32 [tilespmem:s24], [sflag:$0x5], $0x80, s20, s19, $0xb8;
	[tilespmem:$0x1BE00] =	vst v63  }
0x52: {  	s30 =	sand.u32 $0x70, s31;
	s0 =	sand.u32 $0x1FF80, s0;
	_ =	swait.ge [sflag:s17], $0x4000  }
.Ltmp3:
0x53: {  	s0 =	sor.u32 s30, s0;
	[sflag:s17] =	ssyncset.done $0x0;
	(pc) =	sbr.rel .LBB2_2-.Ltmp3, $4  }
0x54: {  	s30 =	sadd.s32 s5, s0;
	[sflag:s17] =	ssyncadd.s32 $0xFFFFC000  }
0x55: {  	[tilespmem:s19], [sflag:$0x4] =	stream.linear.gather [hbm4b:s30+s2], $0x80, $0x38;
	[tilespmem:$0x1BE00] =	vst v63  }
0x56: {  	s29 =	sadd.s32 $0x20, s29;
	s0 =	sadd.s32 s6, s0  }
0x57: {  	[tilespmem:s20], [sflag:$0x4] =	stream.linear.gather [hbm4b:s0+s2], $0x80, $0x38;
	[tilespmem:$0x1BE00] =	vst v63  }
.LBB2_5:
0x58: {  	_ =	sfence.sel $0x180000  }
0x59: {  	[bflag:$0x0] =	sbarrier.arrive $0xFFFF  }
0x5a: {  	_ =	strace $0x9000004A  }
0x5b: {  	[bflag:$0x2] =	sbarrier.arrive $0xFFFF  }
0x5c: {  	p0 =	sne.s32 s3, $0x0;
	s0 =	rddreg [dreg:$0x2]  }
0x5d: {  	s0 =	sadd.s32 @!p0 $0x100000, s0  }
0x5e: {  	[sflag:s0] =	ssyncadd.tile.s32 @!p0 $0x1;
	_ =	shalt  }
.Lfunc_end2:
_tile_overlayer_lowered:
.L_overlay_start_2:
0x5f: {  	(tag) =	ssettag $0x2  }
0x60: {  	s0 =	rddreg [dreg:$0x0];
	s2 =	stileid.u32  }
0x61: {  	s1 =	rddreg [dreg:$0x1];
	p0 =	sne.s32 s2, $0x0  }
0x62: {  	s3 =	rddreg [dreg:$0x2];
	[bflag:$0x3] =	sbarrier.arrive $0xFFFF;
	s2 =	simm.s32 @!p0 $0x1C05  }
0x63: {  	[timem:s3], [sflag:s2] =	dma.local @!p0 [hbm:s0], s1  }
0x64: {  	s0 =	simm.s32 @!p0 $0x5  }
0x65: {  	_ =	swait.ge @!p0 [sflag:s0], s1  }
0x66: {  	s1 =	ssub.s32 @!p0 $0x0, s1;
	[sflag:s0] =	ssyncset.done @!p0 $0x0  }
0x67: {  	[sflag:s0] =	ssyncadd.s32 @!p0 s1  }
0x68: {  	[bflag:$0x3] =	sbarrier.arrive $0xFFFF  }
0x69: {  	_ =	shalt  }

// kernel: kernel.17.cloned.1.call-start
scs
__scs_entry_jumppad:
0x0: {  	(pc) =	sbr.rel $0x88, $3  }
0x1: {  	(tag) =	ssettag $0x0;
	lr =	simm.s32 $0x1  }
0x2: {  	[smem:$0x3F8B] =	sst lr;
	_ =	strace $0xD0000000  }
0x3: {  	_ = 	snop  }
0x4: {  	_ = 	snop  }
0x5: {  	_ = 	snop  }
0x6: {  	_ = 	snop  }
0x7: {  	_ = 	snop  }
__scs_overlays_trampoline_lowered:
0x8: {  	[smem:$0x3F9A] =	sst s0  }
0x9: {  	[smem:$0x3F9B] =	sst s1  }
0xa: {  	[smem:$0x3F9C] =	sst s2  }
0xb: {  	[smem:$0x3F9D] =	sst s3  }
0xc: {  	[smem:$0x3F9E] =	sst s4  }
0xd: {  	[smem:$0x3F9F] =	sst s5  }
0xe: {  	[smem:$0x3FA0] =	sst s6  }
0xf: {  	[smem:$0x3FA1] =	sst s7  }
0x10: {  	[smem:$0x3FA2] =	sst s8  }
0x11: {  	[smem:$0x3FA3] =	sst s9;
	s0 =	simm.s32 @!p0 $0x0  }
0x12: {  	s1 =	sld [smem:$0x3F89];
	s0 =	simm.s32 @p0 $0x1  }
0x13: {  	[smem:$0x3FA4] =	sst s0;
	s0 =	simm.s32 @!p1 $0x0  }
0x14: {  	s2 =	sld [smem:$0x3F88];
	s0 =	simm.s32 @p1 $0x1  }
0x15: {  	[smem:$0x3FA5] =	sst s0;
	s0 =	simm.s32 @!p2 $0x0  }
0x16: {  	s3 =	sld [smem:$0x3FDB];
	s0 =	simm.s32 @p2 $0x1  }
0x17: {  	s4 =	simm.s32 $0x1BF5;
	[smem:$0x3FA7] =	sst s0  }
0x18: {  	s0 =	sld [smem:$0x3F8A];
	_ =	swait.ge [sflag:s4], $0x0  }
0x19: {  	s7 =	sld [smem:$0x3F8B]  }
0x1a: {  	s8 =	sadd.s32 $0xFFFFE003, lr  }
0x1b: {  	s9 =	sadd.s32 $0xFFFFFEF7, lr;
	s5 =	simm.s32 $0xFFFFFFFF;
	p2 =	slt.u32 s8, $0xFFFFF086  }
0x1c: {  	p1 =	slt.u32 s9, $0xF7A;
	s5 =	simm.s32 @!p2 $0x0  }
0x1d: {  	s5 =	simm.s32 @p1 $0x1;
	p0 =	seq.s32 s7, s2  }
0x1e: {  	s7 =	smul.u32 @!p0 $0xF7A, s2;
	p2 =	seq.s32 @!p0 s5, $0x0  }
0x1f: {  	s9 =	smul.u32 $0xF7A, s1;
	s8 =	simm.s32 @!p0 $0x1BF5;
	p2 =	por !p2, p0  }
0x20: {  	[sflag:s8] =	ssyncset.s32 @!p0 $0xFFFFF086;
	s6 =	sadd.s32 @!p0 s3, s7;
	s7 =	simm.s32 @!p0 $0x108  }
0x21: {  	s3 =	sadd.s32 s3, s9;
	s6 =	sadd.s32 @!p0 $0x88, s6;
	s7 =	simm.s32 @p2 $0x1082  }
0x22: {  	[simem:s7], [sflag:s8] =	dma.local @!p0 [hbm:s6], $0xF7A  }
0x23: {  	s9 =	sor.u32 $0xD0000000, s2;
	s6 =	simm.s32 $0x108;
	_ =	swait.ge @!p0 [sflag:s8], $0x0  }
0x24: {  	s3 =	sadd.s32 $0x88, s3;
	s6 =	simm.s32 @!p1 $0x1082;
	[sflag:s4] =	ssyncset.s32 $0xFFFFF086  }
0x25: {  	[simem:s6], [sflag:s4] =	dma.local [hbm:s3], $0xF7A  }
0x26: {  	[smem:$0x3F8B] =	sst s1;
	(tag) =	ssettag s2;
	_ =	strace s9  }
0x27: {  	s1 =	sld [smem:$0x3F9B]  }
0x28: {  	s2 =	sld [smem:$0x3F9C]  }
0x29: {  	s4 =	sld [smem:$0x3F9E]  }
0x2a: {  	p0 =	seq.s32 s5, $0x0;
	s5 =	sld [smem:$0x3F9F]  }
0x2b: {  	s6 =	sld [smem:$0x3FA0]  }
0x2c: {  	s7 =	sld [smem:$0x3FA1]  }
0x2d: {  	s3 =	simm.s32 $0x108;
	s8 =	sld [smem:$0x3FA2]  }
0x2e: {  	s3 =	simm.s32 @!p0 $0x1082;
	s9 =	sld [smem:$0x3FA3]  }
0x2f: {  	lr =	sadd.s32 s0, s3;
	s0 =	sld [smem:$0x3F9A]  }
0x30: {  	s3 =	sld [smem:$0x3F9D]  }
0x31: {  	[smem:$0x3FA6] =	sst s10  }
0x32: {  	s10 =	sld [smem:$0x3FA4];
	_ =	sdelay $0x3  }
0x33: {  	p0 =	seq.s32 s10, $0x1;
	s10 =	sld [smem:$0x3FA6];
	_ =	sdelay $0x3  }
0x34: {  	[smem:$0x3FA6] =	sst s10  }
0x35: {  	s10 =	sld [smem:$0x3FA5];
	_ =	sdelay $0x3  }
0x36: {  	p1 =	seq.s32 s10, $0x1;
	s10 =	sld [smem:$0x3FA6];
	_ =	sdelay $0x3  }
0x37: {  	[smem:$0x3FA6] =	sst s10  }
0x38: {  	s10 =	sld [smem:$0x3FA7]  }
0x39: {  	_ = 	snop;
	(pc) =	sbr.ind lr, $3  }
0x3a: {  	_ = 	snop  }
0x3b: {  	_ = 	snop  }
0x3c: {  	p2 =	seq.s32 s10, $0x1;
	s10 =	sld [smem:$0x3FA6]  }
0x3d: {  	_ =	shalt  }
0x3e: {  	_ =	shalt  }
0x3f: {  	_ =	shalt  }
0x40: {  	_ =	shalt  }
0x41: {  	_ =	shalt  }
0x42: {  	_ =	shalt  }
0x43: {  	_ =	shalt  }
0x44: {  	_ =	shalt  }
0x45: {  	_ =	shalt  }
0x46: {  	_ =	shalt  }
0x47: {  	_ =	shalt  }
0x48: {  	_ =	shalt  }
0x49: {  	_ =	shalt  }
0x4a: {  	_ =	shalt  }
0x4b: {  	_ =	shalt  }
0x4c: {  	_ =	shalt  }
0x4d: {  	_ =	shalt  }
0x4e: {  	_ =	shalt  }
0x4f: {  	_ =	shalt  }
0x50: {  	_ =	shalt  }
0x51: {  	_ =	shalt  }
0x52: {  	_ =	shalt  }
0x53: {  	_ =	shalt  }
0x54: {  	_ =	shalt  }
0x55: {  	_ =	shalt  }
0x56: {  	_ =	shalt  }
0x57: {  	_ =	shalt  }
0x58: {  	_ =	shalt  }
0x59: {  	_ =	shalt  }
0x5a: {  	_ =	shalt  }
0x5b: {  	_ =	shalt  }
0x5c: {  	_ =	shalt  }
0x5d: {  	_ =	shalt  }
0x5e: {  	_ =	shalt  }
0x5f: {  	_ =	shalt  }
0x60: {  	_ =	shalt  }
0x61: {  	_ =	shalt  }
0x62: {  	_ =	shalt  }
0x63: {  	_ =	shalt  }
0x64: {  	_ =	shalt  }
0x65: {  	_ =	shalt  }
0x66: {  	_ =	shalt  }
0x67: {  	_ =	shalt  }
0x68: {  	_ =	shalt  }
0x69: {  	_ =	shalt  }
0x6a: {  	_ =	shalt  }
0x6b: {  	_ =	shalt  }
0x6c: {  	_ =	shalt  }
0x6d: {  	_ =	shalt  }
0x6e: {  	_ =	shalt  }
0x6f: {  	_ =	shalt  }
0x70: {  	_ =	shalt  }
0x71: {  	_ =	shalt  }
0x72: {  	_ =	shalt  }
0x73: {  	_ =	shalt  }
0x74: {  	_ =	shalt  }
0x75: {  	_ =	shalt  }
0x76: {  	_ =	shalt  }
0x77: {  	_ =	shalt  }
0x78: {  	_ =	shalt  }
0x79: {  	_ =	shalt  }
0x7a: {  	_ =	shalt  }
0x7b: {  	_ =	shalt  }
0x7c: {  	_ =	shalt  }
0x7d: {  	_ =	shalt  }
0x7e: {  	_ =	shalt  }
0x7f: {  	_ =	shalt  }
0x80: {  	_ =	shalt  }
0x81: {  	_ =	shalt  }
0x82: {  	_ =	shalt  }
0x83: {  	_ =	shalt  }
0x84: {  	_ =	shalt  }
0x85: {  	_ =	shalt  }
0x86: {  	_ =	shalt  }
0x87: {  	_ =	shalt  }
.Lfunc_end0:
.L_simem_size_0:
called_computation.2_lowered:
.L_overlay_start_0:
0x88: {  	s2 =	sld [smem:$0x3FD9]  }
0x89: {  	s3 =	sld [smem:$0x3FFE];
	_ =	sdelay $0x1  }
0x8a: {  	s1 =	srdreg.scid  }
0x8b: {  	s0 =	sand.u32 $0x1, s1  }
0x8c: {  	s16 =	sshll.u32 s0, $0xA;
	s2 =	sadd.s32 s3, s2  }
0x8d: {  	s2 =	sadd.s32 s2, s16  }
0x8e: {  	[smem:$0x3FB2] =	sst s2  }
0x8f: {  	_ = 	snop  }
0x90: {  	(tm) =	ssettm $0x1  }
0x91: {  	s17 =	sld [smem:$0x3FFB];
	_ =	sdelay $0x3  }
0x92: {  	_ =	strace s17  }
0x93: {  	s2 =	sld [smem:$0x3FFC];
	_ =	sdelay $0x3  }
0x94: {  	_ =	strace s2  }
0x95: {  	s2 =	sld [smem:$0x3FFD];
	_ =	sdelay $0x3  }
0x96: {  	_ =	strace s2  }
0x97: {  	_ =	strace $0x8FFFFFFF  }
0x98: {  	s18 =	sld [smem:$0x3FDB];
	_ =	sdelay $0x1  }
0x99: {  	s19 =	simm.s32 $_scs_section_size  }
0x9a: {  	s4 =	simm.s32 $_size__tile_overlayer_lowered;
	s5 =	simm.s32 $_tile_overlayer_lowered  }
0x9b: {  	s22 =	simm.s32 $0x1BFF;
	s21 =	sshll.u32 s5, $0x1;
	s2 =	sadd.s32 s19, s18  }
0x9c: {  	s6 =	simm.s32 $0x0;
	s20 =	sshll.u32 s4, $0x1;
	s4 =	sadd.s32 s21, s2  }
0x9d: {  	[timem:s6], [sflag:s22] =	dma.local [hbm:s4], s20  }
0x9e: {  	_ =	swait.ge [sflag:s22], s20  }
0x9f: {  	s3 =	ssub.s32 $0x0, s20;
	[sflag:s22] =	ssyncset.done $0x0  }
0xa0: {  	[sflag:s22] =	ssyncadd.s32 s3;
	_ =	sdelay $0x1  }
0xa1: {  	s23 =	simm.s32 $0x1B8B  }
0xa2: {  	_ =	swait.ge [sflag:s23], $0x1  }
0xa3: {  	[sflag:s23] =	ssyncset.done $0x0  }
0xa4: {  	s25 =	simm.s32 $0x1B8E;
	s24 =	sld [smem:$0x3FFE];
	[sflag:s23] =	ssyncadd.s32 $0xFFFFFFFF  }
0xa5: {  	s26 =	simm.s32 $execute0_lowered;
	[smem:$0x3FD2] =	sst s25  }
0xa6: {  	s4 =	sshll.u32 s26, $0x1;
	_ =	strace $0x8000004C;
	[dreg:$0x1] =	wrdreg $0xFFFFFFFF  }
0xa7: {  	s28 =	simm.s32 $_size_execute0_lowered;
	s2 =	sadd.s32 s2, s4;
	[dreg:$0x0] =	wrdreg $0x0  }
0xa8: {  	s4 =	sshll.u32 s28, $0x1;
	[dreg:$0x2] =	wrdreg s2  }
0xa9: {  	[dreg:$0x3] =	wrdreg s4  }
0xaa: {  	[dreg:$0x4] =	wrdreg $0xC0  }
0xab: {  	_ =	task [dreg:s6], $0x5FFFF  }
0xac: {  	[dreg:$0x1] =	wrdreg $0xFFFFFFFF  }
0xad: {  	[dreg:$0x0] =	wrdreg $0x60  }
0xae: {  	[dreg:$0x2] =	wrdreg s24  }
0xaf: {  	[dreg:$0x3] =	wrdreg $0x82000  }
0xb0: {  	[dreg:$0x4] =	wrdreg $0x9  }
0xb1: {  	_ =	task.clear_ibuf [dreg:s6], $0x5FFFF;
	_ =	strace $0x9000004C  }
0xb2: {  	s29 =	simm.s32 $0x9;
	_ =	strace $0x8000004E  }
0xb3: {  	_ =	swait.ge [sflag:s29], $0x1  }
0xb4: {  	[sflag:s29] =	ssyncadd.s32 $0xFFFFFFFF  }
0xb5: {  	_ =	strace $0x9000004E  }
0xb6: {  	_ =	sfence  }
0xb7: {  	s30 =	sld [smem:$0x0];
	_ =	sdelay $0x2  }
0xb8: {  	s31 =	sshll.u32 s1, $0xD;
	s1 =	sshrl.u32 s1, $0x2  }
0xb9: {  	s3 =	sand.u32 $0x4000, s31;
	s1 =	sadd.s32 s1, s30  }
0xba: {  	s0 =	sor.u32 s3, s0;
	s1 =	sshll.u32 s1, $0x11  }
0xbb: {  	s0 =	sor.u32 s1, s0  }
0xbc: {  	s0 =	sadd.s32 $0x8F2B, s0  }
0xbd: {  	[sflag:s0] =	ssyncadd.remote.s32 $0x1  }
0xbe: {  	_ =	sfence.sel $0xFFFF  }
0xbf: {  	[dreg:$0x0] =	wrdreg $0xFFFFFFFF;
	(pc) =	sbr.abs _section_cstart, $3  }
0xc0: {  	[dreg:$0x1] =	wrdreg $0xFFFFFFFF  }
0xc1: {  	_ =	task.clear_ibuf [dreg:s6], $0x2FFFF;
	_ =	strace $0x9FFFFFFF  }
0xc2: {  	(tm) =	ssettm $0x7FFFFFFF  }
0xc3: {  	_ =	shalt  }
tec
execute0_lowered:
.L_overlay_start_1:
0x0: {  	(tag) =	ssettag $0x1  }
0x1: {  	s8 =	rddreg [dreg:$0x0]  }
0x2: {  	s1 =	rddreg [dreg:$0x1];
	s2 =	simm.s32 $0x0  }
0x3: {  	s9 =	srdreg.scid;
	s3 =	stileid.u32;
	s20 =	simm.s32 $0x180  }
0x4: {  	s21 =	simm.s32 $0x3;
	s22 =	simm.s32 $0x200;
	s23 =	simm.s32 $0x4  }
0x5: {  	s24 =	simm.s32 $0x4200;
	s25 =	simm.s32 $0x1;
	s26 =	simm.s32 $0x2  }
0x6: {  	s28 =	simm.s32 $0x0;
	[smem:$0x7FF] =	sst s2;
	s15 =	sadd.s32 $0x1D200, s8  }
0x7: {  	s4 =	sadd.s32 $0x44400, s8;
	s5 =	sadd.s32 $0x10A00, s8;
	s6 =	sadd.s32 $0x6A00, s8  }
0x8: {  	s7 =	sadd.s32 $0x1AA00, s8;
	s12 =	sand.u32 $0x1, s9;
	s30 =	smul.u32 $0x4F000, s3  }
0x9: {  	s14 =	sadd.s32 $0x6B600, s8;
	s16 =	sadd.s32 $0x92E00, s8;
	s8 =	smul.u32 $0xA00, s3  }
0xa: {  	s31 =	sshll.u32 s3, $0x6;
	s19 =	smul.u32 $0x2780, s3;
	s10 =	ssub.s32 $0x2, s12  }
0xb: {  	_ =	strace $0x8000004D;
	p0 =	seq.s32 s12, $0x0;
	s11 =	sshrl.u32 s10, $0x1  }
0xc: {  	s9 =	sshrl.u32 s30, $0x2;
	s13 =	sor.u32 $0x10, s8;
	s16 =	smov.u32 @p0 s14  }
.Ltmp0:
0xd: {  	s4 =	smov.u32 @p0 s15;
	s17 =	ssub.s32 s10, s11;
	(pc) =	sbr.rel .LBB2_1-.Ltmp0, $4  }
0xe: {  	s18 =	sadd.s32 s9, s1;
	s9 =	sor.u32 $0x1C05, s31;
	s10 =	sadd.s32 s5, s8  }
0xf: {  	s11 =	sadd.s32 s6, s8;
	s12 =	sadd.s32 s5, s13;
	s13 =	sadd.s32 s6, s13  }
0x10: {  	s15 =	sadd.s32 s16, s19;
	s19 =	simm.s32 $0x80;
	s14 =	smax.u32 s17, $0x1  }
0x11: {  	s16 =	sshrl.u32 s18, $0x3;
	s17 =	simm.s32 $0x5;
	s18 =	simm.s32 $0x100  }
.LBB2_4:
0x12: {  	_ =	swait.ge [sflag:s26], $0x4000  }
0x13: {  	[sflag:s26] =	ssyncset.done $0x0  }
0x14: {  	[sflag:s26] =	ssyncadd.s32 $0xFFFFC000  }
0x15: {  	[spmem:s1] =	stream.indirect.scatter.add.f32 [tilespmem:s24], [sflag:$0x5], $0x80, s20, s19, $0xb8;
	[tilespmem:$0x1BE00] =	vst v63  }
0x16: {  	_ =	swait.ge [sflag:s17], $0x4000  }
0x17: {  	s28 =	sadd.s32 $0x1, s28;
	[sflag:s17] =	ssyncset.done $0x0  }
0x18: {  	p0 =	sne.s32 s28, s14;
	[sflag:s17] =	ssyncadd.s32 $0xFFFFC000  }
.Ltmp1:
0x19: {  	[bflag:$0x0] =	sbarrier.arrive $0xFFFF;
	(pc) =	sbr.rel @!p0 .LBB2_5-.Ltmp1, $4  }
0x1a: {  	[hbm:s15], [sflag:s9] =	dma.local [spmem:s16], $0x2780  }
0x1b: {  	_ =	swait.ge [sflag:s17], $0x2780  }
0x1c: {  	[sflag:s17] =	ssyncset.done $0x0  }
0x1d: {  	[sflag:s17] =	ssyncadd.s32 $0xFFFFD880  }
.LBB2_1:
0x1e: {  	[spmem:s16], [sflag:s9] =	dma.local [hbm:s7], $0x2780  }
0x1f: {  	_ =	swait.ge [sflag:s17], $0x2780  }
0x20: {  	[sflag:s17] =	ssyncset.done $0x0  }
0x21: {  	[sflag:s17] =	ssyncadd.s32 $0xFFFFD880  }
0x22: {  	[bflag:$0x0] =	sbarrier.arrive $0xFFFF  }
0x23: {  	[tilespmem:s2], [sflag:$0x3] =	stream.linear.gather [hbm4b:s10+s2], $0x80, $0x38;
	[tilespmem:$0x1BE00] =	vst v63  }
0x24: {  	_ = 	snop  }
0x25: {  	[tilespmem:s18], [sflag:$0x3] =	stream.linear.gather [hbm4b:s11+s2], $0x80, $0x38;
	[tilespmem:$0x1BE00] =	vst v63  }
0x26: {  	_ = 	snop  }
0x27: {  	[tilespmem:s19], [sflag:$0x4] =	stream.linear.gather [hbm4b:s12+s2], $0x80, $0x38;
	[tilespmem:$0x1BE00] =	vst v63  }
0x28: {  	_ = 	snop  }
0x29: {  	[tilespmem:s20], [sflag:$0x4] =	stream.linear.gather [hbm4b:s13+s2], $0x80, $0x38;
	[tilespmem:$0x1BE00] =	vst v63  }
0x2a: {  	_ =	swait.ge [sflag:s21], $0x80  }
0x2b: {  	[sflag:s21] =	ssyncset.done $0x0  }
0x2c: {  	[sflag:s21] =	ssyncadd.s32 $0xFFFFFF80  }
0x2d: {  	_ =	swait.ge [sflag:s21], $0x80  }
0x2e: {  	[sflag:s21] =	ssyncset.done $0x0  }
0x2f: {  	s29 =	simm.s32 $0xFFFFF620;
	[sflag:s21] =	ssyncadd.s32 $0xFFFFFF80  }
0x30: {  	[tilespmem:s22], [sflag:$0x1] =	stream.indirect.gather [hbm4b:s4+s19], $0x80, s2, s19, $0xb8;
	[tilespmem:$0x1BE00] =	vst v63  }
.LBB2_2:
0x31: {  	_ =	swait.ge [sflag:s23], $0x80  }
0x32: {  	[sflag:s23] =	ssyncset.done $0x0  }
0x33: {  	[sflag:s23] =	ssyncadd.s32 $0xFFFFFF80  }
0x34: {  	_ =	swait.ge [sflag:s23], $0x80  }
0x35: {  	[sflag:s23] =	ssyncset.done $0x0  }
0x36: {  	[sflag:s23] =	ssyncadd.s32 $0xFFFFFF80  }
0x37: {  	[tilespmem:s24], [sflag:$0x2] =	stream.indirect.gather [hbm4b:s4+s19], $0x80, s19, s19, $0xb8;
	[tilespmem:$0x1BE00] =	vst v63  }
0x38: {  	_ =	swait.ge [sflag:s25], $0x4000  }
0x39: {  	p0 =	seq.s32 s29, $0x0;
	[sflag:s25] =	ssyncset.done $0x0  }
.Ltmp2:
0x3a: {  	[sflag:s25] =	ssyncadd.s32 $0xFFFFC000;
	(pc) =	sbr.rel @p0 .LBB2_4-.Ltmp2, $4  }
0x3b: {  	[spmem:s1] =	stream.indirect.scatter.add.f32 [tilespmem:s22], [sflag:$0x5], $0x80, s18, s19, $0xb8;
	[tilespmem:$0x1BE00] =	vst v63  }
0x3c: {  	_ =	swait.ge [sflag:s17], $0x4000  }
0x3d: {  	[sflag:s17] =	ssyncset.done $0x0  }
0x3e: {  	[sflag:s17] =	ssyncadd.s32 $0xFFFFC000  }
0x3f: {  	s30 =	sadd.s32 s29, s8  }
0x40: {  	s0 =	sadd.s32 $0xA00, s29;
	s31 =	sadd.s32 $0xA00, s30  }
0x41: {  	s0 =	sand.u32 $0x60, s0;
	s31 =	sand.u32 $0x1FF80, s31  }
0x42: {  	s0 =	sor.u32 s0, s31  }
0x43: {  	s31 =	sadd.s32 s5, s0  }
0x44: {  	[tilespmem:s2], [sflag:$0x3] =	stream.linear.gather [hbm4b:s31+s2], $0x80, $0x38;
	[tilespmem:$0x1BE00] =	vst v63  }
0x45: {  	s0 =	sadd.s32 s6, s0  }
0x46: {  	[tilespmem:s18], [sflag:$0x3] =	stream.linear.gather [hbm4b:s0+s2], $0x80, $0x38;
	[tilespmem:$0x1BE00] =	vst v63  }
0x47: {  	_ =	swait.ge [sflag:s21], $0x80  }
0x48: {  	[sflag:s21] =	ssyncset.done $0x0  }
0x49: {  	[sflag:s21] =	ssyncadd.s32 $0xFFFFFF80  }
0x4a: {  	_ =	swait.ge [sflag:s21], $0x80  }
0x4b: {  	[sflag:s21] =	ssyncset.done $0x0  }
0x4c: {  	[sflag:s21] =	ssyncadd.s32 $0xFFFFFF80  }
0x4d: {  	[tilespmem:s22], [sflag:$0x1] =	stream.indirect.gather [hbm4b:s4+s19], $0x80, s2, s19, $0xb8;
	[tilespmem:$0x1BE00] =	vst v63  }
0x4e: {  	_ =	swait.ge [sflag:s26], $0x4000  }
0x4f: {  	[sflag:s26] =	ssyncset.done $0x0  }
0x50: {  	s31 =	sadd.s32 $0xA10, s29;
	s0 =	sadd.s32 $0xA10, s30;
	[sflag:s26] =	ssyncadd.s32 $0xFFFFC000  }
0x51: {  	[spmem:s1] =	stream.indirect.scatter.add.f32 [tilespmem:s24], [sflag:$0x5], $0x80, s20, s19, $0xb8;
	[tilespmem:$0x1BE00] =	vst v63  }
0x52: {  	s30 =	sand.u32 $0x70, s31;
	s0 =	sand.u32 $0x1FF80, s0;
	_ =	swait.ge [sflag:s17], $0x4000  }
.Ltmp3:
0x53: {  	s0 =	sor.u32 s30, s0;
	[sflag:s17] =	ssyncset.done $0x0;
	(pc) =	sbr.rel .LBB2_2-.Ltmp3, $4  }
0x54: {  	s30 =	sadd.s32 s5, s0;
	[sflag:s17] =	ssyncadd.s32 $0xFFFFC000  }
0x55: {  	[tilespmem:s19], [sflag:$0x4] =	stream.linear.gather [hbm4b:s30+s2], $0x80, $0x38;
	[tilespmem:$0x1BE00] =	vst v63  }
0x56: {  	s29 =	sadd.s32 $0x20, s29;
	s0 =	sadd.s32 s6, s0  }
0x57: {  	[tilespmem:s20], [sflag:$0x4] =	stream.linear.gather [hbm4b:s0+s2], $0x80, $0x38;
	[tilespmem:$0x1BE00] =	vst v63  }
.LBB2_5:
0x58: {  	_ =	sfence.sel $0x180000  }
0x59: {  	[bflag:$0x0] =	sbarrier.arrive $0xFFFF  }
0x5a: {  	_ =	strace $0x9000004D  }
0x5b: {  	[bflag:$0x2] =	sbarrier.arrive $0xFFFF  }
0x5c: {  	p0 =	sne.s32 s3, $0x0;
	s0 =	rddreg [dreg:$0x2]  }
0x5d: {  	s0 =	sadd.s32 @!p0 $0x100000, s0  }
0x5e: {  	[sflag:s0] =	ssyncadd.tile.s32 @!p0 $0x1;
	_ =	shalt  }
.Lfunc_end2:
_tile_overlayer_lowered:
.L_overlay_start_2:
0x5f: {  	(tag) =	ssettag $0x2  }
0x60: {  	s0 =	rddreg [dreg:$0x0];
	s2 =	stileid.u32  }
0x61: {  	s1 =	rddreg [dreg:$0x1];
	p0 =	sne.s32 s2, $0x0  }
0x62: {  	s3 =	rddreg [dreg:$0x2];
	[bflag:$0x3] =	sbarrier.arrive $0xFFFF;
	s2 =	simm.s32 @!p0 $0x1C05  }
0x63: {  	[timem:s3], [sflag:s2] =	dma.local @!p0 [hbm:s0], s1  }
0x64: {  	s0 =	simm.s32 @!p0 $0x5  }
0x65: {  	_ =	swait.ge @!p0 [sflag:s0], s1  }
0x66: {  	s1 =	ssub.s32 @!p0 $0x0, s1;
	[sflag:s0] =	ssyncset.done @!p0 $0x0  }
0x67: {  	[sflag:s0] =	ssyncadd.s32 @!p0 s1  }
0x68: {  	[bflag:$0x3] =	sbarrier.arrive $0xFFFF  }
0x69: {  	_ =	shalt  }

// kernel: kernel.20.cloned.1.call-start
scs
__scs_entry_jumppad:
0x0: {  	(pc) =	sbr.rel $0x88, $3  }
0x1: {  	(tag) =	ssettag $0x0;
	lr =	simm.s32 $0x1  }
0x2: {  	[smem:$0x3F8B] =	sst lr;
	_ =	strace $0xD0000000  }
0x3: {  	_ = 	snop  }
0x4: {  	_ = 	snop  }
0x5: {  	_ = 	snop  }
0x6: {  	_ = 	snop  }
0x7: {  	_ = 	snop  }
__scs_overlays_trampoline_lowered:
0x8: {  	[smem:$0x3F9A] =	sst s0  }
0x9: {  	[smem:$0x3F9B] =	sst s1  }
0xa: {  	[smem:$0x3F9C] =	sst s2  }
0xb: {  	[smem:$0x3F9D] =	sst s3  }
0xc: {  	[smem:$0x3F9E] =	sst s4  }
0xd: {  	[smem:$0x3F9F] =	sst s5  }
0xe: {  	[smem:$0x3FA0] =	sst s6  }
0xf: {  	[smem:$0x3FA1] =	sst s7  }
0x10: {  	[smem:$0x3FA2] =	sst s8  }
0x11: {  	[smem:$0x3FA3] =	sst s9;
	s0 =	simm.s32 @!p0 $0x0  }
0x12: {  	s1 =	sld [smem:$0x3F89];
	s0 =	simm.s32 @p0 $0x1  }
0x13: {  	[smem:$0x3FA4] =	sst s0;
	s0 =	simm.s32 @!p1 $0x0  }
0x14: {  	s2 =	sld [smem:$0x3F88];
	s0 =	simm.s32 @p1 $0x1  }
0x15: {  	[smem:$0x3FA5] =	sst s0;
	s0 =	simm.s32 @!p2 $0x0  }
0x16: {  	s3 =	sld [smem:$0x3FDB];
	s0 =	simm.s32 @p2 $0x1  }
0x17: {  	s4 =	simm.s32 $0x1BF5;
	[smem:$0x3FA7] =	sst s0  }
0x18: {  	s0 =	sld [smem:$0x3F8A];
	_ =	swait.ge [sflag:s4], $0x0  }
0x19: {  	s7 =	sld [smem:$0x3F8B]  }
0x1a: {  	s8 =	sadd.s32 $0xFFFFE003, lr  }
0x1b: {  	s9 =	sadd.s32 $0xFFFFFEF7, lr;
	s5 =	simm.s32 $0xFFFFFFFF;
	p2 =	slt.u32 s8, $0xFFFFF086  }
0x1c: {  	p1 =	slt.u32 s9, $0xF7A;
	s5 =	simm.s32 @!p2 $0x0  }
0x1d: {  	s5 =	simm.s32 @p1 $0x1;
	p0 =	seq.s32 s7, s2  }
0x1e: {  	s7 =	smul.u32 @!p0 $0xF7A, s2;
	p2 =	seq.s32 @!p0 s5, $0x0  }
0x1f: {  	s9 =	smul.u32 $0xF7A, s1;
	s8 =	simm.s32 @!p0 $0x1BF5;
	p2 =	por !p2, p0  }
0x20: {  	[sflag:s8] =	ssyncset.s32 @!p0 $0xFFFFF086;
	s6 =	sadd.s32 @!p0 s3, s7;
	s7 =	simm.s32 @!p0 $0x108  }
0x21: {  	s3 =	sadd.s32 s3, s9;
	s6 =	sadd.s32 @!p0 $0x88, s6;
	s7 =	simm.s32 @p2 $0x1082  }
0x22: {  	[simem:s7], [sflag:s8] =	dma.local @!p0 [hbm:s6], $0xF7A  }
0x23: {  	s9 =	sor.u32 $0xD0000000, s2;
	s6 =	simm.s32 $0x108;
	_ =	swait.ge @!p0 [sflag:s8], $0x0  }
0x24: {  	s3 =	sadd.s32 $0x88, s3;
	s6 =	simm.s32 @!p1 $0x1082;
	[sflag:s4] =	ssyncset.s32 $0xFFFFF086  }
0x25: {  	[simem:s6], [sflag:s4] =	dma.local [hbm:s3], $0xF7A  }
0x26: {  	[smem:$0x3F8B] =	sst s1;
	(tag) =	ssettag s2;
	_ =	strace s9  }
0x27: {  	s1 =	sld [smem:$0x3F9B]  }
0x28: {  	s2 =	sld [smem:$0x3F9C]  }
0x29: {  	s4 =	sld [smem:$0x3F9E]  }
0x2a: {  	p0 =	seq.s32 s5, $0x0;
	s5 =	sld [smem:$0x3F9F]  }
0x2b: {  	s6 =	sld [smem:$0x3FA0]  }
0x2c: {  	s7 =	sld [smem:$0x3FA1]  }
0x2d: {  	s3 =	simm.s32 $0x108;
	s8 =	sld [smem:$0x3FA2]  }
0x2e: {  	s3 =	simm.s32 @!p0 $0x1082;
	s9 =	sld [smem:$0x3FA3]  }
0x2f: {  	lr =	sadd.s32 s0, s3;
	s0 =	sld [smem:$0x3F9A]  }
0x30: {  	s3 =	sld [smem:$0x3F9D]  }
0x31: {  	[smem:$0x3FA6] =	sst s10  }
0x32: {  	s10 =	sld [smem:$0x3FA4];
	_ =	sdelay $0x3  }
0x33: {  	p0 =	seq.s32 s10, $0x1;
	s10 =	sld [smem:$0x3FA6];
	_ =	sdelay $0x3  }
0x34: {  	[smem:$0x3FA6] =	sst s10  }
0x35: {  	s10 =	sld [smem:$0x3FA5];
	_ =	sdelay $0x3  }
0x36: {  	p1 =	seq.s32 s10, $0x1;
	s10 =	sld [smem:$0x3FA6];
	_ =	sdelay $0x3  }
0x37: {  	[smem:$0x3FA6] =	sst s10  }
0x38: {  	s10 =	sld [smem:$0x3FA7]  }
0x39: {  	_ = 	snop;
	(pc) =	sbr.ind lr, $3  }
0x3a: {  	_ = 	snop  }
0x3b: {  	_ = 	snop  }
0x3c: {  	p2 =	seq.s32 s10, $0x1;
	s10 =	sld [smem:$0x3FA6]  }
0x3d: {  	_ =	shalt  }
0x3e: {  	_ =	shalt  }
0x3f: {  	_ =	shalt  }
0x40: {  	_ =	shalt  }
0x41: {  	_ =	shalt  }
0x42: {  	_ =	shalt  }
0x43: {  	_ =	shalt  }
0x44: {  	_ =	shalt  }
0x45: {  	_ =	shalt  }
0x46: {  	_ =	shalt  }
0x47: {  	_ =	shalt  }
0x48: {  	_ =	shalt  }
0x49: {  	_ =	shalt  }
0x4a: {  	_ =	shalt  }
0x4b: {  	_ =	shalt  }
0x4c: {  	_ =	shalt  }
0x4d: {  	_ =	shalt  }
0x4e: {  	_ =	shalt  }
0x4f: {  	_ =	shalt  }
0x50: {  	_ =	shalt  }
0x51: {  	_ =	shalt  }
0x52: {  	_ =	shalt  }
0x53: {  	_ =	shalt  }
0x54: {  	_ =	shalt  }
0x55: {  	_ =	shalt  }
0x56: {  	_ =	shalt  }
0x57: {  	_ =	shalt  }
0x58: {  	_ =	shalt  }
0x59: {  	_ =	shalt  }
0x5a: {  	_ =	shalt  }
0x5b: {  	_ =	shalt  }
0x5c: {  	_ =	shalt  }
0x5d: {  	_ =	shalt  }
0x5e: {  	_ =	shalt  }
0x5f: {  	_ =	shalt  }
0x60: {  	_ =	shalt  }
0x61: {  	_ =	shalt  }
0x62: {  	_ =	shalt  }
0x63: {  	_ =	shalt  }
0x64: {  	_ =	shalt  }
0x65: {  	_ =	shalt  }
0x66: {  	_ =	shalt  }
0x67: {  	_ =	shalt  }
0x68: {  	_ =	shalt  }
0x69: {  	_ =	shalt  }
0x6a: {  	_ =	shalt  }
0x6b: {  	_ =	shalt  }
0x6c: {  	_ =	shalt  }
0x6d: {  	_ =	shalt  }
0x6e: {  	_ =	shalt  }
0x6f: {  	_ =	shalt  }
0x70: {  	_ =	shalt  }
0x71: {  	_ =	shalt  }
0x72: {  	_ =	shalt  }
0x73: {  	_ =	shalt  }
0x74: {  	_ =	shalt  }
0x75: {  	_ =	shalt  }
0x76: {  	_ =	shalt  }
0x77: {  	_ =	shalt  }
0x78: {  	_ =	shalt  }
0x79: {  	_ =	shalt  }
0x7a: {  	_ =	shalt  }
0x7b: {  	_ =	shalt  }
0x7c: {  	_ =	shalt  }
0x7d: {  	_ =	shalt  }
0x7e: {  	_ =	shalt  }
0x7f: {  	_ =	shalt  }
0x80: {  	_ =	shalt  }
0x81: {  	_ =	shalt  }
0x82: {  	_ =	shalt  }
0x83: {  	_ =	shalt  }
0x84: {  	_ =	shalt  }
0x85: {  	_ =	shalt  }
0x86: {  	_ =	shalt  }
0x87: {  	_ =	shalt  }
.Lfunc_end0:
.L_simem_size_0:
called_computation.3_lowered:
.L_overlay_start_0:
0x88: {  	s2 =	sld [smem:$0x3FD9]  }
0x89: {  	s3 =	sld [smem:$0x3FFE];
	_ =	sdelay $0x1  }
0x8a: {  	s1 =	srdreg.scid  }
0x8b: {  	s0 =	sand.u32 $0x1, s1  }
0x8c: {  	s16 =	sshll.u32 s0, $0xA;
	s2 =	sadd.s32 s3, s2  }
0x8d: {  	s2 =	sadd.s32 s2, s16  }
0x8e: {  	[smem:$0x3FB2] =	sst s2  }
0x8f: {  	_ = 	snop  }
0x90: {  	(tm) =	ssettm $0x1  }
0x91: {  	s17 =	sld [smem:$0x3FFB];
	_ =	sdelay $0x3  }
0x92: {  	_ =	strace s17  }
0x93: {  	s2 =	sld [smem:$0x3FFC];
	_ =	sdelay $0x3  }
0x94: {  	_ =	strace s2  }
0x95: {  	s2 =	sld [smem:$0x3FFD];
	_ =	sdelay $0x3  }
0x96: {  	_ =	strace s2  }
0x97: {  	_ =	strace $0x8FFFFFFF  }
0x98: {  	s18 =	sld [smem:$0x3FDB];
	_ =	sdelay $0x1  }
0x99: {  	s19 =	simm.s32 $_scs_section_size  }
0x9a: {  	s4 =	simm.s32 $_size__tile_overlayer_lowered;
	s5 =	simm.s32 $_tile_overlayer_lowered  }
0x9b: {  	s22 =	simm.s32 $0x1BFF;
	s21 =	sshll.u32 s5, $0x1;
	s2 =	sadd.s32 s19, s18  }
0x9c: {  	s6 =	simm.s32 $0x0;
	s20 =	sshll.u32 s4, $0x1;
	s4 =	sadd.s32 s21, s2  }
0x9d: {  	[timem:s6], [sflag:s22] =	dma.local [hbm:s4], s20  }
0x9e: {  	_ =	swait.ge [sflag:s22], s20  }
0x9f: {  	s3 =	ssub.s32 $0x0, s20;
	[sflag:s22] =	ssyncset.done $0x0  }
0xa0: {  	[sflag:s22] =	ssyncadd.s32 s3;
	_ =	sdelay $0x1  }
0xa1: {  	s23 =	simm.s32 $0x1B8B  }
0xa2: {  	_ =	swait.ge [sflag:s23], $0x1  }
0xa3: {  	[sflag:s23] =	ssyncset.done $0x0  }
0xa4: {  	s25 =	simm.s32 $0x1B8E;
	s24 =	sld [smem:$0x3FFE];
	[sflag:s23] =	ssyncadd.s32 $0xFFFFFFFF  }
0xa5: {  	s26 =	simm.s32 $execute0_lowered;
	[smem:$0x3FD2] =	sst s25  }
0xa6: {  	s4 =	sshll.u32 s26, $0x1;
	_ =	strace $0x8000004F;
	[dreg:$0x1] =	wrdreg $0xFFFFFFFF  }
0xa7: {  	s28 =	simm.s32 $_size_execute0_lowered;
	s2 =	sadd.s32 s2, s4;
	[dreg:$0x0] =	wrdreg $0x0  }
0xa8: {  	s4 =	sshll.u32 s28, $0x1;
	[dreg:$0x2] =	wrdreg s2  }
0xa9: {  	[dreg:$0x3] =	wrdreg s4  }
0xaa: {  	[dreg:$0x4] =	wrdreg $0xC0  }
0xab: {  	_ =	task [dreg:s6], $0x5FFFF  }
0xac: {  	[dreg:$0x1] =	wrdreg $0xFFFFFFFF  }
0xad: {  	[dreg:$0x0] =	wrdreg $0x60  }
0xae: {  	[dreg:$0x2] =	wrdreg s24  }
0xaf: {  	[dreg:$0x3] =	wrdreg $0x82000  }
0xb0: {  	[dreg:$0x4] =	wrdreg $0x9  }
0xb1: {  	_ =	task.clear_ibuf [dreg:s6], $0x5FFFF;
	_ =	strace $0x9000004F  }
0xb2: {  	s29 =	simm.s32 $0x9;
	_ =	strace $0x80000051  }
0xb3: {  	_ =	swait.ge [sflag:s29], $0x1  }
0xb4: {  	[sflag:s29] =	ssyncadd.s32 $0xFFFFFFFF  }
0xb5: {  	_ =	strace $0x90000051  }
0xb6: {  	_ =	sfence  }
0xb7: {  	s30 =	sld [smem:$0x0];
	_ =	sdelay $0x2  }
0xb8: {  	s31 =	sshll.u32 s1, $0xD;
	s1 =	sshrl.u32 s1, $0x2  }
0xb9: {  	s3 =	sand.u32 $0x4000, s31;
	s1 =	sadd.s32 s1, s30  }
0xba: {  	s0 =	sor.u32 s3, s0;
	s1 =	sshll.u32 s1, $0x11  }
0xbb: {  	s0 =	sor.u32 s1, s0  }
0xbc: {  	s0 =	sadd.s32 $0x8F2B, s0  }
0xbd: {  	[sflag:s0] =	ssyncadd.remote.s32 $0x1  }
0xbe: {  	_ =	sfence.sel $0xFFFF  }
0xbf: {  	[dreg:$0x0] =	wrdreg $0xFFFFFFFF;
	(pc) =	sbr.abs _section_cstart, $3  }
0xc0: {  	[dreg:$0x1] =	wrdreg $0xFFFFFFFF  }
0xc1: {  	_ =	task.clear_ibuf [dreg:s6], $0x2FFFF;
	_ =	strace $0x9FFFFFFF  }
0xc2: {  	(tm) =	ssettm $0x7FFFFFFF  }
0xc3: {  	_ =	shalt  }
tec
execute0_lowered:
.L_overlay_start_1:
0x0: {  	(tag) =	ssettag $0x1  }
0x1: {  	s8 =	rddreg [dreg:$0x0]  }
0x2: {  	s1 =	rddreg [dreg:$0x1];
	s2 =	simm.s32 $0x0  }
0x3: {  	s9 =	srdreg.scid;
	s3 =	stileid.u32;
	s20 =	simm.s32 $0x180  }
0x4: {  	s21 =	simm.s32 $0x3;
	s22 =	simm.s32 $0x200;
	s23 =	simm.s32 $0x4  }
0x5: {  	s24 =	simm.s32 $0x4200;
	s25 =	simm.s32 $0x1;
	s26 =	simm.s32 $0x2  }
0x6: {  	s28 =	simm.s32 $0x0;
	[smem:$0x7FF] =	sst s2;
	s15 =	sadd.s32 $0x1D200, s8  }
0x7: {  	s4 =	sadd.s32 $0x44400, s8;
	s5 =	sadd.s32 $0x10A00, s8;
	s6 =	sadd.s32 $0x6A00, s8  }
0x8: {  	s7 =	sadd.s32 $0x1AA00, s8;
	s12 =	sand.u32 $0x1, s9;
	s30 =	smul.u32 $0x4F000, s3  }
0x9: {  	s14 =	sadd.s32 $0x6B600, s8;
	s16 =	sadd.s32 $0x92E00, s8;
	s8 =	smul.u32 $0xA00, s3  }
0xa: {  	s31 =	sshll.u32 s3, $0x6;
	s19 =	smul.u32 $0x2780, s3;
	s10 =	ssub.s32 $0x2, s12  }
0xb: {  	_ =	strace $0x80000050;
	p0 =	seq.s32 s12, $0x0;
	s11 =	sshrl.u32 s10, $0x1  }
0xc: {  	s9 =	sshrl.u32 s30, $0x2;
	s13 =	sor.u32 $0x10, s8;
	s16 =	smov.u32 @p0 s14  }
.Ltmp0:
0xd: {  	s4 =	smov.u32 @p0 s15;
	s17 =	ssub.s32 s10, s11;
	(pc) =	sbr.rel .LBB2_1-.Ltmp0, $4  }
0xe: {  	s18 =	sadd.s32 s9, s1;
	s9 =	sor.u32 $0x1C05, s31;
	s10 =	sadd.s32 s5, s8  }
0xf: {  	s11 =	sadd.s32 s6, s8;
	s12 =	sadd.s32 s5, s13;
	s13 =	sadd.s32 s6, s13  }
0x10: {  	s15 =	sadd.s32 s16, s19;
	s19 =	simm.s32 $0x80;
	s14 =	smax.u32 s17, $0x1  }
0x11: {  	s16 =	sshrl.u32 s18, $0x3;
	s17 =	simm.s32 $0x5;
	s18 =	simm.s32 $0x100  }
.LBB2_4:
0x12: {  	_ =	swait.ge [sflag:s26], $0x4000  }
0x13: {  	[sflag:s26] =	ssyncset.done $0x0  }
0x14: {  	[sflag:s26] =	ssyncadd.s32 $0xFFFFC000  }
0x15: {  	[spmem:s1] =	stream.indirect.scatter.add.f32 [tilespmem:s24], [sflag:$0x5], $0x80, s20, s19, $0xb8;
	[tilespmem:$0x1BE00] =	vst v63  }
0x16: {  	_ =	swait.ge [sflag:s17], $0x4000  }
0x17: {  	s28 =	sadd.s32 $0x1, s28;
	[sflag:s17] =	ssyncset.done $0x0  }
0x18: {  	p0 =	sne.s32 s28, s14;
	[sflag:s17] =	ssyncadd.s32 $0xFFFFC000  }
.Ltmp1:
0x19: {  	[bflag:$0x0] =	sbarrier.arrive $0xFFFF;
	(pc) =	sbr.rel @!p0 .LBB2_5-.Ltmp1, $4  }
0x1a: {  	[hbm:s15], [sflag:s9] =	dma.local [spmem:s16], $0x2780  }
0x1b: {  	_ =	swait.ge [sflag:s17], $0x2780  }
0x1c: {  	[sflag:s17] =	ssyncset.done $0x0  }
0x1d: {  	[sflag:s17] =	ssyncadd.s32 $0xFFFFD880  }
.LBB2_1:
0x1e: {  	[spmem:s16], [sflag:s9] =	dma.local [hbm:s7], $0x2780  }
0x1f: {  	_ =	swait.ge [sflag:s17], $0x2780  }
0x20: {  	[sflag:s17] =	ssyncset.done $0x0  }
0x21: {  	[sflag:s17] =	ssyncadd.s32 $0xFFFFD880  }
0x22: {  	[bflag:$0x0] =	sbarrier.arrive $0xFFFF  }
0x23: {  	[tilespmem:s2], [sflag:$0x3] =	stream.linear.gather [hbm4b:s10+s2], $0x80, $0x38;
	[tilespmem:$0x1BE00] =	vst v63  }
0x24: {  	_ = 	snop  }
0x25: {  	[tilespmem:s18], [sflag:$0x3] =	stream.linear.gather [hbm4b:s11+s2], $0x80, $0x38;
	[tilespmem:$0x1BE00] =	vst v63  }
0x26: {  	_ = 	snop  }
0x27: {  	[tilespmem:s19], [sflag:$0x4] =	stream.linear.gather [hbm4b:s12+s2], $0x80, $0x38;
	[tilespmem:$0x1BE00] =	vst v63  }
0x28: {  	_ = 	snop  }
0x29: {  	[tilespmem:s20], [sflag:$0x4] =	stream.linear.gather [hbm4b:s13+s2], $0x80, $0x38;
	[tilespmem:$0x1BE00] =	vst v63  }
0x2a: {  	_ =	swait.ge [sflag:s21], $0x80  }
0x2b: {  	[sflag:s21] =	ssyncset.done $0x0  }
0x2c: {  	[sflag:s21] =	ssyncadd.s32 $0xFFFFFF80  }
0x2d: {  	_ =	swait.ge [sflag:s21], $0x80  }
0x2e: {  	[sflag:s21] =	ssyncset.done $0x0  }
0x2f: {  	s29 =	simm.s32 $0xFFFFF620;
	[sflag:s21] =	ssyncadd.s32 $0xFFFFFF80  }
0x30: {  	[tilespmem:s22], [sflag:$0x1] =	stream.indirect.gather [hbm4b:s4+s19], $0x80, s2, s19, $0xb8;
	[tilespmem:$0x1BE00] =	vst v63  }
.LBB2_2:
0x31: {  	_ =	swait.ge [sflag:s23], $0x80  }
0x32: {  	[sflag:s23] =	ssyncset.done $0x0  }
0x33: {  	[sflag:s23] =	ssyncadd.s32 $0xFFFFFF80  }
0x34: {  	_ =	swait.ge [sflag:s23], $0x80  }
0x35: {  	[sflag:s23] =	ssyncset.done $0x0  }
0x36: {  	[sflag:s23] =	ssyncadd.s32 $0xFFFFFF80  }
0x37: {  	[tilespmem:s24], [sflag:$0x2] =	stream.indirect.gather [hbm4b:s4+s19], $0x80, s19, s19, $0xb8;
	[tilespmem:$0x1BE00] =	vst v63  }
0x38: {  	_ =	swait.ge [sflag:s25], $0x4000  }
0x39: {  	p0 =	seq.s32 s29, $0x0;
	[sflag:s25] =	ssyncset.done $0x0  }
.Ltmp2:
0x3a: {  	[sflag:s25] =	ssyncadd.s32 $0xFFFFC000;
	(pc) =	sbr.rel @p0 .LBB2_4-.Ltmp2, $4  }
0x3b: {  	[spmem:s1] =	stream.indirect.scatter.add.f32 [tilespmem:s22], [sflag:$0x5], $0x80, s18, s19, $0xb8;
	[tilespmem:$0x1BE00] =	vst v63  }
0x3c: {  	_ =	swait.ge [sflag:s17], $0x4000  }
0x3d: {  	[sflag:s17] =	ssyncset.done $0x0  }
0x3e: {  	[sflag:s17] =	ssyncadd.s32 $0xFFFFC000  }
0x3f: {  	s30 =	sadd.s32 s29, s8  }
0x40: {  	s0 =	sadd.s32 $0xA00, s29;
	s31 =	sadd.s32 $0xA00, s30  }
0x41: {  	s0 =	sand.u32 $0x60, s0;
	s31 =	sand.u32 $0x1FF80, s31  }
0x42: {  	s0 =	sor.u32 s0, s31  }
0x43: {  	s31 =	sadd.s32 s5, s0  }
0x44: {  	[tilespmem:s2], [sflag:$0x3] =	stream.linear.gather [hbm4b:s31+s2], $0x80, $0x38;
	[tilespmem:$0x1BE00] =	vst v63  }
0x45: {  	s0 =	sadd.s32 s6, s0  }
0x46: {  	[tilespmem:s18], [sflag:$0x3] =	stream.linear.gather [hbm4b:s0+s2], $0x80, $0x38;
	[tilespmem:$0x1BE00] =	vst v63  }
0x47: {  	_ =	swait.ge [sflag:s21], $0x80  }
0x48: {  	[sflag:s21] =	ssyncset.done $0x0  }
0x49: {  	[sflag:s21] =	ssyncadd.s32 $0xFFFFFF80  }
0x4a: {  	_ =	swait.ge [sflag:s21], $0x80  }
0x4b: {  	[sflag:s21] =	ssyncset.done $0x0  }
0x4c: {  	[sflag:s21] =	ssyncadd.s32 $0xFFFFFF80  }
0x4d: {  	[tilespmem:s22], [sflag:$0x1] =	stream.indirect.gather [hbm4b:s4+s19], $0x80, s2, s19, $0xb8;
	[tilespmem:$0x1BE00] =	vst v63  }
0x4e: {  	_ =	swait.ge [sflag:s26], $0x4000  }
0x4f: {  	[sflag:s26] =	ssyncset.done $0x0  }
0x50: {  	s31 =	sadd.s32 $0xA10, s29;
	s0 =	sadd.s32 $0xA10, s30;
	[sflag:s26] =	ssyncadd.s32 $0xFFFFC000  }
0x51: {  	[spmem:s1] =	stream.indirect.scatter.add.f32 [tilespmem:s24], [sflag:$0x5], $0x80, s20, s19, $0xb8;
	[tilespmem:$0x1BE00] =	vst v63  }
0x52: {  	s30 =	sand.u32 $0x70, s31;
	s0 =	sand.u32 $0x1FF80, s0;
	_ =	swait.ge [sflag:s17], $0x4000  }
.Ltmp3:
0x53: {  	s0 =	sor.u32 s30, s0;
	[sflag:s17] =	ssyncset.done $0x0;
	(pc) =	sbr.rel .LBB2_2-.Ltmp3, $4  }
0x54: {  	s30 =	sadd.s32 s5, s0;
	[sflag:s17] =	ssyncadd.s32 $0xFFFFC000  }
0x55: {  	[tilespmem:s19], [sflag:$0x4] =	stream.linear.gather [hbm4b:s30+s2], $0x80, $0x38;
	[tilespmem:$0x1BE00] =	vst v63  }
0x56: {  	s29 =	sadd.s32 $0x20, s29;
	s0 =	sadd.s32 s6, s0  }
0x57: {  	[tilespmem:s20], [sflag:$0x4] =	stream.linear.gather [hbm4b:s0+s2], $0x80, $0x38;
	[tilespmem:$0x1BE00] =	vst v63  }
.LBB2_5:
0x58: {  	_ =	sfence.sel $0x180000  }
0x59: {  	[bflag:$0x0] =	sbarrier.arrive $0xFFFF  }
0x5a: {  	_ =	strace $0x90000050  }
0x5b: {  	[bflag:$0x2] =	sbarrier.arrive $0xFFFF  }
0x5c: {  	p0 =	sne.s32 s3, $0x0;
	s0 =	rddreg [dreg:$0x2]  }
0x5d: {  	s0 =	sadd.s32 @!p0 $0x100000, s0  }
0x5e: {  	[sflag:s0] =	ssyncadd.tile.s32 @!p0 $0x1;
	_ =	shalt  }
.Lfunc_end2:
_tile_overlayer_lowered:
.L_overlay_start_2:
0x5f: {  	(tag) =	ssettag $0x2  }
0x60: {  	s0 =	rddreg [dreg:$0x0];
	s2 =	stileid.u32  }
0x61: {  	s1 =	rddreg [dreg:$0x1];
	p0 =	sne.s32 s2, $0x0  }
0x62: {  	s3 =	rddreg [dreg:$0x2];
	[bflag:$0x3] =	sbarrier.arrive $0xFFFF;
	s2 =	simm.s32 @!p0 $0x1C05  }
0x63: {  	[timem:s3], [sflag:s2] =	dma.local @!p0 [hbm:s0], s1  }
0x64: {  	s0 =	simm.s32 @!p0 $0x5  }
0x65: {  	_ =	swait.ge @!p0 [sflag:s0], s1  }
0x66: {  	s1 =	ssub.s32 @!p0 $0x0, s1;
	[sflag:s0] =	ssyncset.done @!p0 $0x0  }
0x67: {  	[sflag:s0] =	ssyncadd.s32 @!p0 s1  }
0x68: {  	[bflag:$0x3] =	sbarrier.arrive $0xFFFF  }
0x69: {  	_ =	shalt  }

</sc_bundles>
